<compile_context>
chip_gen: v7x
topology: tpu7x:2x2x1
jax: 0.10.2.dev20260603
libtpu: 0.0.44.dev20260713+nightly
codegen_flags: <defaults>
</compile_context>

<pallas_src>
import functools

import jax
import jax.numpy as jnp
from jax import lax
from jax.experimental import pallas as pl
from jax.experimental.pallas import tpu as pltpu
from jax.experimental.pallas import tpu_sc as plsc

N = 10000
E = 160000
NS = 16
NC = 2
EDGES_PER_SUB = E // NS
RC = 80
EC = 50
DRA = 5
RCH = EDGES_PER_SUB // (EC * DRA)
BR = 1000
GI = N // BR

_mesh = plsc.VectorSubcoreMesh(core_axis_name="c", subcore_axis_name="s")


def _sc_aggregate(g, src2, dst):

    srcr = src2.reshape(NC * NS * DRA, RCH, EC)
    dstr = dst.reshape(NS * DRA, RCH, EC)

    @functools.partial(
        pl.kernel,
        out_type=jax.ShapeDtypeStruct((2 * N, 128), jnp.float32),
        mesh=_mesh,
        scratch_types=[
            pltpu.VMEM((RCH, EC), jnp.int32),
            pltpu.VMEM((RCH, EC), jnp.int32),
            pltpu.VMEM((EC, 128), jnp.float32),
            pltpu.VMEM((EC, 128), jnp.float32),
            pltpu.VMEM((EC, 128), jnp.float32),
            pltpu.VMEM((EC, 128), jnp.float32),
            pltpu.VMEM_SHARED((N, 128), jnp.float32),
            pltpu.SemaphoreType.DMA,
            pltpu.SemaphoreType.DMA,
            pltpu.SemaphoreType.DMA,
            pltpu.SemaphoreType.DMA,
            pltpu.SemaphoreType.DMA,
            pltpu.SemaphoreType.DMA,
            pltpu.SemaphoreType.DMA,
            pltpu.SemaphoreType.DMA,
        ],
    )
    def k(g_hbm, src_hbm, dst_hbm, out_hbm, sidx, didx, r0_, r1_, r2_, r3_,
          acc_sh, g0, g1, g2, g3, s0, s1, s2, s3):
        cid = lax.axis_index("c")
        sid = lax.axis_index("s")
        bufs = ((r0_, g0, s0), (r1_, g1, s1), (r2_, g2, s2), (r3_, g3, s3))

        @pl.loop(sid * RC, N, step=NS * RC)
        def _(r0):
            pltpu.sync_copy(g_hbm.at[pl.ds(cid * N + r0, RC)],
                            acc_sh.at[pl.ds(r0, RC)])

        plsc.subcore_barrier()

        def gstart(j, rows, sem):
            pltpu.async_copy(g_hbm.at[sidx.at[j]], rows, sem)

        def gwait(j, rows, sem):
            pltpu.make_async_copy(g_hbm.at[sidx.at[j]], rows, sem).wait()

        def sstart(j, rows, sem):
            pltpu.async_copy(rows, acc_sh.at[didx.at[j]], sem, add=True)

        def swait(j, rows, sem):
            pltpu.make_async_copy(rows, acc_sh.at[didx.at[j]], sem).wait()

        @pl.loop(0, DRA)
        def _(r):
            pltpu.sync_copy(src_hbm.at[(cid * NS + sid) * DRA + r], sidx)
            pltpu.sync_copy(dst_hbm.at[sid * DRA + r], didx)
            for k in range(4):
                gstart(k, bufs[k][0], bufs[k][1])

            @pl.loop(0, RCH - 4, step=4)
            def _(j):
                for k in range(4):
                    gwait(j + k, bufs[k][0], bufs[k][1])
                    sstart(j + k, bufs[k][0], bufs[k][2])
                for k in range(4):
                    swait(j + k, bufs[k][0], bufs[k][2])
                    gstart(j + 4 + k, bufs[k][0], bufs[k][1])

            jt = RCH - 4
            for k in range(4):
                gwait(jt + k, bufs[k][0], bufs[k][1])
                sstart(jt + k, bufs[k][0], bufs[k][2])
            for k in range(4):
                swait(jt + k, bufs[k][0], bufs[k][2])

        plsc.subcore_barrier()

        @pl.loop(sid * RC, N, step=NS * RC)
        def _(r0):
            pltpu.sync_copy(acc_sh.at[pl.ds(r0, RC)],
                            out_hbm.at[pl.ds(cid * N + r0, RC)])

    return k(g, srcr, dstr)


def _tc1_body(x_ref, w1_ref, p_ref, g_ref):
    dinv = lax.rsqrt(p_ref[:, 0:1])
    h = lax.dot_general(x_ref[...], w1_ref[...], (((1,), (0,)), ((), ())),
                        preferred_element_type=jnp.float32)
    g_ref[...] = h * dinv


def _tc1(x, W1, degp):
    return pl.pallas_call(
        _tc1_body,
        grid=(GI, 2),
        in_specs=[
            pl.BlockSpec((BR, 512), lambda i, c: (i, 0)),
            pl.BlockSpec((512, 128), lambda i, c: (0, c)),
            pl.BlockSpec((BR, 128), lambda i, c: (i, 0)),
        ],
        out_specs=pl.BlockSpec((BR, 128), lambda i, c: (c * GI + i, 0)),
        out_shape=jax.ShapeDtypeStruct((2 * N, 128), jnp.float32),
    )(x, W1, degp)


def _tc2_body(alo_ref, ahi_ref, p_ref, w2a_ref, w2b_ref, blo_ref, bhi_ref,
              g2_ref):
    dinv = lax.rsqrt(p_ref[:, 0:1])
    a0 = jnp.maximum(alo_ref[...] * dinv + blo_ref[0], 0.0)
    a1 = jnp.maximum(ahi_ref[...] * dinv + bhi_ref[0], 0.0)
    h2 = (lax.dot_general(a0, w2a_ref[...], (((1,), (0,)), ((), ())),
                          preferred_element_type=jnp.float32)
          + lax.dot_general(a1, w2b_ref[...], (((1,), (0,)), ((), ())),
                            preferred_element_type=jnp.float32))
    g2_ref[...] = h2 * dinv


def _tc2(acc1, degp, b1, W2):
    b1r = b1.reshape(2, 1, 128)
    return pl.pallas_call(
        _tc2_body,
        grid=(GI, 2),
        in_specs=[
            pl.BlockSpec((BR, 128), lambda i, c: (i, 0)),
            pl.BlockSpec((BR, 128), lambda i, c: (i + GI, 0)),
            pl.BlockSpec((BR, 128), lambda i, c: (i, 0)),
            pl.BlockSpec((128, 128), lambda i, c: (0, c)),
            pl.BlockSpec((128, 128), lambda i, c: (1, c)),
            pl.BlockSpec((1, 1, 128), lambda i, c: (0, 0, 0)),
            pl.BlockSpec((1, 1, 128), lambda i, c: (1, 0, 0)),
        ],
        out_specs=pl.BlockSpec((BR, 128), lambda i, c: (c * GI + i, 0)),
        out_shape=jax.ShapeDtypeStruct((2 * N, 128), jnp.float32),
    )(acc1, acc1, degp, W2, W2, b1r, b1r)


def _tc3_body(acc_ref, p_ref, b_ref, out_ref):
    dinv = lax.rsqrt(p_ref[:, 0:1])
    out_ref[...] = jnp.maximum(acc_ref[...] * dinv + b_ref[0], 0.0)


def _tc3(acc2, degp, b2):
    b2r = b2.reshape(2, 1, 128)
    return pl.pallas_call(
        _tc3_body,
        grid=(GI, 2),
        in_specs=[
            pl.BlockSpec((BR, 128), lambda i, c: (c * GI + i, 0)),
            pl.BlockSpec((BR, 128), lambda i, c: (i, 0)),
            pl.BlockSpec((1, 1, 128), lambda i, c: (c, 0, 0)),
        ],
        out_specs=pl.BlockSpec((BR, 128), lambda i, c: (i, c)),
        out_shape=jax.ShapeDtypeStruct((N, 256), jnp.float32),
    )(acc2, degp, b2r)


def kernel(x, edge_index, W1, b1, W2, b2):
    src = edge_index[0]
    dst = edge_index[1]
    src2 = jnp.concatenate([src, src + N])

    degp = _sc_aggregate(jnp.ones((2 * N, 128), jnp.float32), src2, dst)
    g1 = _tc1(x, W1, degp)
    acc1 = _sc_aggregate(g1, src2, dst)
    g2 = _tc2(acc1, degp, b1, W2)
    acc2 = _sc_aggregate(g2, src2, dst)
    return _tc3(acc2, degp, b2)

# --- scband reference (transcript-rebuilt; emitter-appended) ---
"""Pipeline reference for scband-attribute-reconstruction-32693291057235 (READ-ONLY COPY).

The authoritative reference and input builder live on the scoring server;
editing this copy changes nothing except your own understanding.
"""

import jax, jax.numpy as jnp
import numpy as np

N_NODES = 10000
N_EDGES = 160000
NHID = 512
NFEAT = 256


def gcn_conv(x, edge_index, W, b):
    # Faithful GCNConv: linear transform, add self-loops, symmetric normalization,
    # scatter-add aggregation over destination nodes, then bias.
    num_nodes = x.shape[0]
    h = x @ W
    loop = jnp.arange(num_nodes, dtype=edge_index.dtype)
    src = jnp.concatenate([edge_index[0], loop])
    dst = jnp.concatenate([edge_index[1], loop])
    deg = jax.ops.segment_sum(jnp.ones_like(dst, dtype=h.dtype), dst, num_segments=num_nodes)
    dinv = jnp.where(deg > 0, jax.lax.rsqrt(deg), jnp.zeros_like(deg))
    norm = dinv[src] * dinv[dst]
    msg = h[src] * norm[:, None]
    out = jax.ops.segment_sum(msg, dst, num_segments=num_nodes)
    return out + b


def setup_inputs(seed: int = 0) -> dict:
    key = jax.random.key(seed)
    k1, k2, k3, k4, k5, k6 = jax.random.split(key, 6)
    x = jax.random.normal(k1, (N_NODES, NHID), dtype=jnp.float32)
    edge_index = jax.random.randint(k2, (2, N_EDGES), 0, N_NODES, dtype=jnp.int32)
    # Glorot-style init for GCN weights, zeros for bias (PyG default)
    W1 = jax.random.normal(k3, (NHID, NFEAT), dtype=jnp.float32) * (1.0 / np.sqrt(NHID))
    b1 = jnp.zeros((NFEAT,), dtype=jnp.float32)
    W2 = jax.random.normal(k4, (NFEAT, NFEAT), dtype=jnp.float32) * (1.0 / np.sqrt(NFEAT))
    b2 = jnp.zeros((NFEAT,), dtype=jnp.float32)
    return {"x": x, "edge_index": edge_index, "W1": W1, "b1": b1, "W2": W2, "b2": b2}


def reference(x, edge_index, W1, b1, W2, b2):
    # gc1: GCNConv(nhid -> nfeat), relu, dropout(eval: identity)
    h = jax.nn.relu(gcn_conv(x, edge_index, W1, b1))
    # gc2: GCNConv(nfeat -> nfeat), relu, dropout(eval: identity)
    out = jax.nn.relu(gcn_conv(h, edge_index, W2, b2))
    return out

if __name__ == "__main__":
    import jax
    _d = setup_inputs()
    print(jax.jit(kernel)(*tuple(_d.values())))

</pallas_src>

<mosaic_0001>
#map = affine_map<(d0, d1) -> (0, 0)>
#map1 = affine_map<(d0, d1) -> (0, 0, 0)>
module attributes {stable_mosaic.version = 14 : i64} {
  func.func @k(%arg0: i32, %arg1: i32, %arg2: memref<20000x128xf32, #tpu.memory_space<hbm>>, %arg3: memref<160x40x50xi32, #tpu.memory_space<hbm>>, %arg4: memref<80x40x50xi32, #tpu.memory_space<hbm>>, %arg5: memref<20000x128xf32, #tpu.memory_space<hbm>>, %arg6: memref<40x50xi32, #tpu.memory_space<vmem>>, %arg7: memref<40x50xi32, #tpu.memory_space<vmem>>, %arg8: memref<50x128xf32, #tpu.memory_space<vmem>>, %arg9: memref<50x128xf32, #tpu.memory_space<vmem>>, %arg10: memref<50x128xf32, #tpu.memory_space<vmem>>, %arg11: memref<50x128xf32, #tpu.memory_space<vmem>>, %arg12: memref<10000x128xf32, #tpu.memory_space<vmem_shared>>, %arg13: memref<!tpu.dma_semaphore, #tpu.memory_space<semaphore_mem>>, %arg14: memref<!tpu.dma_semaphore, #tpu.memory_space<semaphore_mem>>, %arg15: memref<!tpu.dma_semaphore, #tpu.memory_space<semaphore_mem>>, %arg16: memref<!tpu.dma_semaphore, #tpu.memory_space<semaphore_mem>>, %arg17: memref<!tpu.dma_semaphore, #tpu.memory_space<semaphore_mem>>, %arg18: memref<!tpu.dma_semaphore, #tpu.memory_space<semaphore_mem>>, %arg19: memref<!tpu.dma_semaphore, #tpu.memory_space<semaphore_mem>>, %arg20: memref<!tpu.dma_semaphore, #tpu.memory_space<semaphore_mem>>) attributes {dimension_semantics = [#tpu.dimension_semantics<core_parallel>, #tpu.dimension_semantics<subcore_parallel>], iteration_bounds = array<i64: 2, 16>, scalar_prefetch = 0 : i64, scratch_operands = 15 : i64, tpu.core_type = #tpu.core_type<sc_vector_subcore>, window_params = [{transform_indices = #map}, {transform_indices = #map1}, {transform_indices = #map1}, {transform_indices = #map}]} {
    %mul3A = arith.constant 80 : i32
    %mul3A_0 = arith.muli %arg1, %mul3A : i32
    %sub3A = arith.constant 10000 : i32
    %sub3A_1 = arith.subi %sub3A, %mul3A_0 : i32
    %sub3A_2 = arith.constant 1280 : i32
    %sub3A_3 = arith.constant 1 : i32
    %sub3A_4 = arith.subi %sub3A_2, %sub3A_3 : i32
    %add3A = arith.addi %sub3A_1, %sub3A_4 : i32
    %div3A = arith.constant 1280 : i32
    %div3A_5 = arith.divsi %add3A, %div3A : i32
    %while3A = arith.constant 1280 : i32
    %while3A_6 = arith.constant 0 : i32
    %while3A_7 = arith.subi %div3A_5, %while3A_6 : i32
    %while3A_8 = arith.addi %while3A_6, %while3A_7 : i32
    %while3A_9 = arith.constant 1 : i32
    %while3A_10 = arith.divsi %while3A_7, %while3A_9 : i32
    %while3A_11 = arith.muli %while3A_10, %while3A_9 : i32
    %while3A_12 = arith.addi %while3A_6, %while3A_11 : i32
    %while3A_13 = arith.constant 1 : i32
    scf.for %while3A_40 = %while3A_6 to %while3A_12 step %while3A_13  : i32 {
      %mul3A_41 = arith.muli %while3A_40, %while3A : i32
      %add3A_42 = arith.addi %mul3A_0, %mul3A_41 : i32
      %mul3A_43 = arith.constant 10000 : i32
      %mul3A_44 = arith.muli %arg0, %mul3A_43 : i32
      %add3A_45 = arith.addi %mul3A_44, %add3A_42 : i32
      "tpu.region"() ({
        %run_scoped3A = tpu.sem_alloc : memref<!tpu.dma_semaphore, #tpu.memory_space<semaphore_mem>>
        %dma_start3A = arith.constant 0 : i32
        %dma_start3A_46 = tpu.memref_slice %arg12[%add3A_42, %dma_start3A] : memref<10000x128xf32, #tpu.memory_space<vmem_shared>> -> memref<80x128xf32, #tpu.memory_space<vmem_shared>>
        %dma_start3A_47 = arith.constant 0 : i32
        %dma_start3A_48 = tpu.memref_slice %arg2[%add3A_45, %dma_start3A_47] : memref<20000x128xf32, #tpu.memory_space<hbm>> -> memref<80x128xf32, #tpu.memory_space<hbm>>
        tpu.enqueue_dma source(%dma_start3A_48 : memref<80x128xf32, #tpu.memory_space<hbm>>) target(%dma_start3A_46 : memref<80x128xf32, #tpu.memory_space<vmem_shared>>) target_semaphore(%run_scoped3A : memref<!tpu.dma_semaphore, #tpu.memory_space<semaphore_mem>>)
        %dma_wait3A = arith.constant 0 : i32
        %dma_wait3A_49 = tpu.memref_slice %arg12[%add3A_42, %dma_wait3A] : memref<10000x128xf32, #tpu.memory_space<vmem_shared>> -> memref<80x128xf32, #tpu.memory_space<vmem_shared>>
        %dma_wait3A_50 = arith.constant 0 : i32
        %dma_wait3A_51 = tpu.memref_slice %arg2[%add3A_45, %dma_wait3A_50] : memref<20000x128xf32, #tpu.memory_space<hbm>> -> memref<80x128xf32, #tpu.memory_space<hbm>>
        tpu.wait_dma2 semaphore(%run_scoped3A : memref<!tpu.dma_semaphore, #tpu.memory_space<semaphore_mem>>) src(%dma_wait3A_51 : memref<80x128xf32, #tpu.memory_space<hbm>>) dst(%dma_wait3A_49 : memref<80x128xf32, #tpu.memory_space<vmem_shared>>)
        tpu.yield
      }) : () -> ()
    }
    %while3A_14 = arith.constant 1 : i32
    scf.for %while3A_40 = %while3A_12 to %while3A_8 step %while3A_14  : i32 {
      %mul3A_41 = arith.muli %while3A_40, %while3A : i32
      %add3A_42 = arith.addi %mul3A_0, %mul3A_41 : i32
      %mul3A_43 = arith.constant 10000 : i32
      %mul3A_44 = arith.muli %arg0, %mul3A_43 : i32
      %add3A_45 = arith.addi %mul3A_44, %add3A_42 : i32
      "tpu.region"() ({
        %run_scoped3A = tpu.sem_alloc : memref<!tpu.dma_semaphore, #tpu.memory_space<semaphore_mem>>
        %dma_start3A = arith.constant 0 : i32
        %dma_start3A_46 = tpu.memref_slice %arg12[%add3A_42, %dma_start3A] : memref<10000x128xf32, #tpu.memory_space<vmem_shared>> -> memref<80x128xf32, #tpu.memory_space<vmem_shared>>
        %dma_start3A_47 = arith.constant 0 : i32
        %dma_start3A_48 = tpu.memref_slice %arg2[%add3A_45, %dma_start3A_47] : memref<20000x128xf32, #tpu.memory_space<hbm>> -> memref<80x128xf32, #tpu.memory_space<hbm>>
        tpu.enqueue_dma source(%dma_start3A_48 : memref<80x128xf32, #tpu.memory_space<hbm>>) target(%dma_start3A_46 : memref<80x128xf32, #tpu.memory_space<vmem_shared>>) target_semaphore(%run_scoped3A : memref<!tpu.dma_semaphore, #tpu.memory_space<semaphore_mem>>)
        %dma_wait3A = arith.constant 0 : i32
        %dma_wait3A_49 = tpu.memref_slice %arg12[%add3A_42, %dma_wait3A] : memref<10000x128xf32, #tpu.memory_space<vmem_shared>> -> memref<80x128xf32, #tpu.memory_space<vmem_shared>>
        %dma_wait3A_50 = arith.constant 0 : i32
        %dma_wait3A_51 = tpu.memref_slice %arg2[%add3A_45, %dma_wait3A_50] : memref<20000x128xf32, #tpu.memory_space<hbm>> -> memref<80x128xf32, #tpu.memory_space<hbm>>
        tpu.wait_dma2 semaphore(%run_scoped3A : memref<!tpu.dma_semaphore, #tpu.memory_space<semaphore_mem>>) src(%dma_wait3A_51 : memref<80x128xf32, #tpu.memory_space<hbm>>) dst(%dma_wait3A_49 : memref<80x128xf32, #tpu.memory_space<vmem_shared>>)
        tpu.yield
      }) : () -> ()
    }
    %barrier3A = arith.constant 0 : index
    tpu.barrier barrier_id(%barrier3A)
    %scan3A = arith.constant 0 : i32
    %scan3A_15 = arith.constant 5 : i32
    %scan3A_16 = arith.addi %scan3A, %scan3A_15 : i32
    %scan3A_17 = arith.constant 1 : i32
    scf.for %scan3A_40 = %scan3A to %scan3A_16 step %scan3A_17  : i32 {
      %mul3A_41 = arith.constant 1 : i32
      %mul3A_42 = arith.muli %scan3A_40, %mul3A_41 : i32
      %add3A_43 = arith.constant 0 : i32
      %add3A_44 = arith.addi %add3A_43, %mul3A_42 : i32
      %mul3A_45 = arith.constant 16 : i32
      %mul3A_46 = arith.muli %arg0, %mul3A_45 : i32
      %add3A_47 = arith.addi %mul3A_46, %arg1 : i32
      %mul3A_48 = arith.constant 5 : i32
      %mul3A_49 = arith.muli %add3A_47, %mul3A_48 : i32
      %add3A_50 = arith.addi %mul3A_49, %add3A_44 : i32
      "tpu.region"() ({
        %run_scoped3A = tpu.sem_alloc : memref<!tpu.dma_semaphore, #tpu.memory_space<semaphore_mem>>
        %dma_start3A_169 = arith.constant 0 : i32
        %dma_start3A_170 = arith.constant 0 : i32
        %dma_start3A_171 = tpu.memref_slice %arg3[%add3A_50, %dma_start3A_169, %dma_start3A_170] : memref<160x40x50xi32, #tpu.memory_space<hbm>> -> memref<1x40x50xi32, #tpu.memory_space<hbm>>
        %dma_start3A_172 = tpu.memref_squeeze %dma_start3A_171 : memref<1x40x50xi32, #tpu.memory_space<hbm>> -> memref<40x50xi32, #tpu.memory_space<hbm>>
        %dma_start3A_173 = arith.constant 0 : i32
        %dma_start3A_174 = arith.constant 0 : i32
        %dma_start3A_175 = tpu.memref_slice %arg3[%add3A_50, %dma_start3A_173, %dma_start3A_174] : memref<160x40x50xi32, #tpu.memory_space<hbm>> -> memref<1x40x50xi32, #tpu.memory_space<hbm>>
        %dma_start3A_176 = tpu.memref_squeeze %dma_start3A_175 : memref<1x40x50xi32, #tpu.memory_space<hbm>> -> memref<40x50xi32, #tpu.memory_space<hbm>>
        tpu.enqueue_dma source(%dma_start3A_176 : memref<40x50xi32, #tpu.memory_space<hbm>>) target(%arg6 : memref<40x50xi32, #tpu.memory_space<vmem>>) target_semaphore(%run_scoped3A : memref<!tpu.dma_semaphore, #tpu.memory_space<semaphore_mem>>)
        %dma_wait3A_177 = arith.constant 0 : i32
        %dma_wait3A_178 = arith.constant 0 : i32
        %dma_wait3A_179 = tpu.memref_slice %arg3[%add3A_50, %dma_wait3A_177, %dma_wait3A_178] : memref<160x40x50xi32, #tpu.memory_space<hbm>> -> memref<1x40x50xi32, #tpu.memory_space<hbm>>
        %dma_wait3A_180 = tpu.memref_squeeze %dma_wait3A_179 : memref<1x40x50xi32, #tpu.memory_space<hbm>> -> memref<40x50xi32, #tpu.memory_space<hbm>>
        %dma_wait3A_181 = arith.constant 0 : i32
        %dma_wait3A_182 = arith.constant 0 : i32
        %dma_wait3A_183 = tpu.memref_slice %arg3[%add3A_50, %dma_wait3A_181, %dma_wait3A_182] : memref<160x40x50xi32, #tpu.memory_space<hbm>> -> memref<1x40x50xi32, #tpu.memory_space<hbm>>
        %dma_wait3A_184 = tpu.memref_squeeze %dma_wait3A_183 : memref<1x40x50xi32, #tpu.memory_space<hbm>> -> memref<40x50xi32, #tpu.memory_space<hbm>>
        tpu.wait_dma2 semaphore(%run_scoped3A : memref<!tpu.dma_semaphore, #tpu.memory_space<semaphore_mem>>) src(%dma_wait3A_184 : memref<40x50xi32, #tpu.memory_space<hbm>>) dst(%arg6 : memref<40x50xi32, #tpu.memory_space<vmem>>)
        tpu.yield
      }) : () -> ()
      %mul3A_51 = arith.constant 5 : i32
      %mul3A_52 = arith.muli %arg1, %mul3A_51 : i32
      %add3A_53 = arith.addi %mul3A_52, %add3A_44 : i32
      "tpu.region"() ({
        %run_scoped3A = tpu.sem_alloc : memref<!tpu.dma_semaphore, #tpu.memory_space<semaphore_mem>>
        %dma_start3A_169 = arith.constant 0 : i32
        %dma_start3A_170 = arith.constant 0 : i32
        %dma_start3A_171 = tpu.memref_slice %arg4[%add3A_53, %dma_start3A_169, %dma_start3A_170] : memref<80x40x50xi32, #tpu.memory_space<hbm>> -> memref<1x40x50xi32, #tpu.memory_space<hbm>>
        %dma_start3A_172 = tpu.memref_squeeze %dma_start3A_171 : memref<1x40x50xi32, #tpu.memory_space<hbm>> -> memref<40x50xi32, #tpu.memory_space<hbm>>
        %dma_start3A_173 = arith.constant 0 : i32
        %dma_start3A_174 = arith.constant 0 : i32
        %dma_start3A_175 = tpu.memref_slice %arg4[%add3A_53, %dma_start3A_173, %dma_start3A_174] : memref<80x40x50xi32, #tpu.memory_space<hbm>> -> memref<1x40x50xi32, #tpu.memory_space<hbm>>
        %dma_start3A_176 = tpu.memref_squeeze %dma_start3A_175 : memref<1x40x50xi32, #tpu.memory_space<hbm>> -> memref<40x50xi32, #tpu.memory_space<hbm>>
        tpu.enqueue_dma source(%dma_start3A_176 : memref<40x50xi32, #tpu.memory_space<hbm>>) target(%arg7 : memref<40x50xi32, #tpu.memory_space<vmem>>) target_semaphore(%run_scoped3A : memref<!tpu.dma_semaphore, #tpu.memory_space<semaphore_mem>>)
        %dma_wait3A_177 = arith.constant 0 : i32
        %dma_wait3A_178 = arith.constant 0 : i32
        %dma_wait3A_179 = tpu.memref_slice %arg4[%add3A_53, %dma_wait3A_177, %dma_wait3A_178] : memref<80x40x50xi32, #tpu.memory_space<hbm>> -> memref<1x40x50xi32, #tpu.memory_space<hbm>>
        %dma_wait3A_180 = tpu.memref_squeeze %dma_wait3A_179 : memref<1x40x50xi32, #tpu.memory_space<hbm>> -> memref<40x50xi32, #tpu.memory_space<hbm>>
        %dma_wait3A_181 = arith.constant 0 : i32
        %dma_wait3A_182 = arith.constant 0 : i32
        %dma_wait3A_183 = tpu.memref_slice %arg4[%add3A_53, %dma_wait3A_181, %dma_wait3A_182] : memref<80x40x50xi32, #tpu.memory_space<hbm>> -> memref<1x40x50xi32, #tpu.memory_space<hbm>>
        %dma_wait3A_184 = tpu.memref_squeeze %dma_wait3A_183 : memref<1x40x50xi32, #tpu.memory_space<hbm>> -> memref<40x50xi32, #tpu.memory_space<hbm>>
        tpu.wait_dma2 semaphore(%run_scoped3A : memref<!tpu.dma_semaphore, #tpu.memory_space<semaphore_mem>>) src(%dma_wait3A_184 : memref<40x50xi32, #tpu.memory_space<hbm>>) dst(%arg7 : memref<40x50xi32, #tpu.memory_space<vmem>>)
        tpu.yield
      }) : () -> ()
      %dma_start3A = arith.constant 0 : i32
      %dma_start3A_54 = arith.constant 0 : i32
      %dma_start3A_55 = tpu.memref_slice %arg6[%dma_start3A, %dma_start3A_54] : memref<40x50xi32, #tpu.memory_space<vmem>> -> memref<1x50xi32, #tpu.memory_space<vmem>>
      %dma_start3A_56 = tpu.memref_squeeze %dma_start3A_55 : memref<1x50xi32, #tpu.memory_space<vmem>> -> memref<50xi32, #tpu.memory_space<vmem>>
      %dma_start3A_57 = arith.constant 0 : i32
      %dma_start3A_58 = arith.constant 0 : i32
      %dma_start3A_59 = tpu.memref_slice %arg2[%dma_start3A_57, %dma_start3A_58] : memref<20000x128xf32, #tpu.memory_space<hbm>> -> memref<20000x128xf32, #tpu.memory_space<hbm>>
      tpu.enqueue_indirect_dma source(%dma_start3A_59 : memref<20000x128xf32, #tpu.memory_space<hbm>>) target(%arg8 : memref<50x128xf32, #tpu.memory_space<vmem>>) offsets(%dma_start3A_56 : memref<50xi32, #tpu.memory_space<vmem>>) semaphore(%arg13 : memref<!tpu.dma_semaphore, #tpu.memory_space<semaphore_mem>>)
      %dma_start3A_60 = arith.constant 1 : i32
      %dma_start3A_61 = arith.constant 0 : i32
      %dma_start3A_62 = tpu.memref_slice %arg6[%dma_start3A_60, %dma_start3A_61] : memref<40x50xi32, #tpu.memory_space<vmem>> -> memref<1x50xi32, #tpu.memory_space<vmem>>
      %dma_start3A_63 = tpu.memref_squeeze %dma_start3A_62 : memref<1x50xi32, #tpu.memory_space<vmem>> -> memref<50xi32, #tpu.memory_space<vmem>>
      %dma_start3A_64 = arith.constant 0 : i32
      %dma_start3A_65 = arith.constant 0 : i32
      %dma_start3A_66 = tpu.memref_slice %arg2[%dma_start3A_64, %dma_start3A_65] : memref<20000x128xf32, #tpu.memory_space<hbm>> -> memref<20000x128xf32, #tpu.memory_space<hbm>>
      tpu.enqueue_indirect_dma source(%dma_start3A_66 : memref<20000x128xf32, #tpu.memory_space<hbm>>) target(%arg9 : memref<50x128xf32, #tpu.memory_space<vmem>>) offsets(%dma_start3A_63 : memref<50xi32, #tpu.memory_space<vmem>>) semaphore(%arg14 : memref<!tpu.dma_semaphore, #tpu.memory_space<semaphore_mem>>)
      %dma_start3A_67 = arith.constant 2 : i32
      %dma_start3A_68 = arith.constant 0 : i32
      %dma_start3A_69 = tpu.memref_slice %arg6[%dma_start3A_67, %dma_start3A_68] : memref<40x50xi32, #tpu.memory_space<vmem>> -> memref<1x50xi32, #tpu.memory_space<vmem>>
      %dma_start3A_70 = tpu.memref_squeeze %dma_start3A_69 : memref<1x50xi32, #tpu.memory_space<vmem>> -> memref<50xi32, #tpu.memory_space<vmem>>
      %dma_start3A_71 = arith.constant 0 : i32
      %dma_start3A_72 = arith.constant 0 : i32
      %dma_start3A_73 = tpu.memref_slice %arg2[%dma_start3A_71, %dma_start3A_72] : memref<20000x128xf32, #tpu.memory_space<hbm>> -> memref<20000x128xf32, #tpu.memory_space<hbm>>
      tpu.enqueue_indirect_dma source(%dma_start3A_73 : memref<20000x128xf32, #tpu.memory_space<hbm>>) target(%arg10 : memref<50x128xf32, #tpu.memory_space<vmem>>) offsets(%dma_start3A_70 : memref<50xi32, #tpu.memory_space<vmem>>) semaphore(%arg15 : memref<!tpu.dma_semaphore, #tpu.memory_space<semaphore_mem>>)
      %dma_start3A_74 = arith.constant 3 : i32
      %dma_start3A_75 = arith.constant 0 : i32
      %dma_start3A_76 = tpu.memref_slice %arg6[%dma_start3A_74, %dma_start3A_75] : memref<40x50xi32, #tpu.memory_space<vmem>> -> memref<1x50xi32, #tpu.memory_space<vmem>>
      %dma_start3A_77 = tpu.memref_squeeze %dma_start3A_76 : memref<1x50xi32, #tpu.memory_space<vmem>> -> memref<50xi32, #tpu.memory_space<vmem>>
      %dma_start3A_78 = arith.constant 0 : i32
      %dma_start3A_79 = arith.constant 0 : i32
      %dma_start3A_80 = tpu.memref_slice %arg2[%dma_start3A_78, %dma_start3A_79] : memref<20000x128xf32, #tpu.memory_space<hbm>> -> memref<20000x128xf32, #tpu.memory_space<hbm>>
      tpu.enqueue_indirect_dma source(%dma_start3A_80 : memref<20000x128xf32, #tpu.memory_space<hbm>>) target(%arg11 : memref<50x128xf32, #tpu.memory_space<vmem>>) offsets(%dma_start3A_77 : memref<50xi32, #tpu.memory_space<vmem>>) semaphore(%arg16 : memref<!tpu.dma_semaphore, #tpu.memory_space<semaphore_mem>>)
      %scan3A_81 = arith.constant 0 : i32
      %scan3A_82 = arith.constant 9 : i32
      %scan3A_83 = arith.addi %scan3A_81, %scan3A_82 : i32
      %scan3A_84 = arith.constant 1 : i32
      scf.for %scan3A_169 = %scan3A_81 to %scan3A_83 step %scan3A_84  : i32 {
        %mul3A_170 = arith.constant 4 : i32
        %mul3A_171 = arith.muli %scan3A_169, %mul3A_170 : i32
        %add3A_172 = arith.constant 0 : i32
        %add3A_173 = arith.addi %add3A_172, %mul3A_171 : i32
        %add3A_174 = arith.constant 0 : i32
        %add3A_175 = arith.addi %add3A_173, %add3A_174 : i32
        %dma_wait3A_176 = arith.constant 0 : i32
        %dma_wait3A_177 = tpu.memref_slice %arg6[%add3A_175, %dma_wait3A_176] : memref<40x50xi32, #tpu.memory_space<vmem>> -> memref<1x50xi32, #tpu.memory_space<vmem>>
        %dma_wait3A_178 = tpu.memref_squeeze %dma_wait3A_177 : memref<1x50xi32, #tpu.memory_space<vmem>> -> memref<50xi32, #tpu.memory_space<vmem>>
        %dma_wait3A_179 = arith.constant 0 : i32
        %dma_wait3A_180 = arith.constant 0 : i32
        %dma_wait3A_181 = tpu.memref_slice %arg2[%dma_wait3A_179, %dma_wait3A_180] : memref<20000x128xf32, #tpu.memory_space<hbm>> -> memref<20000x128xf32, #tpu.memory_space<hbm>>
        tpu.wait_indirect_dma semaphore(%arg13 : memref<!tpu.dma_semaphore, #tpu.memory_space<semaphore_mem>>) src(%dma_wait3A_181 : memref<20000x128xf32, #tpu.memory_space<hbm>>) dst(%arg8 : memref<50x128xf32, #tpu.memory_space<vmem>>)
        %add3A_182 = arith.constant 0 : i32
        %add3A_183 = arith.addi %add3A_173, %add3A_182 : i32
        %dma_start3A_184 = arith.constant 0 : i32
        %dma_start3A_185 = tpu.memref_slice %arg7[%add3A_183, %dma_start3A_184] : memref<40x50xi32, #tpu.memory_space<vmem>> -> memref<1x50xi32, #tpu.memory_space<vmem>>
        %dma_start3A_186 = tpu.memref_squeeze %dma_start3A_185 : memref<1x50xi32, #tpu.memory_space<vmem>> -> memref<50xi32, #tpu.memory_space<vmem>>
        %dma_start3A_187 = arith.constant 0 : i32
        %dma_start3A_188 = arith.constant 0 : i32
        %dma_start3A_189 = tpu.memref_slice %arg12[%dma_start3A_187, %dma_start3A_188] : memref<10000x128xf32, #tpu.memory_space<vmem_shared>> -> memref<10000x128xf32, #tpu.memory_space<vmem_shared>>
        tpu.enqueue_indirect_dma source(%arg8 : memref<50x128xf32, #tpu.memory_space<vmem>>) target(%dma_start3A_189 : memref<10000x128xf32, #tpu.memory_space<vmem_shared>>) offsets(%dma_start3A_186 : memref<50xi32, #tpu.memory_space<vmem>>) semaphore(%arg17 : memref<!tpu.dma_semaphore, #tpu.memory_space<semaphore_mem>>) {add = true}
        %add3A_190 = arith.constant 1 : i32
        %add3A_191 = arith.addi %add3A_173, %add3A_190 : i32
        %dma_wait3A_192 = arith.constant 0 : i32
        %dma_wait3A_193 = tpu.memref_slice %arg6[%add3A_191, %dma_wait3A_192] : memref<40x50xi32, #tpu.memory_space<vmem>> -> memref<1x50xi32, #tpu.memory_space<vmem>>
        %dma_wait3A_194 = tpu.memref_squeeze %dma_wait3A_193 : memref<1x50xi32, #tpu.memory_space<vmem>> -> memref<50xi32, #tpu.memory_space<vmem>>
        %dma_wait3A_195 = arith.constant 0 : i32
        %dma_wait3A_196 = arith.constant 0 : i32
        %dma_wait3A_197 = tpu.memref_slice %arg2[%dma_wait3A_195, %dma_wait3A_196] : memref<20000x128xf32, #tpu.memory_space<hbm>> -> memref<20000x128xf32, #tpu.memory_space<hbm>>
        tpu.wait_indirect_dma semaphore(%arg14 : memref<!tpu.dma_semaphore, #tpu.memory_space<semaphore_mem>>) src(%dma_wait3A_197 : memref<20000x128xf32, #tpu.memory_space<hbm>>) dst(%arg9 : memref<50x128xf32, #tpu.memory_space<vmem>>)
        %add3A_198 = arith.constant 1 : i32
        %add3A_199 = arith.addi %add3A_173, %add3A_198 : i32
        %dma_start3A_200 = arith.constant 0 : i32
        %dma_start3A_201 = tpu.memref_slice %arg7[%add3A_199, %dma_start3A_200] : memref<40x50xi32, #tpu.memory_space<vmem>> -> memref<1x50xi32, #tpu.memory_space<vmem>>
        %dma_start3A_202 = tpu.memref_squeeze %dma_start3A_201 : memref<1x50xi32, #tpu.memory_space<vmem>> -> memref<50xi32, #tpu.memory_space<vmem>>
        %dma_start3A_203 = arith.constant 0 : i32
        %dma_start3A_204 = arith.constant 0 : i32
        %dma_start3A_205 = tpu.memref_slice %arg12[%dma_start3A_203, %dma_start3A_204] : memref<10000x128xf32, #tpu.memory_space<vmem_shared>> -> memref<10000x128xf32, #tpu.memory_space<vmem_shared>>
        tpu.enqueue_indirect_dma source(%arg9 : memref<50x128xf32, #tpu.memory_space<vmem>>) target(%dma_start3A_205 : memref<10000x128xf32, #tpu.memory_space<vmem_shared>>) offsets(%dma_start3A_202 : memref<50xi32, #tpu.memory_space<vmem>>) semaphore(%arg18 : memref<!tpu.dma_semaphore, #tpu.memory_space<semaphore_mem>>) {add = true}
        %add3A_206 = arith.constant 2 : i32
        %add3A_207 = arith.addi %add3A_173, %add3A_206 : i32
        %dma_wait3A_208 = arith.constant 0 : i32
        %dma_wait3A_209 = tpu.memref_slice %arg6[%add3A_207, %dma_wait3A_208] : memref<40x50xi32, #tpu.memory_space<vmem>> -> memref<1x50xi32, #tpu.memory_space<vmem>>
        %dma_wait3A_210 = tpu.memref_squeeze %dma_wait3A_209 : memref<1x50xi32, #tpu.memory_space<vmem>> -> memref<50xi32, #tpu.memory_space<vmem>>
        %dma_wait3A_211 = arith.constant 0 : i32
        %dma_wait3A_212 = arith.constant 0 : i32
        %dma_wait3A_213 = tpu.memref_slice %arg2[%dma_wait3A_211, %dma_wait3A_212] : memref<20000x128xf32, #tpu.memory_space<hbm>> -> memref<20000x128xf32, #tpu.memory_space<hbm>>
        tpu.wait_indirect_dma semaphore(%arg15 : memref<!tpu.dma_semaphore, #tpu.memory_space<semaphore_mem>>) src(%dma_wait3A_213 : memref<20000x128xf32, #tpu.memory_space<hbm>>) dst(%arg10 : memref<50x128xf32, #tpu.memory_space<vmem>>)
        %add3A_214 = arith.constant 2 : i32
        %add3A_215 = arith.addi %add3A_173, %add3A_214 : i32
        %dma_start3A_216 = arith.constant 0 : i32
        %dma_start3A_217 = tpu.memref_slice %arg7[%add3A_215, %dma_start3A_216] : memref<40x50xi32, #tpu.memory_space<vmem>> -> memref<1x50xi32, #tpu.memory_space<vmem>>
        %dma_start3A_218 = tpu.memref_squeeze %dma_start3A_217 : memref<1x50xi32, #tpu.memory_space<vmem>> -> memref<50xi32, #tpu.memory_space<vmem>>
        %dma_start3A_219 = arith.constant 0 : i32
        %dma_start3A_220 = arith.constant 0 : i32
        %dma_start3A_221 = tpu.memref_slice %arg12[%dma_start3A_219, %dma_start3A_220] : memref<10000x128xf32, #tpu.memory_space<vmem_shared>> -> memref<10000x128xf32, #tpu.memory_space<vmem_shared>>
        tpu.enqueue_indirect_dma source(%arg10 : memref<50x128xf32, #tpu.memory_space<vmem>>) target(%dma_start3A_221 : memref<10000x128xf32, #tpu.memory_space<vmem_shared>>) offsets(%dma_start3A_218 : memref<50xi32, #tpu.memory_space<vmem>>) semaphore(%arg19 : memref<!tpu.dma_semaphore, #tpu.memory_space<semaphore_mem>>) {add = true}
        %add3A_222 = arith.constant 3 : i32
        %add3A_223 = arith.addi %add3A_173, %add3A_222 : i32
        %dma_wait3A_224 = arith.constant 0 : i32
        %dma_wait3A_225 = tpu.memref_slice %arg6[%add3A_223, %dma_wait3A_224] : memref<40x50xi32, #tpu.memory_space<vmem>> -> memref<1x50xi32, #tpu.memory_space<vmem>>
        %dma_wait3A_226 = tpu.memref_squeeze %dma_wait3A_225 : memref<1x50xi32, #tpu.memory_space<vmem>> -> memref<50xi32, #tpu.memory_space<vmem>>
        %dma_wait3A_227 = arith.constant 0 : i32
        %dma_wait3A_228 = arith.constant 0 : i32
        %dma_wait3A_229 = tpu.memref_slice %arg2[%dma_wait3A_227, %dma_wait3A_228] : memref<20000x128xf32, #tpu.memory_space<hbm>> -> memref<20000x128xf32, #tpu.memory_space<hbm>>
        tpu.wait_indirect_dma semaphore(%arg16 : memref<!tpu.dma_semaphore, #tpu.memory_space<semaphore_mem>>) src(%dma_wait3A_229 : memref<20000x128xf32, #tpu.memory_space<hbm>>) dst(%arg11 : memref<50x128xf32, #tpu.memory_space<vmem>>)
        %add3A_230 = arith.constant 3 : i32
        %add3A_231 = arith.addi %add3A_173, %add3A_230 : i32
        %dma_start3A_232 = arith.constant 0 : i32
        %dma_start3A_233 = tpu.memref_slice %arg7[%add3A_231, %dma_start3A_232] : memref<40x50xi32, #tpu.memory_space<vmem>> -> memref<1x50xi32, #tpu.memory_space<vmem>>
        %dma_start3A_234 = tpu.memref_squeeze %dma_start3A_233 : memref<1x50xi32, #tpu.memory_space<vmem>> -> memref<50xi32, #tpu.memory_space<vmem>>
        %dma_start3A_235 = arith.constant 0 : i32
        %dma_start3A_236 = arith.constant 0 : i32
        %dma_start3A_237 = tpu.memref_slice %arg12[%dma_start3A_235, %dma_start3A_236] : memref<10000x128xf32, #tpu.memory_space<vmem_shared>> -> memref<10000x128xf32, #tpu.memory_space<vmem_shared>>
        tpu.enqueue_indirect_dma source(%arg11 : memref<50x128xf32, #tpu.memory_space<vmem>>) target(%dma_start3A_237 : memref<10000x128xf32, #tpu.memory_space<vmem_shared>>) offsets(%dma_start3A_234 : memref<50xi32, #tpu.memory_space<vmem>>) semaphore(%arg20 : memref<!tpu.dma_semaphore, #tpu.memory_space<semaphore_mem>>) {add = true}
        %add3A_238 = arith.constant 0 : i32
        %add3A_239 = arith.addi %add3A_173, %add3A_238 : i32
        %dma_wait3A_240 = arith.constant 0 : i32
        %dma_wait3A_241 = tpu.memref_slice %arg7[%add3A_239, %dma_wait3A_240] : memref<40x50xi32, #tpu.memory_space<vmem>> -> memref<1x50xi32, #tpu.memory_space<vmem>>
        %dma_wait3A_242 = tpu.memref_squeeze %dma_wait3A_241 : memref<1x50xi32, #tpu.memory_space<vmem>> -> memref<50xi32, #tpu.memory_space<vmem>>
        %dma_wait3A_243 = arith.constant 0 : i32
        %dma_wait3A_244 = arith.constant 0 : i32
        %dma_wait3A_245 = tpu.memref_slice %arg12[%dma_wait3A_243, %dma_wait3A_244] : memref<10000x128xf32, #tpu.memory_space<vmem_shared>> -> memref<10000x128xf32, #tpu.memory_space<vmem_shared>>
        tpu.wait_indirect_dma semaphore(%arg17 : memref<!tpu.dma_semaphore, #tpu.memory_space<semaphore_mem>>) src(%arg8 : memref<50x128xf32, #tpu.memory_space<vmem>>) dst(%dma_wait3A_245 : memref<10000x128xf32, #tpu.memory_space<vmem_shared>>)
        %add3A_246 = arith.constant 4 : i32
        %add3A_247 = arith.addi %add3A_173, %add3A_246 : i32
        %add3A_248 = arith.constant 0 : i32
        %add3A_249 = arith.addi %add3A_247, %add3A_248 : i32
        %dma_start3A_250 = arith.constant 0 : i32
        %dma_start3A_251 = tpu.memref_slice %arg6[%add3A_249, %dma_start3A_250] : memref<40x50xi32, #tpu.memory_space<vmem>> -> memref<1x50xi32, #tpu.memory_space<vmem>>
        %dma_start3A_252 = tpu.memref_squeeze %dma_start3A_251 : memref<1x50xi32, #tpu.memory_space<vmem>> -> memref<50xi32, #tpu.memory_space<vmem>>
        %dma_start3A_253 = arith.constant 0 : i32
        %dma_start3A_254 = arith.constant 0 : i32
        %dma_start3A_255 = tpu.memref_slice %arg2[%dma_start3A_253, %dma_start3A_254] : memref<20000x128xf32, #tpu.memory_space<hbm>> -> memref<20000x128xf32, #tpu.memory_space<hbm>>
        tpu.enqueue_indirect_dma source(%dma_start3A_255 : memref<20000x128xf32, #tpu.memory_space<hbm>>) target(%arg8 : memref<50x128xf32, #tpu.memory_space<vmem>>) offsets(%dma_start3A_252 : memref<50xi32, #tpu.memory_space<vmem>>) semaphore(%arg13 : memref<!tpu.dma_semaphore, #tpu.memory_space<semaphore_mem>>)
        %add3A_256 = arith.constant 1 : i32
        %add3A_257 = arith.addi %add3A_173, %add3A_256 : i32
        %dma_wait3A_258 = arith.constant 0 : i32
        %dma_wait3A_259 = tpu.memref_slice %arg7[%add3A_257, %dma_wait3A_258] : memref<40x50xi32, #tpu.memory_space<vmem>> -> memref<1x50xi32, #tpu.memory_space<vmem>>
        %dma_wait3A_260 = tpu.memref_squeeze %dma_wait3A_259 : memref<1x50xi32, #tpu.memory_space<vmem>> -> memref<50xi32, #tpu.memory_space<vmem>>
        %dma_wait3A_261 = arith.constant 0 : i32
        %dma_wait3A_262 = arith.constant 0 : i32
        %dma_wait3A_263 = tpu.memref_slice %arg12[%dma_wait3A_261, %dma_wait3A_262] : memref<10000x128xf32, #tpu.memory_space<vmem_shared>> -> memref<10000x128xf32, #tpu.memory_space<vmem_shared>>
        tpu.wait_indirect_dma semaphore(%arg18 : memref<!tpu.dma_semaphore, #tpu.memory_space<semaphore_mem>>) src(%arg9 : memref<50x128xf32, #tpu.memory_space<vmem>>) dst(%dma_wait3A_263 : memref<10000x128xf32, #tpu.memory_space<vmem_shared>>)
        %add3A_264 = arith.constant 4 : i32
        %add3A_265 = arith.addi %add3A_173, %add3A_264 : i32
        %add3A_266 = arith.constant 1 : i32
        %add3A_267 = arith.addi %add3A_265, %add3A_266 : i32
        %dma_start3A_268 = arith.constant 0 : i32
        %dma_start3A_269 = tpu.memref_slice %arg6[%add3A_267, %dma_start3A_268] : memref<40x50xi32, #tpu.memory_space<vmem>> -> memref<1x50xi32, #tpu.memory_space<vmem>>
        %dma_start3A_270 = tpu.memref_squeeze %dma_start3A_269 : memref<1x50xi32, #tpu.memory_space<vmem>> -> memref<50xi32, #tpu.memory_space<vmem>>
        %dma_start3A_271 = arith.constant 0 : i32
        %dma_start3A_272 = arith.constant 0 : i32
        %dma_start3A_273 = tpu.memref_slice %arg2[%dma_start3A_271, %dma_start3A_272] : memref<20000x128xf32, #tpu.memory_space<hbm>> -> memref<20000x128xf32, #tpu.memory_space<hbm>>
        tpu.enqueue_indirect_dma source(%dma_start3A_273 : memref<20000x128xf32, #tpu.memory_space<hbm>>) target(%arg9 : memref<50x128xf32, #tpu.memory_space<vmem>>) offsets(%dma_start3A_270 : memref<50xi32, #tpu.memory_space<vmem>>) semaphore(%arg14 : memref<!tpu.dma_semaphore, #tpu.memory_space<semaphore_mem>>)
        %add3A_274 = arith.constant 2 : i32
        %add3A_275 = arith.addi %add3A_173, %add3A_274 : i32
        %dma_wait3A_276 = arith.constant 0 : i32
        %dma_wait3A_277 = tpu.memref_slice %arg7[%add3A_275, %dma_wait3A_276] : memref<40x50xi32, #tpu.memory_space<vmem>> -> memref<1x50xi32, #tpu.memory_space<vmem>>
        %dma_wait3A_278 = tpu.memref_squeeze %dma_wait3A_277 : memref<1x50xi32, #tpu.memory_space<vmem>> -> memref<50xi32, #tpu.memory_space<vmem>>
        %dma_wait3A_279 = arith.constant 0 : i32
        %dma_wait3A_280 = arith.constant 0 : i32
        %dma_wait3A_281 = tpu.memref_slice %arg12[%dma_wait3A_279, %dma_wait3A_280] : memref<10000x128xf32, #tpu.memory_space<vmem_shared>> -> memref<10000x128xf32, #tpu.memory_space<vmem_shared>>
        tpu.wait_indirect_dma semaphore(%arg19 : memref<!tpu.dma_semaphore, #tpu.memory_space<semaphore_mem>>) src(%arg10 : memref<50x128xf32, #tpu.memory_space<vmem>>) dst(%dma_wait3A_281 : memref<10000x128xf32, #tpu.memory_space<vmem_shared>>)
        %add3A_282 = arith.constant 4 : i32
        %add3A_283 = arith.addi %add3A_173, %add3A_282 : i32
        %add3A_284 = arith.constant 2 : i32
        %add3A_285 = arith.addi %add3A_283, %add3A_284 : i32
        %dma_start3A_286 = arith.constant 0 : i32
        %dma_start3A_287 = tpu.memref_slice %arg6[%add3A_285, %dma_start3A_286] : memref<40x50xi32, #tpu.memory_space<vmem>> -> memref<1x50xi32, #tpu.memory_space<vmem>>
        %dma_start3A_288 = tpu.memref_squeeze %dma_start3A_287 : memref<1x50xi32, #tpu.memory_space<vmem>> -> memref<50xi32, #tpu.memory_space<vmem>>
        %dma_start3A_289 = arith.constant 0 : i32
        %dma_start3A_290 = arith.constant 0 : i32
        %dma_start3A_291 = tpu.memref_slice %arg2[%dma_start3A_289, %dma_start3A_290] : memref<20000x128xf32, #tpu.memory_space<hbm>> -> memref<20000x128xf32, #tpu.memory_space<hbm>>
        tpu.enqueue_indirect_dma source(%dma_start3A_291 : memref<20000x128xf32, #tpu.memory_space<hbm>>) target(%arg10 : memref<50x128xf32, #tpu.memory_space<vmem>>) offsets(%dma_start3A_288 : memref<50xi32, #tpu.memory_space<vmem>>) semaphore(%arg15 : memref<!tpu.dma_semaphore, #tpu.memory_space<semaphore_mem>>)
        %add3A_292 = arith.constant 3 : i32
        %add3A_293 = arith.addi %add3A_173, %add3A_292 : i32
        %dma_wait3A_294 = arith.constant 0 : i32
        %dma_wait3A_295 = tpu.memref_slice %arg7[%add3A_293, %dma_wait3A_294] : memref<40x50xi32, #tpu.memory_space<vmem>> -> memref<1x50xi32, #tpu.memory_space<vmem>>
        %dma_wait3A_296 = tpu.memref_squeeze %dma_wait3A_295 : memref<1x50xi32, #tpu.memory_space<vmem>> -> memref<50xi32, #tpu.memory_space<vmem>>
        %dma_wait3A_297 = arith.constant 0 : i32
        %dma_wait3A_298 = arith.constant 0 : i32
        %dma_wait3A_299 = tpu.memref_slice %arg12[%dma_wait3A_297, %dma_wait3A_298] : memref<10000x128xf32, #tpu.memory_space<vmem_shared>> -> memref<10000x128xf32, #tpu.memory_space<vmem_shared>>
        tpu.wait_indirect_dma semaphore(%arg20 : memref<!tpu.dma_semaphore, #tpu.memory_space<semaphore_mem>>) src(%arg11 : memref<50x128xf32, #tpu.memory_space<vmem>>) dst(%dma_wait3A_299 : memref<10000x128xf32, #tpu.memory_space<vmem_shared>>)
        %add3A_300 = arith.constant 4 : i32
        %add3A_301 = arith.addi %add3A_173, %add3A_300 : i32
        %add3A_302 = arith.constant 3 : i32
        %add3A_303 = arith.addi %add3A_301, %add3A_302 : i32
        %dma_start3A_304 = arith.constant 0 : i32
        %dma_start3A_305 = tpu.memref_slice %arg6[%add3A_303, %dma_start3A_304] : memref<40x50xi32, #tpu.memory_space<vmem>> -> memref<1x50xi32, #tpu.memory_space<vmem>>
        %dma_start3A_306 = tpu.memref_squeeze %dma_start3A_305 : memref<1x50xi32, #tpu.memory_space<vmem>> -> memref<50xi32, #tpu.memory_space<vmem>>
        %dma_start3A_307 = arith.constant 0 : i32
        %dma_start3A_308 = arith.constant 0 : i32
        %dma_start3A_309 = tpu.memref_slice %arg2[%dma_start3A_307, %dma_start3A_308] : memref<20000x128xf32, #tpu.memory_space<hbm>> -> memref<20000x128xf32, #tpu.memory_space<hbm>>
        tpu.enqueue_indirect_dma source(%dma_start3A_309 : memref<20000x128xf32, #tpu.memory_space<hbm>>) target(%arg11 : memref<50x128xf32, #tpu.memory_space<vmem>>) offsets(%dma_start3A_306 : memref<50xi32, #tpu.memory_space<vmem>>) semaphore(%arg16 : memref<!tpu.dma_semaphore, #tpu.memory_space<semaphore_mem>>)
      }
      %scan3A_85 = arith.constant 9 : i32
      %dma_wait3A = arith.constant 36 : i32
      %dma_wait3A_86 = arith.constant 0 : i32
      %dma_wait3A_87 = tpu.memref_slice %arg6[%dma_wait3A, %dma_wait3A_86] : memref<40x50xi32, #tpu.memory_space<vmem>> -> memref<1x50xi32, #tpu.memory_space<vmem>>
      %dma_wait3A_88 = tpu.memref_squeeze %dma_wait3A_87 : memref<1x50xi32, #tpu.memory_space<vmem>> -> memref<50xi32, #tpu.memory_space<vmem>>
      %dma_wait3A_89 = arith.constant 0 : i32
      %dma_wait3A_90 = arith.constant 0 : i32
      %dma_wait3A_91 = tpu.memref_slice %arg2[%dma_wait3A_89, %dma_wait3A_90] : memref<20000x128xf32, #tpu.memory_space<hbm>> -> memref<20000x128xf32, #tpu.memory_space<hbm>>
      tpu.wait_indirect_dma semaphore(%arg13 : memref<!tpu.dma_semaphore, #tpu.memory_space<semaphore_mem>>) src(%dma_wait3A_91 : memref<20000x128xf32, #tpu.memory_space<hbm>>) dst(%arg8 : memref<50x128xf32, #tpu.memory_space<vmem>>)
      %dma_start3A_92 = arith.constant 36 : i32
      %dma_start3A_93 = arith.constant 0 : i32
      %dma_start3A_94 = tpu.memref_slice %arg7[%dma_start3A_92, %dma_start3A_93] : memref<40x50xi32, #tpu.memory_space<vmem>> -> memref<1x50xi32, #tpu.memory_space<vmem>>
      %dma_start3A_95 = tpu.memref_squeeze %dma_start3A_94 : memref<1x50xi32, #tpu.memory_space<vmem>> -> memref<50xi32, #tpu.memory_space<vmem>>
      %dma_start3A_96 = arith.constant 0 : i32
      %dma_start3A_97 = arith.constant 0 : i32
      %dma_start3A_98 = tpu.memref_slice %arg12[%dma_start3A_96, %dma_start3A_97] : memref<10000x128xf32, #tpu.memory_space<vmem_shared>> -> memref<10000x128xf32, #tpu.memory_space<vmem_shared>>
      tpu.enqueue_indirect_dma source(%arg8 : memref<50x128xf32, #tpu.memory_space<vmem>>) target(%dma_start3A_98 : memref<10000x128xf32, #tpu.memory_space<vmem_shared>>) offsets(%dma_start3A_95 : memref<50xi32, #tpu.memory_space<vmem>>) semaphore(%arg17 : memref<!tpu.dma_semaphore, #tpu.memory_space<semaphore_mem>>) {add = true}
      %dma_wait3A_99 = arith.constant 37 : i32
      %dma_wait3A_100 = arith.constant 0 : i32
      %dma_wait3A_101 = tpu.memref_slice %arg6[%dma_wait3A_99, %dma_wait3A_100] : memref<40x50xi32, #tpu.memory_space<vmem>> -> memref<1x50xi32, #tpu.memory_space<vmem>>
      %dma_wait3A_102 = tpu.memref_squeeze %dma_wait3A_101 : memref<1x50xi32, #tpu.memory_space<vmem>> -> memref<50xi32, #tpu.memory_space<vmem>>
      %dma_wait3A_103 = arith.constant 0 : i32
      %dma_wait3A_104 = arith.constant 0 : i32
      %dma_wait3A_105 = tpu.memref_slice %arg2[%dma_wait3A_103, %dma_wait3A_104] : memref<20000x128xf32, #tpu.memory_space<hbm>> -> memref<20000x128xf32, #tpu.memory_space<hbm>>
      tpu.wait_indirect_dma semaphore(%arg14 : memref<!tpu.dma_semaphore, #tpu.memory_space<semaphore_mem>>) src(%dma_wait3A_105 : memref<20000x128xf32, #tpu.memory_space<hbm>>) dst(%arg9 : memref<50x128xf32, #tpu.memory_space<vmem>>)
      %dma_start3A_106 = arith.constant 37 : i32
      %dma_start3A_107 = arith.constant 0 : i32
      %dma_start3A_108 = tpu.memref_slice %arg7[%dma_start3A_106, %dma_start3A_107] : memref<40x50xi32, #tpu.memory_space<vmem>> -> memref<1x50xi32, #tpu.memory_space<vmem>>
      %dma_start3A_109 = tpu.memref_squeeze %dma_start3A_108 : memref<1x50xi32, #tpu.memory_space<vmem>> -> memref<50xi32, #tpu.memory_space<vmem>>
      %dma_start3A_110 = arith.constant 0 : i32
      %dma_start3A_111 = arith.constant 0 : i32
      %dma_start3A_112 = tpu.memref_slice %arg12[%dma_start3A_110, %dma_start3A_111] : memref<10000x128xf32, #tpu.memory_space<vmem_shared>> -> memref<10000x128xf32, #tpu.memory_space<vmem_shared>>
      tpu.enqueue_indirect_dma source(%arg9 : memref<50x128xf32, #tpu.memory_space<vmem>>) target(%dma_start3A_112 : memref<10000x128xf32, #tpu.memory_space<vmem_shared>>) offsets(%dma_start3A_109 : memref<50xi32, #tpu.memory_space<vmem>>) semaphore(%arg18 : memref<!tpu.dma_semaphore, #tpu.memory_space<semaphore_mem>>) {add = true}
      %dma_wait3A_113 = arith.constant 38 : i32
      %dma_wait3A_114 = arith.constant 0 : i32
      %dma_wait3A_115 = tpu.memref_slice %arg6[%dma_wait3A_113, %dma_wait3A_114] : memref<40x50xi32, #tpu.memory_space<vmem>> -> memref<1x50xi32, #tpu.memory_space<vmem>>
      %dma_wait3A_116 = tpu.memref_squeeze %dma_wait3A_115 : memref<1x50xi32, #tpu.memory_space<vmem>> -> memref<50xi32, #tpu.memory_space<vmem>>
      %dma_wait3A_117 = arith.constant 0 : i32
      %dma_wait3A_118 = arith.constant 0 : i32
      %dma_wait3A_119 = tpu.memref_slice %arg2[%dma_wait3A_117, %dma_wait3A_118] : memref<20000x128xf32, #tpu.memory_space<hbm>> -> memref<20000x128xf32, #tpu.memory_space<hbm>>
      tpu.wait_indirect_dma semaphore(%arg15 : memref<!tpu.dma_semaphore, #tpu.memory_space<semaphore_mem>>) src(%dma_wait3A_119 : memref<20000x128xf32, #tpu.memory_space<hbm>>) dst(%arg10 : memref<50x128xf32, #tpu.memory_space<vmem>>)
      %dma_start3A_120 = arith.constant 38 : i32
      %dma_start3A_121 = arith.constant 0 : i32
      %dma_start3A_122 = tpu.memref_slice %arg7[%dma_start3A_120, %dma_start3A_121] : memref<40x50xi32, #tpu.memory_space<vmem>> -> memref<1x50xi32, #tpu.memory_space<vmem>>
      %dma_start3A_123 = tpu.memref_squeeze %dma_start3A_122 : memref<1x50xi32, #tpu.memory_space<vmem>> -> memref<50xi32, #tpu.memory_space<vmem>>
      %dma_start3A_124 = arith.constant 0 : i32
      %dma_start3A_125 = arith.constant 0 : i32
      %dma_start3A_126 = tpu.memref_slice %arg12[%dma_start3A_124, %dma_start3A_125] : memref<10000x128xf32, #tpu.memory_space<vmem_shared>> -> memref<10000x128xf32, #tpu.memory_space<vmem_shared>>
      tpu.enqueue_indirect_dma source(%arg10 : memref<50x128xf32, #tpu.memory_space<vmem>>) target(%dma_start3A_126 : memref<10000x128xf32, #tpu.memory_space<vmem_shared>>) offsets(%dma_start3A_123 : memref<50xi32, #tpu.memory_space<vmem>>) semaphore(%arg19 : memref<!tpu.dma_semaphore, #tpu.memory_space<semaphore_mem>>) {add = true}
      %dma_wait3A_127 = arith.constant 39 : i32
      %dma_wait3A_128 = arith.constant 0 : i32
      %dma_wait3A_129 = tpu.memref_slice %arg6[%dma_wait3A_127, %dma_wait3A_128] : memref<40x50xi32, #tpu.memory_space<vmem>> -> memref<1x50xi32, #tpu.memory_space<vmem>>
      %dma_wait3A_130 = tpu.memref_squeeze %dma_wait3A_129 : memref<1x50xi32, #tpu.memory_space<vmem>> -> memref<50xi32, #tpu.memory_space<vmem>>
      %dma_wait3A_131 = arith.constant 0 : i32
      %dma_wait3A_132 = arith.constant 0 : i32
      %dma_wait3A_133 = tpu.memref_slice %arg2[%dma_wait3A_131, %dma_wait3A_132] : memref<20000x128xf32, #tpu.memory_space<hbm>> -> memref<20000x128xf32, #tpu.memory_space<hbm>>
      tpu.wait_indirect_dma semaphore(%arg16 : memref<!tpu.dma_semaphore, #tpu.memory_space<semaphore_mem>>) src(%dma_wait3A_133 : memref<20000x128xf32, #tpu.memory_space<hbm>>) dst(%arg11 : memref<50x128xf32, #tpu.memory_space<vmem>>)
      %dma_start3A_134 = arith.constant 39 : i32
      %dma_start3A_135 = arith.constant 0 : i32
      %dma_start3A_136 = tpu.memref_slice %arg7[%dma_start3A_134, %dma_start3A_135] : memref<40x50xi32, #tpu.memory_space<vmem>> -> memref<1x50xi32, #tpu.memory_space<vmem>>
      %dma_start3A_137 = tpu.memref_squeeze %dma_start3A_136 : memref<1x50xi32, #tpu.memory_space<vmem>> -> memref<50xi32, #tpu.memory_space<vmem>>
      %dma_start3A_138 = arith.constant 0 : i32
      %dma_start3A_139 = arith.constant 0 : i32
      %dma_start3A_140 = tpu.memref_slice %arg12[%dma_start3A_138, %dma_start3A_139] : memref<10000x128xf32, #tpu.memory_space<vmem_shared>> -> memref<10000x128xf32, #tpu.memory_space<vmem_shared>>
      tpu.enqueue_indirect_dma source(%arg11 : memref<50x128xf32, #tpu.memory_space<vmem>>) target(%dma_start3A_140 : memref<10000x128xf32, #tpu.memory_space<vmem_shared>>) offsets(%dma_start3A_137 : memref<50xi32, #tpu.memory_space<vmem>>) semaphore(%arg20 : memref<!tpu.dma_semaphore, #tpu.memory_space<semaphore_mem>>) {add = true}
      %dma_wait3A_141 = arith.constant 36 : i32
      %dma_wait3A_142 = arith.constant 0 : i32
      %dma_wait3A_143 = tpu.memref_slice %arg7[%dma_wait3A_141, %dma_wait3A_142] : memref<40x50xi32, #tpu.memory_space<vmem>> -> memref<1x50xi32, #tpu.memory_space<vmem>>
      %dma_wait3A_144 = tpu.memref_squeeze %dma_wait3A_143 : memref<1x50xi32, #tpu.memory_space<vmem>> -> memref<50xi32, #tpu.memory_space<vmem>>
      %dma_wait3A_145 = arith.constant 0 : i32
      %dma_wait3A_146 = arith.constant 0 : i32
      %dma_wait3A_147 = tpu.memref_slice %arg12[%dma_wait3A_145, %dma_wait3A_146] : memref<10000x128xf32, #tpu.memory_space<vmem_shared>> -> memref<10000x128xf32, #tpu.memory_space<vmem_shared>>
      tpu.wait_indirect_dma semaphore(%arg17 : memref<!tpu.dma_semaphore, #tpu.memory_space<semaphore_mem>>) src(%arg8 : memref<50x128xf32, #tpu.memory_space<vmem>>) dst(%dma_wait3A_147 : memref<10000x128xf32, #tpu.memory_space<vmem_shared>>)
      %dma_wait3A_148 = arith.constant 37 : i32
      %dma_wait3A_149 = arith.constant 0 : i32
      %dma_wait3A_150 = tpu.memref_slice %arg7[%dma_wait3A_148, %dma_wait3A_149] : memref<40x50xi32, #tpu.memory_space<vmem>> -> memref<1x50xi32, #tpu.memory_space<vmem>>
      %dma_wait3A_151 = tpu.memref_squeeze %dma_wait3A_150 : memref<1x50xi32, #tpu.memory_space<vmem>> -> memref<50xi32, #tpu.memory_space<vmem>>
      %dma_wait3A_152 = arith.constant 0 : i32
      %dma_wait3A_153 = arith.constant 0 : i32
      %dma_wait3A_154 = tpu.memref_slice %arg12[%dma_wait3A_152, %dma_wait3A_153] : memref<10000x128xf32, #tpu.memory_space<vmem_shared>> -> memref<10000x128xf32, #tpu.memory_space<vmem_shared>>
      tpu.wait_indirect_dma semaphore(%arg18 : memref<!tpu.dma_semaphore, #tpu.memory_space<semaphore_mem>>) src(%arg9 : memref<50x128xf32, #tpu.memory_space<vmem>>) dst(%dma_wait3A_154 : memref<10000x128xf32, #tpu.memory_space<vmem_shared>>)
      %dma_wait3A_155 = arith.constant 38 : i32
      %dma_wait3A_156 = arith.constant 0 : i32
      %dma_wait3A_157 = tpu.memref_slice %arg7[%dma_wait3A_155, %dma_wait3A_156] : memref<40x50xi32, #tpu.memory_space<vmem>> -> memref<1x50xi32, #tpu.memory_space<vmem>>
      %dma_wait3A_158 = tpu.memref_squeeze %dma_wait3A_157 : memref<1x50xi32, #tpu.memory_space<vmem>> -> memref<50xi32, #tpu.memory_space<vmem>>
      %dma_wait3A_159 = arith.constant 0 : i32
      %dma_wait3A_160 = arith.constant 0 : i32
      %dma_wait3A_161 = tpu.memref_slice %arg12[%dma_wait3A_159, %dma_wait3A_160] : memref<10000x128xf32, #tpu.memory_space<vmem_shared>> -> memref<10000x128xf32, #tpu.memory_space<vmem_shared>>
      tpu.wait_indirect_dma semaphore(%arg19 : memref<!tpu.dma_semaphore, #tpu.memory_space<semaphore_mem>>) src(%arg10 : memref<50x128xf32, #tpu.memory_space<vmem>>) dst(%dma_wait3A_161 : memref<10000x128xf32, #tpu.memory_space<vmem_shared>>)
      %dma_wait3A_162 = arith.constant 39 : i32
      %dma_wait3A_163 = arith.constant 0 : i32
      %dma_wait3A_164 = tpu.memref_slice %arg7[%dma_wait3A_162, %dma_wait3A_163] : memref<40x50xi32, #tpu.memory_space<vmem>> -> memref<1x50xi32, #tpu.memory_space<vmem>>
      %dma_wait3A_165 = tpu.memref_squeeze %dma_wait3A_164 : memref<1x50xi32, #tpu.memory_space<vmem>> -> memref<50xi32, #tpu.memory_space<vmem>>
      %dma_wait3A_166 = arith.constant 0 : i32
      %dma_wait3A_167 = arith.constant 0 : i32
      %dma_wait3A_168 = tpu.memref_slice %arg12[%dma_wait3A_166, %dma_wait3A_167] : memref<10000x128xf32, #tpu.memory_space<vmem_shared>> -> memref<10000x128xf32, #tpu.memory_space<vmem_shared>>
      tpu.wait_indirect_dma semaphore(%arg20 : memref<!tpu.dma_semaphore, #tpu.memory_space<semaphore_mem>>) src(%arg11 : memref<50x128xf32, #tpu.memory_space<vmem>>) dst(%dma_wait3A_168 : memref<10000x128xf32, #tpu.memory_space<vmem_shared>>)
    }
    %scan3A_18 = arith.constant 5 : i32
    %barrier3A_19 = arith.constant 0 : index
    tpu.barrier barrier_id(%barrier3A_19)
    %mul3A_20 = arith.constant 80 : i32
    %mul3A_21 = arith.muli %arg1, %mul3A_20 : i32
    %sub3A_22 = arith.constant 10000 : i32
    %sub3A_23 = arith.subi %sub3A_22, %mul3A_21 : i32
    %sub3A_24 = arith.constant 1280 : i32
    %sub3A_25 = arith.constant 1 : i32
    %sub3A_26 = arith.subi %sub3A_24, %sub3A_25 : i32
    %add3A_27 = arith.addi %sub3A_23, %sub3A_26 : i32
    %div3A_28 = arith.constant 1280 : i32
    %div3A_29 = arith.divsi %add3A_27, %div3A_28 : i32
    %while3A_30 = arith.constant 1280 : i32
    %while3A_31 = arith.constant 0 : i32
    %while3A_32 = arith.subi %div3A_29, %while3A_31 : i32
    %while3A_33 = arith.addi %while3A_31, %while3A_32 : i32
    %while3A_34 = arith.constant 1 : i32
    %while3A_35 = arith.divsi %while3A_32, %while3A_34 : i32
    %while3A_36 = arith.muli %while3A_35, %while3A_34 : i32
    %while3A_37 = arith.addi %while3A_31, %while3A_36 : i32
    %while3A_38 = arith.constant 1 : i32
    scf.for %while3A_40 = %while3A_31 to %while3A_37 step %while3A_38  : i32 {
      %mul3A_41 = arith.muli %while3A_40, %while3A_30 : i32
      %add3A_42 = arith.addi %mul3A_21, %mul3A_41 : i32
      %mul3A_43 = arith.constant 10000 : i32
      %mul3A_44 = arith.muli %arg0, %mul3A_43 : i32
      %add3A_45 = arith.addi %mul3A_44, %add3A_42 : i32
      "tpu.region"() ({
        %run_scoped3A = tpu.sem_alloc : memref<!tpu.dma_semaphore, #tpu.memory_space<semaphore_mem>>
        %dma_start3A = arith.constant 0 : i32
        %dma_start3A_46 = tpu.memref_slice %arg5[%add3A_45, %dma_start3A] : memref<20000x128xf32, #tpu.memory_space<hbm>> -> memref<80x128xf32, #tpu.memory_space<hbm>>
        %dma_start3A_47 = arith.constant 0 : i32
        %dma_start3A_48 = tpu.memref_slice %arg12[%add3A_42, %dma_start3A_47] : memref<10000x128xf32, #tpu.memory_space<vmem_shared>> -> memref<80x128xf32, #tpu.memory_space<vmem_shared>>
        tpu.enqueue_dma source(%dma_start3A_48 : memref<80x128xf32, #tpu.memory_space<vmem_shared>>) target(%dma_start3A_46 : memref<80x128xf32, #tpu.memory_space<hbm>>) target_semaphore(%run_scoped3A : memref<!tpu.dma_semaphore, #tpu.memory_space<semaphore_mem>>)
        %dma_wait3A = arith.constant 0 : i32
        %dma_wait3A_49 = tpu.memref_slice %arg5[%add3A_45, %dma_wait3A] : memref<20000x128xf32, #tpu.memory_space<hbm>> -> memref<80x128xf32, #tpu.memory_space<hbm>>
        %dma_wait3A_50 = arith.constant 0 : i32
        %dma_wait3A_51 = tpu.memref_slice %arg12[%add3A_42, %dma_wait3A_50] : memref<10000x128xf32, #tpu.memory_space<vmem_shared>> -> memref<80x128xf32, #tpu.memory_space<vmem_shared>>
        tpu.wait_dma2 semaphore(%run_scoped3A : memref<!tpu.dma_semaphore, #tpu.memory_space<semaphore_mem>>) src(%dma_wait3A_51 : memref<80x128xf32, #tpu.memory_space<vmem_shared>>) dst(%dma_wait3A_49 : memref<80x128xf32, #tpu.memory_space<hbm>>)
        tpu.yield
      }) : () -> ()
    }
    %while3A_39 = arith.constant 1 : i32
    scf.for %while3A_40 = %while3A_37 to %while3A_33 step %while3A_39  : i32 {
      %mul3A_41 = arith.muli %while3A_40, %while3A_30 : i32
      %add3A_42 = arith.addi %mul3A_21, %mul3A_41 : i32
      %mul3A_43 = arith.constant 10000 : i32
      %mul3A_44 = arith.muli %arg0, %mul3A_43 : i32
      %add3A_45 = arith.addi %mul3A_44, %add3A_42 : i32
      "tpu.region"() ({
        %run_scoped3A = tpu.sem_alloc : memref<!tpu.dma_semaphore, #tpu.memory_space<semaphore_mem>>
        %dma_start3A = arith.constant 0 : i32
        %dma_start3A_46 = tpu.memref_slice %arg5[%add3A_45, %dma_start3A] : memref<20000x128xf32, #tpu.memory_space<hbm>> -> memref<80x128xf32, #tpu.memory_space<hbm>>
        %dma_start3A_47 = arith.constant 0 : i32
        %dma_start3A_48 = tpu.memref_slice %arg12[%add3A_42, %dma_start3A_47] : memref<10000x128xf32, #tpu.memory_space<vmem_shared>> -> memref<80x128xf32, #tpu.memory_space<vmem_shared>>
        tpu.enqueue_dma source(%dma_start3A_48 : memref<80x128xf32, #tpu.memory_space<vmem_shared>>) target(%dma_start3A_46 : memref<80x128xf32, #tpu.memory_space<hbm>>) target_semaphore(%run_scoped3A : memref<!tpu.dma_semaphore, #tpu.memory_space<semaphore_mem>>)
        %dma_wait3A = arith.constant 0 : i32
        %dma_wait3A_49 = tpu.memref_slice %arg5[%add3A_45, %dma_wait3A] : memref<20000x128xf32, #tpu.memory_space<hbm>> -> memref<80x128xf32, #tpu.memory_space<hbm>>
        %dma_wait3A_50 = arith.constant 0 : i32
        %dma_wait3A_51 = tpu.memref_slice %arg12[%add3A_42, %dma_wait3A_50] : memref<10000x128xf32, #tpu.memory_space<vmem_shared>> -> memref<80x128xf32, #tpu.memory_space<vmem_shared>>
        tpu.wait_dma2 semaphore(%run_scoped3A : memref<!tpu.dma_semaphore, #tpu.memory_space<semaphore_mem>>) src(%dma_wait3A_51 : memref<80x128xf32, #tpu.memory_space<vmem_shared>>) dst(%dma_wait3A_49 : memref<80x128xf32, #tpu.memory_space<hbm>>)
        tpu.yield
      }) : () -> ()
    }
    return
  }
}

#map = affine_map<(d0, d1) -> (0, 0)>
#map1 = affine_map<(d0, d1) -> (0, 0, 0)>
module attributes {stable_mosaic.version = 14 : i64} {
  func.func @k(%arg0: i32, %arg1: i32, %arg2: memref<20000x128xf32, #tpu.memory_space<hbm>>, %arg3: memref<160x40x50xi32, #tpu.memory_space<hbm>>, %arg4: memref<80x40x50xi32, #tpu.memory_space<hbm>>, %arg5: memref<20000x128xf32, #tpu.memory_space<hbm>>, %arg6: memref<40x50xi32, #tpu.memory_space<vmem>>, %arg7: memref<40x50xi32, #tpu.memory_space<vmem>>, %arg8: memref<50x128xf32, #tpu.memory_space<vmem>>, %arg9: memref<50x128xf32, #tpu.memory_space<vmem>>, %arg10: memref<50x128xf32, #tpu.memory_space<vmem>>, %arg11: memref<50x128xf32, #tpu.memory_space<vmem>>, %arg12: memref<10000x128xf32, #tpu.memory_space<vmem_shared>>, %arg13: memref<!tpu.dma_semaphore, #tpu.memory_space<semaphore_mem>>, %arg14: memref<!tpu.dma_semaphore, #tpu.memory_space<semaphore_mem>>, %arg15: memref<!tpu.dma_semaphore, #tpu.memory_space<semaphore_mem>>, %arg16: memref<!tpu.dma_semaphore, #tpu.memory_space<semaphore_mem>>, %arg17: memref<!tpu.dma_semaphore, #tpu.memory_space<semaphore_mem>>, %arg18: memref<!tpu.dma_semaphore, #tpu.memory_space<semaphore_mem>>, %arg19: memref<!tpu.dma_semaphore, #tpu.memory_space<semaphore_mem>>, %arg20: memref<!tpu.dma_semaphore, #tpu.memory_space<semaphore_mem>>) attributes {dimension_semantics = [#tpu.dimension_semantics<core_parallel>, #tpu.dimension_semantics<subcore_parallel>], iteration_bounds = array<i64: 2, 16>, scalar_prefetch = 0 : i64, scratch_operands = 15 : i64, tpu.core_type = #tpu.core_type<sc_vector_subcore>, window_params = [{transform_indices = #map}, {transform_indices = #map1}, {transform_indices = #map1}, {transform_indices = #map}]} {
    %mul3A = arith.constant 80 : i32
    %mul3A_0 = arith.muli %arg1, %mul3A : i32
    %sub3A = arith.constant 10000 : i32
    %sub3A_1 = arith.subi %sub3A, %mul3A_0 : i32
    %sub3A_2 = arith.constant 1280 : i32
    %sub3A_3 = arith.constant 1 : i32
    %sub3A_4 = arith.subi %sub3A_2, %sub3A_3 : i32
    %add3A = arith.addi %sub3A_1, %sub3A_4 : i32
    %div3A = arith.constant 1280 : i32
    %div3A_5 = arith.divsi %add3A, %div3A : i32
    %while3A = arith.constant 1280 : i32
    %while3A_6 = arith.constant 0 : i32
    %while3A_7 = arith.subi %div3A_5, %while3A_6 : i32
    %while3A_8 = arith.addi %while3A_6, %while3A_7 : i32
    %while3A_9 = arith.constant 1 : i32
    %while3A_10 = arith.divsi %while3A_7, %while3A_9 : i32
    %while3A_11 = arith.muli %while3A_10, %while3A_9 : i32
    %while3A_12 = arith.addi %while3A_6, %while3A_11 : i32
    %while3A_13 = arith.constant 1 : i32
    scf.for %while3A_40 = %while3A_6 to %while3A_12 step %while3A_13  : i32 {
      %mul3A_41 = arith.muli %while3A_40, %while3A : i32
      %add3A_42 = arith.addi %mul3A_0, %mul3A_41 : i32
      %mul3A_43 = arith.constant 10000 : i32
      %mul3A_44 = arith.muli %arg0, %mul3A_43 : i32
      %add3A_45 = arith.addi %mul3A_44, %add3A_42 : i32
      "tpu.region"() ({
        %run_scoped3A = tpu.sem_alloc : memref<!tpu.dma_semaphore, #tpu.memory_space<semaphore_mem>>
        %dma_start3A = arith.constant 0 : i32
        %dma_start3A_46 = tpu.memref_slice %arg12[%add3A_42, %dma_start3A] : memref<10000x128xf32, #tpu.memory_space<vmem_shared>> -> memref<80x128xf32, #tpu.memory_space<vmem_shared>>
        %dma_start3A_47 = arith.constant 0 : i32
        %dma_start3A_48 = tpu.memref_slice %arg2[%add3A_45, %dma_start3A_47] : memref<20000x128xf32, #tpu.memory_space<hbm>> -> memref<80x128xf32, #tpu.memory_space<hbm>>
        tpu.enqueue_dma source(%dma_start3A_48 : memref<80x128xf32, #tpu.memory_space<hbm>>) target(%dma_start3A_46 : memref<80x128xf32, #tpu.memory_space<vmem_shared>>) target_semaphore(%run_scoped3A : memref<!tpu.dma_semaphore, #tpu.memory_space<semaphore_mem>>)
        %dma_wait3A = arith.constant 0 : i32
        %dma_wait3A_49 = tpu.memref_slice %arg12[%add3A_42, %dma_wait3A] : memref<10000x128xf32, #tpu.memory_space<vmem_shared>> -> memref<80x128xf32, #tpu.memory_space<vmem_shared>>
        %dma_wait3A_50 = arith.constant 0 : i32
        %dma_wait3A_51 = tpu.memref_slice %arg2[%add3A_45, %dma_wait3A_50] : memref<20000x128xf32, #tpu.memory_space<hbm>> -> memref<80x128xf32, #tpu.memory_space<hbm>>
        tpu.wait_dma2 semaphore(%run_scoped3A : memref<!tpu.dma_semaphore, #tpu.memory_space<semaphore_mem>>) src(%dma_wait3A_51 : memref<80x128xf32, #tpu.memory_space<hbm>>) dst(%dma_wait3A_49 : memref<80x128xf32, #tpu.memory_space<vmem_shared>>)
        tpu.yield
      }) : () -> ()
    }
    %while3A_14 = arith.constant 1 : i32
    scf.for %while3A_40 = %while3A_12 to %while3A_8 step %while3A_14  : i32 {
      %mul3A_41 = arith.muli %while3A_40, %while3A : i32
      %add3A_42 = arith.addi %mul3A_0, %mul3A_41 : i32
      %mul3A_43 = arith.constant 10000 : i32
      %mul3A_44 = arith.muli %arg0, %mul3A_43 : i32
      %add3A_45 = arith.addi %mul3A_44, %add3A_42 : i32
      "tpu.region"() ({
        %run_scoped3A = tpu.sem_alloc : memref<!tpu.dma_semaphore, #tpu.memory_space<semaphore_mem>>
        %dma_start3A = arith.constant 0 : i32
        %dma_start3A_46 = tpu.memref_slice %arg12[%add3A_42, %dma_start3A] : memref<10000x128xf32, #tpu.memory_space<vmem_shared>> -> memref<80x128xf32, #tpu.memory_space<vmem_shared>>
        %dma_start3A_47 = arith.constant 0 : i32
        %dma_start3A_48 = tpu.memref_slice %arg2[%add3A_45, %dma_start3A_47] : memref<20000x128xf32, #tpu.memory_space<hbm>> -> memref<80x128xf32, #tpu.memory_space<hbm>>
        tpu.enqueue_dma source(%dma_start3A_48 : memref<80x128xf32, #tpu.memory_space<hbm>>) target(%dma_start3A_46 : memref<80x128xf32, #tpu.memory_space<vmem_shared>>) target_semaphore(%run_scoped3A : memref<!tpu.dma_semaphore, #tpu.memory_space<semaphore_mem>>)
        %dma_wait3A = arith.constant 0 : i32
        %dma_wait3A_49 = tpu.memref_slice %arg12[%add3A_42, %dma_wait3A] : memref<10000x128xf32, #tpu.memory_space<vmem_shared>> -> memref<80x128xf32, #tpu.memory_space<vmem_shared>>
        %dma_wait3A_50 = arith.constant 0 : i32
        %dma_wait3A_51 = tpu.memref_slice %arg2[%add3A_45, %dma_wait3A_50] : memref<20000x128xf32, #tpu.memory_space<hbm>> -> memref<80x128xf32, #tpu.memory_space<hbm>>
        tpu.wait_dma2 semaphore(%run_scoped3A : memref<!tpu.dma_semaphore, #tpu.memory_space<semaphore_mem>>) src(%dma_wait3A_51 : memref<80x128xf32, #tpu.memory_space<hbm>>) dst(%dma_wait3A_49 : memref<80x128xf32, #tpu.memory_space<vmem_shared>>)
        tpu.yield
      }) : () -> ()
    }
    %barrier3A = arith.constant 0 : index
    tpu.barrier barrier_id(%barrier3A)
    %scan3A = arith.constant 0 : i32
    %scan3A_15 = arith.constant 5 : i32
    %scan3A_16 = arith.addi %scan3A, %scan3A_15 : i32
    %scan3A_17 = arith.constant 1 : i32
    scf.for %scan3A_40 = %scan3A to %scan3A_16 step %scan3A_17  : i32 {
      %mul3A_41 = arith.constant 1 : i32
      %mul3A_42 = arith.muli %scan3A_40, %mul3A_41 : i32
      %add3A_43 = arith.constant 0 : i32
      %add3A_44 = arith.addi %add3A_43, %mul3A_42 : i32
      %mul3A_45 = arith.constant 16 : i32
      %mul3A_46 = arith.muli %arg0, %mul3A_45 : i32
      %add3A_47 = arith.addi %mul3A_46, %arg1 : i32
      %mul3A_48 = arith.constant 5 : i32
      %mul3A_49 = arith.muli %add3A_47, %mul3A_48 : i32
      %add3A_50 = arith.addi %mul3A_49, %add3A_44 : i32
      "tpu.region"() ({
        %run_scoped3A = tpu.sem_alloc : memref<!tpu.dma_semaphore, #tpu.memory_space<semaphore_mem>>
        %dma_start3A_169 = arith.constant 0 : i32
        %dma_start3A_170 = arith.constant 0 : i32
        %dma_start3A_171 = tpu.memref_slice %arg3[%add3A_50, %dma_start3A_169, %dma_start3A_170] : memref<160x40x50xi32, #tpu.memory_space<hbm>> -> memref<1x40x50xi32, #tpu.memory_space<hbm>>
        %dma_start3A_172 = tpu.memref_squeeze %dma_start3A_171 : memref<1x40x50xi32, #tpu.memory_space<hbm>> -> memref<40x50xi32, #tpu.memory_space<hbm>>
        %dma_start3A_173 = arith.constant 0 : i32
        %dma_start3A_174 = arith.constant 0 : i32
        %dma_start3A_175 = tpu.memref_slice %arg3[%add3A_50, %dma_start3A_173, %dma_start3A_174] : memref<160x40x50xi32, #tpu.memory_space<hbm>> -> memref<1x40x50xi32, #tpu.memory_space<hbm>>
        %dma_start3A_176 = tpu.memref_squeeze %dma_start3A_175 : memref<1x40x50xi32, #tpu.memory_space<hbm>> -> memref<40x50xi32, #tpu.memory_space<hbm>>
        tpu.enqueue_dma source(%dma_start3A_176 : memref<40x50xi32, #tpu.memory_space<hbm>>) target(%arg6 : memref<40x50xi32, #tpu.memory_space<vmem>>) target_semaphore(%run_scoped3A : memref<!tpu.dma_semaphore, #tpu.memory_space<semaphore_mem>>)
        %dma_wait3A_177 = arith.constant 0 : i32
        %dma_wait3A_178 = arith.constant 0 : i32
        %dma_wait3A_179 = tpu.memref_slice %arg3[%add3A_50, %dma_wait3A_177, %dma_wait3A_178] : memref<160x40x50xi32, #tpu.memory_space<hbm>> -> memref<1x40x50xi32, #tpu.memory_space<hbm>>
        %dma_wait3A_180 = tpu.memref_squeeze %dma_wait3A_179 : memref<1x40x50xi32, #tpu.memory_space<hbm>> -> memref<40x50xi32, #tpu.memory_space<hbm>>
        %dma_wait3A_181 = arith.constant 0 : i32
        %dma_wait3A_182 = arith.constant 0 : i32
        %dma_wait3A_183 = tpu.memref_slice %arg3[%add3A_50, %dma_wait3A_181, %dma_wait3A_182] : memref<160x40x50xi32, #tpu.memory_space<hbm>> -> memref<1x40x50xi32, #tpu.memory_space<hbm>>
        %dma_wait3A_184 = tpu.memref_squeeze %dma_wait3A_183 : memref<1x40x50xi32, #tpu.memory_space<hbm>> -> memref<40x50xi32, #tpu.memory_space<hbm>>
        tpu.wait_dma2 semaphore(%run_scoped3A : memref<!tpu.dma_semaphore, #tpu.memory_space<semaphore_mem>>) src(%dma_wait3A_184 : memref<40x50xi32, #tpu.memory_space<hbm>>) dst(%arg6 : memref<40x50xi32, #tpu.memory_space<vmem>>)
        tpu.yield
      }) : () -> ()
      %mul3A_51 = arith.constant 5 : i32
      %mul3A_52 = arith.muli %arg1, %mul3A_51 : i32
      %add3A_53 = arith.addi %mul3A_52, %add3A_44 : i32
      "tpu.region"() ({
        %run_scoped3A = tpu.sem_alloc : memref<!tpu.dma_semaphore, #tpu.memory_space<semaphore_mem>>
        %dma_start3A_169 = arith.constant 0 : i32
        %dma_start3A_170 = arith.constant 0 : i32
        %dma_start3A_171 = tpu.memref_slice %arg4[%add3A_53, %dma_start3A_169, %dma_start3A_170] : memref<80x40x50xi32, #tpu.memory_space<hbm>> -> memref<1x40x50xi32, #tpu.memory_space<hbm>>
        %dma_start3A_172 = tpu.memref_squeeze %dma_start3A_171 : memref<1x40x50xi32, #tpu.memory_space<hbm>> -> memref<40x50xi32, #tpu.memory_space<hbm>>
        %dma_start3A_173 = arith.constant 0 : i32
        %dma_start3A_174 = arith.constant 0 : i32
        %dma_start3A_175 = tpu.memref_slice %arg4[%add3A_53, %dma_start3A_173, %dma_start3A_174] : memref<80x40x50xi32, #tpu.memory_space<hbm>> -> memref<1x40x50xi32, #tpu.memory_space<hbm>>
        %dma_start3A_176 = tpu.memref_squeeze %dma_start3A_175 : memref<1x40x50xi32, #tpu.memory_space<hbm>> -> memref<40x50xi32, #tpu.memory_space<hbm>>
        tpu.enqueue_dma source(%dma_start3A_176 : memref<40x50xi32, #tpu.memory_space<hbm>>) target(%arg7 : memref<40x50xi32, #tpu.memory_space<vmem>>) target_semaphore(%run_scoped3A : memref<!tpu.dma_semaphore, #tpu.memory_space<semaphore_mem>>)
        %dma_wait3A_177 = arith.constant 0 : i32
        %dma_wait3A_178 = arith.constant 0 : i32
        %dma_wait3A_179 = tpu.memref_slice %arg4[%add3A_53, %dma_wait3A_177, %dma_wait3A_178] : memref<80x40x50xi32, #tpu.memory_space<hbm>> -> memref<1x40x50xi32, #tpu.memory_space<hbm>>
        %dma_wait3A_180 = tpu.memref_squeeze %dma_wait3A_179 : memref<1x40x50xi32, #tpu.memory_space<hbm>> -> memref<40x50xi32, #tpu.memory_space<hbm>>
        %dma_wait3A_181 = arith.constant 0 : i32
        %dma_wait3A_182 = arith.constant 0 : i32
        %dma_wait3A_183 = tpu.memref_slice %arg4[%add3A_53, %dma_wait3A_181, %dma_wait3A_182] : memref<80x40x50xi32, #tpu.memory_space<hbm>> -> memref<1x40x50xi32, #tpu.memory_space<hbm>>
        %dma_wait3A_184 = tpu.memref_squeeze %dma_wait3A_183 : memref<1x40x50xi32, #tpu.memory_space<hbm>> -> memref<40x50xi32, #tpu.memory_space<hbm>>
        tpu.wait_dma2 semaphore(%run_scoped3A : memref<!tpu.dma_semaphore, #tpu.memory_space<semaphore_mem>>) src(%dma_wait3A_184 : memref<40x50xi32, #tpu.memory_space<hbm>>) dst(%arg7 : memref<40x50xi32, #tpu.memory_space<vmem>>)
        tpu.yield
      }) : () -> ()
      %dma_start3A = arith.constant 0 : i32
      %dma_start3A_54 = arith.constant 0 : i32
      %dma_start3A_55 = tpu.memref_slice %arg6[%dma_start3A, %dma_start3A_54] : memref<40x50xi32, #tpu.memory_space<vmem>> -> memref<1x50xi32, #tpu.memory_space<vmem>>
      %dma_start3A_56 = tpu.memref_squeeze %dma_start3A_55 : memref<1x50xi32, #tpu.memory_space<vmem>> -> memref<50xi32, #tpu.memory_space<vmem>>
      %dma_start3A_57 = arith.constant 0 : i32
      %dma_start3A_58 = arith.constant 0 : i32
      %dma_start3A_59 = tpu.memref_slice %arg2[%dma_start3A_57, %dma_start3A_58] : memref<20000x128xf32, #tpu.memory_space<hbm>> -> memref<20000x128xf32, #tpu.memory_space<hbm>>
      tpu.enqueue_indirect_dma source(%dma_start3A_59 : memref<20000x128xf32, #tpu.memory_space<hbm>>) target(%arg8 : memref<50x128xf32, #tpu.memory_space<vmem>>) offsets(%dma_start3A_56 : memref<50xi32, #tpu.memory_space<vmem>>) semaphore(%arg13 : memref<!tpu.dma_semaphore, #tpu.memory_space<semaphore_mem>>)
      %dma_start3A_60 = arith.constant 1 : i32
      %dma_start3A_61 = arith.constant 0 : i32
      %dma_start3A_62 = tpu.memref_slice %arg6[%dma_start3A_60, %dma_start3A_61] : memref<40x50xi32, #tpu.memory_space<vmem>> -> memref<1x50xi32, #tpu.memory_space<vmem>>
      %dma_start3A_63 = tpu.memref_squeeze %dma_start3A_62 : memref<1x50xi32, #tpu.memory_space<vmem>> -> memref<50xi32, #tpu.memory_space<vmem>>
      %dma_start3A_64 = arith.constant 0 : i32
      %dma_start3A_65 = arith.constant 0 : i32
      %dma_start3A_66 = tpu.memref_slice %arg2[%dma_start3A_64, %dma_start3A_65] : memref<20000x128xf32, #tpu.memory_space<hbm>> -> memref<20000x128xf32, #tpu.memory_space<hbm>>
      tpu.enqueue_indirect_dma source(%dma_start3A_66 : memref<20000x128xf32, #tpu.memory_space<hbm>>) target(%arg9 : memref<50x128xf32, #tpu.memory_space<vmem>>) offsets(%dma_start3A_63 : memref<50xi32, #tpu.memory_space<vmem>>) semaphore(%arg14 : memref<!tpu.dma_semaphore, #tpu.memory_space<semaphore_mem>>)
      %dma_start3A_67 = arith.constant 2 : i32
      %dma_start3A_68 = arith.constant 0 : i32
      %dma_start3A_69 = tpu.memref_slice %arg6[%dma_start3A_67, %dma_start3A_68] : memref<40x50xi32, #tpu.memory_space<vmem>> -> memref<1x50xi32, #tpu.memory_space<vmem>>
      %dma_start3A_70 = tpu.memref_squeeze %dma_start3A_69 : memref<1x50xi32, #tpu.memory_space<vmem>> -> memref<50xi32, #tpu.memory_space<vmem>>
      %dma_start3A_71 = arith.constant 0 : i32
      %dma_start3A_72 = arith.constant 0 : i32
      %dma_start3A_73 = tpu.memref_slice %arg2[%dma_start3A_71, %dma_start3A_72] : memref<20000x128xf32, #tpu.memory_space<hbm>> -> memref<20000x128xf32, #tpu.memory_space<hbm>>
      tpu.enqueue_indirect_dma source(%dma_start3A_73 : memref<20000x128xf32, #tpu.memory_space<hbm>>) target(%arg10 : memref<50x128xf32, #tpu.memory_space<vmem>>) offsets(%dma_start3A_70 : memref<50xi32, #tpu.memory_space<vmem>>) semaphore(%arg15 : memref<!tpu.dma_semaphore, #tpu.memory_space<semaphore_mem>>)
      %dma_start3A_74 = arith.constant 3 : i32
      %dma_start3A_75 = arith.constant 0 : i32
      %dma_start3A_76 = tpu.memref_slice %arg6[%dma_start3A_74, %dma_start3A_75] : memref<40x50xi32, #tpu.memory_space<vmem>> -> memref<1x50xi32, #tpu.memory_space<vmem>>
      %dma_start3A_77 = tpu.memref_squeeze %dma_start3A_76 : memref<1x50xi32, #tpu.memory_space<vmem>> -> memref<50xi32, #tpu.memory_space<vmem>>
      %dma_start3A_78 = arith.constant 0 : i32
      %dma_start3A_79 = arith.constant 0 : i32
      %dma_start3A_80 = tpu.memref_slice %arg2[%dma_start3A_78, %dma_start3A_79] : memref<20000x128xf32, #tpu.memory_space<hbm>> -> memref<20000x128xf32, #tpu.memory_space<hbm>>
      tpu.enqueue_indirect_dma source(%dma_start3A_80 : memref<20000x128xf32, #tpu.memory_space<hbm>>) target(%arg11 : memref<50x128xf32, #tpu.memory_space<vmem>>) offsets(%dma_start3A_77 : memref<50xi32, #tpu.memory_space<vmem>>) semaphore(%arg16 : memref<!tpu.dma_semaphore, #tpu.memory_space<semaphore_mem>>)
      %scan3A_81 = arith.constant 0 : i32
      %scan3A_82 = arith.constant 9 : i32
      %scan3A_83 = arith.addi %scan3A_81, %scan3A_82 : i32
      %scan3A_84 = arith.constant 1 : i32
      scf.for %scan3A_169 = %scan3A_81 to %scan3A_83 step %scan3A_84  : i32 {
        %mul3A_170 = arith.constant 4 : i32
        %mul3A_171 = arith.muli %scan3A_169, %mul3A_170 : i32
        %add3A_172 = arith.constant 0 : i32
        %add3A_173 = arith.addi %add3A_172, %mul3A_171 : i32
        %add3A_174 = arith.constant 0 : i32
        %add3A_175 = arith.addi %add3A_173, %add3A_174 : i32
        %dma_wait3A_176 = arith.constant 0 : i32
        %dma_wait3A_177 = tpu.memref_slice %arg6[%add3A_175, %dma_wait3A_176] : memref<40x50xi32, #tpu.memory_space<vmem>> -> memref<1x50xi32, #tpu.memory_space<vmem>>
        %dma_wait3A_178 = tpu.memref_squeeze %dma_wait3A_177 : memref<1x50xi32, #tpu.memory_space<vmem>> -> memref<50xi32, #tpu.memory_space<vmem>>
        %dma_wait3A_179 = arith.constant 0 : i32
        %dma_wait3A_180 = arith.constant 0 : i32
        %dma_wait3A_181 = tpu.memref_slice %arg2[%dma_wait3A_179, %dma_wait3A_180] : memref<20000x128xf32, #tpu.memory_space<hbm>> -> memref<20000x128xf32, #tpu.memory_space<hbm>>
        tpu.wait_indirect_dma semaphore(%arg13 : memref<!tpu.dma_semaphore, #tpu.memory_space<semaphore_mem>>) src(%dma_wait3A_181 : memref<20000x128xf32, #tpu.memory_space<hbm>>) dst(%arg8 : memref<50x128xf32, #tpu.memory_space<vmem>>)
        %add3A_182 = arith.constant 0 : i32
        %add3A_183 = arith.addi %add3A_173, %add3A_182 : i32
        %dma_start3A_184 = arith.constant 0 : i32
        %dma_start3A_185 = tpu.memref_slice %arg7[%add3A_183, %dma_start3A_184] : memref<40x50xi32, #tpu.memory_space<vmem>> -> memref<1x50xi32, #tpu.memory_space<vmem>>
        %dma_start3A_186 = tpu.memref_squeeze %dma_start3A_185 : memref<1x50xi32, #tpu.memory_space<vmem>> -> memref<50xi32, #tpu.memory_space<vmem>>
        %dma_start3A_187 = arith.constant 0 : i32
        %dma_start3A_188 = arith.constant 0 : i32
        %dma_start3A_189 = tpu.memref_slice %arg12[%dma_start3A_187, %dma_start3A_188] : memref<10000x128xf32, #tpu.memory_space<vmem_shared>> -> memref<10000x128xf32, #tpu.memory_space<vmem_shared>>
        tpu.enqueue_indirect_dma source(%arg8 : memref<50x128xf32, #tpu.memory_space<vmem>>) target(%dma_start3A_189 : memref<10000x128xf32, #tpu.memory_space<vmem_shared>>) offsets(%dma_start3A_186 : memref<50xi32, #tpu.memory_space<vmem>>) semaphore(%arg17 : memref<!tpu.dma_semaphore, #tpu.memory_space<semaphore_mem>>) {add = true}
        %add3A_190 = arith.constant 1 : i32
        %add3A_191 = arith.addi %add3A_173, %add3A_190 : i32
        %dma_wait3A_192 = arith.constant 0 : i32
        %dma_wait3A_193 = tpu.memref_slice %arg6[%add3A_191, %dma_wait3A_192] : memref<40x50xi32, #tpu.memory_space<vmem>> -> memref<1x50xi32, #tpu.memory_space<vmem>>
        %dma_wait3A_194 = tpu.memref_squeeze %dma_wait3A_193 : memref<1x50xi32, #tpu.memory_space<vmem>> -> memref<50xi32, #tpu.memory_space<vmem>>
        %dma_wait3A_195 = arith.constant 0 : i32
        %dma_wait3A_196 = arith.constant 0 : i32
        %dma_wait3A_197 = tpu.memref_slice %arg2[%dma_wait3A_195, %dma_wait3A_196] : memref<20000x128xf32, #tpu.memory_space<hbm>> -> memref<20000x128xf32, #tpu.memory_space<hbm>>
        tpu.wait_indirect_dma semaphore(%arg14 : memref<!tpu.dma_semaphore, #tpu.memory_space<semaphore_mem>>) src(%dma_wait3A_197 : memref<20000x128xf32, #tpu.memory_space<hbm>>) dst(%arg9 : memref<50x128xf32, #tpu.memory_space<vmem>>)
        %add3A_198 = arith.constant 1 : i32
        %add3A_199 = arith.addi %add3A_173, %add3A_198 : i32
        %dma_start3A_200 = arith.constant 0 : i32
        %dma_start3A_201 = tpu.memref_slice %arg7[%add3A_199, %dma_start3A_200] : memref<40x50xi32, #tpu.memory_space<vmem>> -> memref<1x50xi32, #tpu.memory_space<vmem>>
        %dma_start3A_202 = tpu.memref_squeeze %dma_start3A_201 : memref<1x50xi32, #tpu.memory_space<vmem>> -> memref<50xi32, #tpu.memory_space<vmem>>
        %dma_start3A_203 = arith.constant 0 : i32
        %dma_start3A_204 = arith.constant 0 : i32
        %dma_start3A_205 = tpu.memref_slice %arg12[%dma_start3A_203, %dma_start3A_204] : memref<10000x128xf32, #tpu.memory_space<vmem_shared>> -> memref<10000x128xf32, #tpu.memory_space<vmem_shared>>
        tpu.enqueue_indirect_dma source(%arg9 : memref<50x128xf32, #tpu.memory_space<vmem>>) target(%dma_start3A_205 : memref<10000x128xf32, #tpu.memory_space<vmem_shared>>) offsets(%dma_start3A_202 : memref<50xi32, #tpu.memory_space<vmem>>) semaphore(%arg18 : memref<!tpu.dma_semaphore, #tpu.memory_space<semaphore_mem>>) {add = true}
        %add3A_206 = arith.constant 2 : i32
        %add3A_207 = arith.addi %add3A_173, %add3A_206 : i32
        %dma_wait3A_208 = arith.constant 0 : i32
        %dma_wait3A_209 = tpu.memref_slice %arg6[%add3A_207, %dma_wait3A_208] : memref<40x50xi32, #tpu.memory_space<vmem>> -> memref<1x50xi32, #tpu.memory_space<vmem>>
        %dma_wait3A_210 = tpu.memref_squeeze %dma_wait3A_209 : memref<1x50xi32, #tpu.memory_space<vmem>> -> memref<50xi32, #tpu.memory_space<vmem>>
        %dma_wait3A_211 = arith.constant 0 : i32
        %dma_wait3A_212 = arith.constant 0 : i32
        %dma_wait3A_213 = tpu.memref_slice %arg2[%dma_wait3A_211, %dma_wait3A_212] : memref<20000x128xf32, #tpu.memory_space<hbm>> -> memref<20000x128xf32, #tpu.memory_space<hbm>>
        tpu.wait_indirect_dma semaphore(%arg15 : memref<!tpu.dma_semaphore, #tpu.memory_space<semaphore_mem>>) src(%dma_wait3A_213 : memref<20000x128xf32, #tpu.memory_space<hbm>>) dst(%arg10 : memref<50x128xf32, #tpu.memory_space<vmem>>)
        %add3A_214 = arith.constant 2 : i32
        %add3A_215 = arith.addi %add3A_173, %add3A_214 : i32
        %dma_start3A_216 = arith.constant 0 : i32
        %dma_start3A_217 = tpu.memref_slice %arg7[%add3A_215, %dma_start3A_216] : memref<40x50xi32, #tpu.memory_space<vmem>> -> memref<1x50xi32, #tpu.memory_space<vmem>>
        %dma_start3A_218 = tpu.memref_squeeze %dma_start3A_217 : memref<1x50xi32, #tpu.memory_space<vmem>> -> memref<50xi32, #tpu.memory_space<vmem>>
        %dma_start3A_219 = arith.constant 0 : i32
        %dma_start3A_220 = arith.constant 0 : i32
        %dma_start3A_221 = tpu.memref_slice %arg12[%dma_start3A_219, %dma_start3A_220] : memref<10000x128xf32, #tpu.memory_space<vmem_shared>> -> memref<10000x128xf32, #tpu.memory_space<vmem_shared>>
        tpu.enqueue_indirect_dma source(%arg10 : memref<50x128xf32, #tpu.memory_space<vmem>>) target(%dma_start3A_221 : memref<10000x128xf32, #tpu.memory_space<vmem_shared>>) offsets(%dma_start3A_218 : memref<50xi32, #tpu.memory_space<vmem>>) semaphore(%arg19 : memref<!tpu.dma_semaphore, #tpu.memory_space<semaphore_mem>>) {add = true}
        %add3A_222 = arith.constant 3 : i32
        %add3A_223 = arith.addi %add3A_173, %add3A_222 : i32
        %dma_wait3A_224 = arith.constant 0 : i32
        %dma_wait3A_225 = tpu.memref_slice %arg6[%add3A_223, %dma_wait3A_224] : memref<40x50xi32, #tpu.memory_space<vmem>> -> memref<1x50xi32, #tpu.memory_space<vmem>>
        %dma_wait3A_226 = tpu.memref_squeeze %dma_wait3A_225 : memref<1x50xi32, #tpu.memory_space<vmem>> -> memref<50xi32, #tpu.memory_space<vmem>>
        %dma_wait3A_227 = arith.constant 0 : i32
        %dma_wait3A_228 = arith.constant 0 : i32
        %dma_wait3A_229 = tpu.memref_slice %arg2[%dma_wait3A_227, %dma_wait3A_228] : memref<20000x128xf32, #tpu.memory_space<hbm>> -> memref<20000x128xf32, #tpu.memory_space<hbm>>
        tpu.wait_indirect_dma semaphore(%arg16 : memref<!tpu.dma_semaphore, #tpu.memory_space<semaphore_mem>>) src(%dma_wait3A_229 : memref<20000x128xf32, #tpu.memory_space<hbm>>) dst(%arg11 : memref<50x128xf32, #tpu.memory_space<vmem>>)
        %add3A_230 = arith.constant 3 : i32
        %add3A_231 = arith.addi %add3A_173, %add3A_230 : i32
        %dma_start3A_232 = arith.constant 0 : i32
        %dma_start3A_233 = tpu.memref_slice %arg7[%add3A_231, %dma_start3A_232] : memref<40x50xi32, #tpu.memory_space<vmem>> -> memref<1x50xi32, #tpu.memory_space<vmem>>
        %dma_start3A_234 = tpu.memref_squeeze %dma_start3A_233 : memref<1x50xi32, #tpu.memory_space<vmem>> -> memref<50xi32, #tpu.memory_space<vmem>>
        %dma_start3A_235 = arith.constant 0 : i32
        %dma_start3A_236 = arith.constant 0 : i32
        %dma_start3A_237 = tpu.memref_slice %arg12[%dma_start3A_235, %dma_start3A_236] : memref<10000x128xf32, #tpu.memory_space<vmem_shared>> -> memref<10000x128xf32, #tpu.memory_space<vmem_shared>>
        tpu.enqueue_indirect_dma source(%arg11 : memref<50x128xf32, #tpu.memory_space<vmem>>) target(%dma_start3A_237 : memref<10000x128xf32, #tpu.memory_space<vmem_shared>>) offsets(%dma_start3A_234 : memref<50xi32, #tpu.memory_space<vmem>>) semaphore(%arg20 : memref<!tpu.dma_semaphore, #tpu.memory_space<semaphore_mem>>) {add = true}
        %add3A_238 = arith.constant 0 : i32
        %add3A_239 = arith.addi %add3A_173, %add3A_238 : i32
        %dma_wait3A_240 = arith.constant 0 : i32
        %dma_wait3A_241 = tpu.memref_slice %arg7[%add3A_239, %dma_wait3A_240] : memref<40x50xi32, #tpu.memory_space<vmem>> -> memref<1x50xi32, #tpu.memory_space<vmem>>
        %dma_wait3A_242 = tpu.memref_squeeze %dma_wait3A_241 : memref<1x50xi32, #tpu.memory_space<vmem>> -> memref<50xi32, #tpu.memory_space<vmem>>
        %dma_wait3A_243 = arith.constant 0 : i32
        %dma_wait3A_244 = arith.constant 0 : i32
        %dma_wait3A_245 = tpu.memref_slice %arg12[%dma_wait3A_243, %dma_wait3A_244] : memref<10000x128xf32, #tpu.memory_space<vmem_shared>> -> memref<10000x128xf32, #tpu.memory_space<vmem_shared>>
        tpu.wait_indirect_dma semaphore(%arg17 : memref<!tpu.dma_semaphore, #tpu.memory_space<semaphore_mem>>) src(%arg8 : memref<50x128xf32, #tpu.memory_space<vmem>>) dst(%dma_wait3A_245 : memref<10000x128xf32, #tpu.memory_space<vmem_shared>>)
        %add3A_246 = arith.constant 4 : i32
        %add3A_247 = arith.addi %add3A_173, %add3A_246 : i32
        %add3A_248 = arith.constant 0 : i32
        %add3A_249 = arith.addi %add3A_247, %add3A_248 : i32
        %dma_start3A_250 = arith.constant 0 : i32
        %dma_start3A_251 = tpu.memref_slice %arg6[%add3A_249, %dma_start3A_250] : memref<40x50xi32, #tpu.memory_space<vmem>> -> memref<1x50xi32, #tpu.memory_space<vmem>>
        %dma_start3A_252 = tpu.memref_squeeze %dma_start3A_251 : memref<1x50xi32, #tpu.memory_space<vmem>> -> memref<50xi32, #tpu.memory_space<vmem>>
        %dma_start3A_253 = arith.constant 0 : i32
        %dma_start3A_254 = arith.constant 0 : i32
        %dma_start3A_255 = tpu.memref_slice %arg2[%dma_start3A_253, %dma_start3A_254] : memref<20000x128xf32, #tpu.memory_space<hbm>> -> memref<20000x128xf32, #tpu.memory_space<hbm>>
        tpu.enqueue_indirect_dma source(%dma_start3A_255 : memref<20000x128xf32, #tpu.memory_space<hbm>>) target(%arg8 : memref<50x128xf32, #tpu.memory_space<vmem>>) offsets(%dma_start3A_252 : memref<50xi32, #tpu.memory_space<vmem>>) semaphore(%arg13 : memref<!tpu.dma_semaphore, #tpu.memory_space<semaphore_mem>>)
        %add3A_256 = arith.constant 1 : i32
        %add3A_257 = arith.addi %add3A_173, %add3A_256 : i32
        %dma_wait3A_258 = arith.constant 0 : i32
        %dma_wait3A_259 = tpu.memref_slice %arg7[%add3A_257, %dma_wait3A_258] : memref<40x50xi32, #tpu.memory_space<vmem>> -> memref<1x50xi32, #tpu.memory_space<vmem>>
        %dma_wait3A_260 = tpu.memref_squeeze %dma_wait3A_259 : memref<1x50xi32, #tpu.memory_space<vmem>> -> memref<50xi32, #tpu.memory_space<vmem>>
        %dma_wait3A_261 = arith.constant 0 : i32
        %dma_wait3A_262 = arith.constant 0 : i32
        %dma_wait3A_263 = tpu.memref_slice %arg12[%dma_wait3A_261, %dma_wait3A_262] : memref<10000x128xf32, #tpu.memory_space<vmem_shared>> -> memref<10000x128xf32, #tpu.memory_space<vmem_shared>>
        tpu.wait_indirect_dma semaphore(%arg18 : memref<!tpu.dma_semaphore, #tpu.memory_space<semaphore_mem>>) src(%arg9 : memref<50x128xf32, #tpu.memory_space<vmem>>) dst(%dma_wait3A_263 : memref<10000x128xf32, #tpu.memory_space<vmem_shared>>)
        %add3A_264 = arith.constant 4 : i32
        %add3A_265 = arith.addi %add3A_173, %add3A_264 : i32
        %add3A_266 = arith.constant 1 : i32
        %add3A_267 = arith.addi %add3A_265, %add3A_266 : i32
        %dma_start3A_268 = arith.constant 0 : i32
        %dma_start3A_269 = tpu.memref_slice %arg6[%add3A_267, %dma_start3A_268] : memref<40x50xi32, #tpu.memory_space<vmem>> -> memref<1x50xi32, #tpu.memory_space<vmem>>
        %dma_start3A_270 = tpu.memref_squeeze %dma_start3A_269 : memref<1x50xi32, #tpu.memory_space<vmem>> -> memref<50xi32, #tpu.memory_space<vmem>>
        %dma_start3A_271 = arith.constant 0 : i32
        %dma_start3A_272 = arith.constant 0 : i32
        %dma_start3A_273 = tpu.memref_slice %arg2[%dma_start3A_271, %dma_start3A_272] : memref<20000x128xf32, #tpu.memory_space<hbm>> -> memref<20000x128xf32, #tpu.memory_space<hbm>>
        tpu.enqueue_indirect_dma source(%dma_start3A_273 : memref<20000x128xf32, #tpu.memory_space<hbm>>) target(%arg9 : memref<50x128xf32, #tpu.memory_space<vmem>>) offsets(%dma_start3A_270 : memref<50xi32, #tpu.memory_space<vmem>>) semaphore(%arg14 : memref<!tpu.dma_semaphore, #tpu.memory_space<semaphore_mem>>)
        %add3A_274 = arith.constant 2 : i32
        %add3A_275 = arith.addi %add3A_173, %add3A_274 : i32
        %dma_wait3A_276 = arith.constant 0 : i32
        %dma_wait3A_277 = tpu.memref_slice %arg7[%add3A_275, %dma_wait3A_276] : memref<40x50xi32, #tpu.memory_space<vmem>> -> memref<1x50xi32, #tpu.memory_space<vmem>>
        %dma_wait3A_278 = tpu.memref_squeeze %dma_wait3A_277 : memref<1x50xi32, #tpu.memory_space<vmem>> -> memref<50xi32, #tpu.memory_space<vmem>>
        %dma_wait3A_279 = arith.constant 0 : i32
        %dma_wait3A_280 = arith.constant 0 : i32
        %dma_wait3A_281 = tpu.memref_slice %arg12[%dma_wait3A_279, %dma_wait3A_280] : memref<10000x128xf32, #tpu.memory_space<vmem_shared>> -> memref<10000x128xf32, #tpu.memory_space<vmem_shared>>
        tpu.wait_indirect_dma semaphore(%arg19 : memref<!tpu.dma_semaphore, #tpu.memory_space<semaphore_mem>>) src(%arg10 : memref<50x128xf32, #tpu.memory_space<vmem>>) dst(%dma_wait3A_281 : memref<10000x128xf32, #tpu.memory_space<vmem_shared>>)
        %add3A_282 = arith.constant 4 : i32
        %add3A_283 = arith.addi %add3A_173, %add3A_282 : i32
        %add3A_284 = arith.constant 2 : i32
        %add3A_285 = arith.addi %add3A_283, %add3A_284 : i32
        %dma_start3A_286 = arith.constant 0 : i32
        %dma_start3A_287 = tpu.memref_slice %arg6[%add3A_285, %dma_start3A_286] : memref<40x50xi32, #tpu.memory_space<vmem>> -> memref<1x50xi32, #tpu.memory_space<vmem>>
        %dma_start3A_288 = tpu.memref_squeeze %dma_start3A_287 : memref<1x50xi32, #tpu.memory_space<vmem>> -> memref<50xi32, #tpu.memory_space<vmem>>
        %dma_start3A_289 = arith.constant 0 : i32
        %dma_start3A_290 = arith.constant 0 : i32
        %dma_start3A_291 = tpu.memref_slice %arg2[%dma_start3A_289, %dma_start3A_290] : memref<20000x128xf32, #tpu.memory_space<hbm>> -> memref<20000x128xf32, #tpu.memory_space<hbm>>
        tpu.enqueue_indirect_dma source(%dma_start3A_291 : memref<20000x128xf32, #tpu.memory_space<hbm>>) target(%arg10 : memref<50x128xf32, #tpu.memory_space<vmem>>) offsets(%dma_start3A_288 : memref<50xi32, #tpu.memory_space<vmem>>) semaphore(%arg15 : memref<!tpu.dma_semaphore, #tpu.memory_space<semaphore_mem>>)
        %add3A_292 = arith.constant 3 : i32
        %add3A_293 = arith.addi %add3A_173, %add3A_292 : i32
        %dma_wait3A_294 = arith.constant 0 : i32
        %dma_wait3A_295 = tpu.memref_slice %arg7[%add3A_293, %dma_wait3A_294] : memref<40x50xi32, #tpu.memory_space<vmem>> -> memref<1x50xi32, #tpu.memory_space<vmem>>
        %dma_wait3A_296 = tpu.memref_squeeze %dma_wait3A_295 : memref<1x50xi32, #tpu.memory_space<vmem>> -> memref<50xi32, #tpu.memory_space<vmem>>
        %dma_wait3A_297 = arith.constant 0 : i32
        %dma_wait3A_298 = arith.constant 0 : i32
        %dma_wait3A_299 = tpu.memref_slice %arg12[%dma_wait3A_297, %dma_wait3A_298] : memref<10000x128xf32, #tpu.memory_space<vmem_shared>> -> memref<10000x128xf32, #tpu.memory_space<vmem_shared>>
        tpu.wait_indirect_dma semaphore(%arg20 : memref<!tpu.dma_semaphore, #tpu.memory_space<semaphore_mem>>) src(%arg11 : memref<50x128xf32, #tpu.memory_space<vmem>>) dst(%dma_wait3A_299 : memref<10000x128xf32, #tpu.memory_space<vmem_shared>>)
        %add3A_300 = arith.constant 4 : i32
        %add3A_301 = arith.addi %add3A_173, %add3A_300 : i32
        %add3A_302 = arith.constant 3 : i32
        %add3A_303 = arith.addi %add3A_301, %add3A_302 : i32
        %dma_start3A_304 = arith.constant 0 : i32
        %dma_start3A_305 = tpu.memref_slice %arg6[%add3A_303, %dma_start3A_304] : memref<40x50xi32, #tpu.memory_space<vmem>> -> memref<1x50xi32, #tpu.memory_space<vmem>>
        %dma_start3A_306 = tpu.memref_squeeze %dma_start3A_305 : memref<1x50xi32, #tpu.memory_space<vmem>> -> memref<50xi32, #tpu.memory_space<vmem>>
        %dma_start3A_307 = arith.constant 0 : i32
        %dma_start3A_308 = arith.constant 0 : i32
        %dma_start3A_309 = tpu.memref_slice %arg2[%dma_start3A_307, %dma_start3A_308] : memref<20000x128xf32, #tpu.memory_space<hbm>> -> memref<20000x128xf32, #tpu.memory_space<hbm>>
        tpu.enqueue_indirect_dma source(%dma_start3A_309 : memref<20000x128xf32, #tpu.memory_space<hbm>>) target(%arg11 : memref<50x128xf32, #tpu.memory_space<vmem>>) offsets(%dma_start3A_306 : memref<50xi32, #tpu.memory_space<vmem>>) semaphore(%arg16 : memref<!tpu.dma_semaphore, #tpu.memory_space<semaphore_mem>>)
      }
      %scan3A_85 = arith.constant 9 : i32
      %dma_wait3A = arith.constant 36 : i32
      %dma_wait3A_86 = arith.constant 0 : i32
      %dma_wait3A_87 = tpu.memref_slice %arg6[%dma_wait3A, %dma_wait3A_86] : memref<40x50xi32, #tpu.memory_space<vmem>> -> memref<1x50xi32, #tpu.memory_space<vmem>>
      %dma_wait3A_88 = tpu.memref_squeeze %dma_wait3A_87 : memref<1x50xi32, #tpu.memory_space<vmem>> -> memref<50xi32, #tpu.memory_space<vmem>>
      %dma_wait3A_89 = arith.constant 0 : i32
      %dma_wait3A_90 = arith.constant 0 : i32
      %dma_wait3A_91 = tpu.memref_slice %arg2[%dma_wait3A_89, %dma_wait3A_90] : memref<20000x128xf32, #tpu.memory_space<hbm>> -> memref<20000x128xf32, #tpu.memory_space<hbm>>
      tpu.wait_indirect_dma semaphore(%arg13 : memref<!tpu.dma_semaphore, #tpu.memory_space<semaphore_mem>>) src(%dma_wait3A_91 : memref<20000x128xf32, #tpu.memory_space<hbm>>) dst(%arg8 : memref<50x128xf32, #tpu.memory_space<vmem>>)
      %dma_start3A_92 = arith.constant 36 : i32
      %dma_start3A_93 = arith.constant 0 : i32
      %dma_start3A_94 = tpu.memref_slice %arg7[%dma_start3A_92, %dma_start3A_93] : memref<40x50xi32, #tpu.memory_space<vmem>> -> memref<1x50xi32, #tpu.memory_space<vmem>>
      %dma_start3A_95 = tpu.memref_squeeze %dma_start3A_94 : memref<1x50xi32, #tpu.memory_space<vmem>> -> memref<50xi32, #tpu.memory_space<vmem>>
      %dma_start3A_96 = arith.constant 0 : i32
      %dma_start3A_97 = arith.constant 0 : i32
      %dma_start3A_98 = tpu.memref_slice %arg12[%dma_start3A_96, %dma_start3A_97] : memref<10000x128xf32, #tpu.memory_space<vmem_shared>> -> memref<10000x128xf32, #tpu.memory_space<vmem_shared>>
      tpu.enqueue_indirect_dma source(%arg8 : memref<50x128xf32, #tpu.memory_space<vmem>>) target(%dma_start3A_98 : memref<10000x128xf32, #tpu.memory_space<vmem_shared>>) offsets(%dma_start3A_95 : memref<50xi32, #tpu.memory_space<vmem>>) semaphore(%arg17 : memref<!tpu.dma_semaphore, #tpu.memory_space<semaphore_mem>>) {add = true}
      %dma_wait3A_99 = arith.constant 37 : i32
      %dma_wait3A_100 = arith.constant 0 : i32
      %dma_wait3A_101 = tpu.memref_slice %arg6[%dma_wait3A_99, %dma_wait3A_100] : memref<40x50xi32, #tpu.memory_space<vmem>> -> memref<1x50xi32, #tpu.memory_space<vmem>>
      %dma_wait3A_102 = tpu.memref_squeeze %dma_wait3A_101 : memref<1x50xi32, #tpu.memory_space<vmem>> -> memref<50xi32, #tpu.memory_space<vmem>>
      %dma_wait3A_103 = arith.constant 0 : i32
      %dma_wait3A_104 = arith.constant 0 : i32
      %dma_wait3A_105 = tpu.memref_slice %arg2[%dma_wait3A_103, %dma_wait3A_104] : memref<20000x128xf32, #tpu.memory_space<hbm>> -> memref<20000x128xf32, #tpu.memory_space<hbm>>
      tpu.wait_indirect_dma semaphore(%arg14 : memref<!tpu.dma_semaphore, #tpu.memory_space<semaphore_mem>>) src(%dma_wait3A_105 : memref<20000x128xf32, #tpu.memory_space<hbm>>) dst(%arg9 : memref<50x128xf32, #tpu.memory_space<vmem>>)
      %dma_start3A_106 = arith.constant 37 : i32
      %dma_start3A_107 = arith.constant 0 : i32
      %dma_start3A_108 = tpu.memref_slice %arg7[%dma_start3A_106, %dma_start3A_107] : memref<40x50xi32, #tpu.memory_space<vmem>> -> memref<1x50xi32, #tpu.memory_space<vmem>>
      %dma_start3A_109 = tpu.memref_squeeze %dma_start3A_108 : memref<1x50xi32, #tpu.memory_space<vmem>> -> memref<50xi32, #tpu.memory_space<vmem>>
      %dma_start3A_110 = arith.constant 0 : i32
      %dma_start3A_111 = arith.constant 0 : i32
      %dma_start3A_112 = tpu.memref_slice %arg12[%dma_start3A_110, %dma_start3A_111] : memref<10000x128xf32, #tpu.memory_space<vmem_shared>> -> memref<10000x128xf32, #tpu.memory_space<vmem_shared>>
      tpu.enqueue_indirect_dma source(%arg9 : memref<50x128xf32, #tpu.memory_space<vmem>>) target(%dma_start3A_112 : memref<10000x128xf32, #tpu.memory_space<vmem_shared>>) offsets(%dma_start3A_109 : memref<50xi32, #tpu.memory_space<vmem>>) semaphore(%arg18 : memref<!tpu.dma_semaphore, #tpu.memory_space<semaphore_mem>>) {add = true}
      %dma_wait3A_113 = arith.constant 38 : i32
      %dma_wait3A_114 = arith.constant 0 : i32
      %dma_wait3A_115 = tpu.memref_slice %arg6[%dma_wait3A_113, %dma_wait3A_114] : memref<40x50xi32, #tpu.memory_space<vmem>> -> memref<1x50xi32, #tpu.memory_space<vmem>>
      %dma_wait3A_116 = tpu.memref_squeeze %dma_wait3A_115 : memref<1x50xi32, #tpu.memory_space<vmem>> -> memref<50xi32, #tpu.memory_space<vmem>>
      %dma_wait3A_117 = arith.constant 0 : i32
      %dma_wait3A_118 = arith.constant 0 : i32
      %dma_wait3A_119 = tpu.memref_slice %arg2[%dma_wait3A_117, %dma_wait3A_118] : memref<20000x128xf32, #tpu.memory_space<hbm>> -> memref<20000x128xf32, #tpu.memory_space<hbm>>
      tpu.wait_indirect_dma semaphore(%arg15 : memref<!tpu.dma_semaphore, #tpu.memory_space<semaphore_mem>>) src(%dma_wait3A_119 : memref<20000x128xf32, #tpu.memory_space<hbm>>) dst(%arg10 : memref<50x128xf32, #tpu.memory_space<vmem>>)
      %dma_start3A_120 = arith.constant 38 : i32
      %dma_start3A_121 = arith.constant 0 : i32
      %dma_start3A_122 = tpu.memref_slice %arg7[%dma_start3A_120, %dma_start3A_121] : memref<40x50xi32, #tpu.memory_space<vmem>> -> memref<1x50xi32, #tpu.memory_space<vmem>>
      %dma_start3A_123 = tpu.memref_squeeze %dma_start3A_122 : memref<1x50xi32, #tpu.memory_space<vmem>> -> memref<50xi32, #tpu.memory_space<vmem>>
      %dma_start3A_124 = arith.constant 0 : i32
      %dma_start3A_125 = arith.constant 0 : i32
      %dma_start3A_126 = tpu.memref_slice %arg12[%dma_start3A_124, %dma_start3A_125] : memref<10000x128xf32, #tpu.memory_space<vmem_shared>> -> memref<10000x128xf32, #tpu.memory_space<vmem_shared>>
      tpu.enqueue_indirect_dma source(%arg10 : memref<50x128xf32, #tpu.memory_space<vmem>>) target(%dma_start3A_126 : memref<10000x128xf32, #tpu.memory_space<vmem_shared>>) offsets(%dma_start3A_123 : memref<50xi32, #tpu.memory_space<vmem>>) semaphore(%arg19 : memref<!tpu.dma_semaphore, #tpu.memory_space<semaphore_mem>>) {add = true}
      %dma_wait3A_127 = arith.constant 39 : i32
      %dma_wait3A_128 = arith.constant 0 : i32
      %dma_wait3A_129 = tpu.memref_slice %arg6[%dma_wait3A_127, %dma_wait3A_128] : memref<40x50xi32, #tpu.memory_space<vmem>> -> memref<1x50xi32, #tpu.memory_space<vmem>>
      %dma_wait3A_130 = tpu.memref_squeeze %dma_wait3A_129 : memref<1x50xi32, #tpu.memory_space<vmem>> -> memref<50xi32, #tpu.memory_space<vmem>>
      %dma_wait3A_131 = arith.constant 0 : i32
      %dma_wait3A_132 = arith.constant 0 : i32
      %dma_wait3A_133 = tpu.memref_slice %arg2[%dma_wait3A_131, %dma_wait3A_132] : memref<20000x128xf32, #tpu.memory_space<hbm>> -> memref<20000x128xf32, #tpu.memory_space<hbm>>
      tpu.wait_indirect_dma semaphore(%arg16 : memref<!tpu.dma_semaphore, #tpu.memory_space<semaphore_mem>>) src(%dma_wait3A_133 : memref<20000x128xf32, #tpu.memory_space<hbm>>) dst(%arg11 : memref<50x128xf32, #tpu.memory_space<vmem>>)
      %dma_start3A_134 = arith.constant 39 : i32
      %dma_start3A_135 = arith.constant 0 : i32
      %dma_start3A_136 = tpu.memref_slice %arg7[%dma_start3A_134, %dma_start3A_135] : memref<40x50xi32, #tpu.memory_space<vmem>> -> memref<1x50xi32, #tpu.memory_space<vmem>>
      %dma_start3A_137 = tpu.memref_squeeze %dma_start3A_136 : memref<1x50xi32, #tpu.memory_space<vmem>> -> memref<50xi32, #tpu.memory_space<vmem>>
      %dma_start3A_138 = arith.constant 0 : i32
      %dma_start3A_139 = arith.constant 0 : i32
      %dma_start3A_140 = tpu.memref_slice %arg12[%dma_start3A_138, %dma_start3A_139] : memref<10000x128xf32, #tpu.memory_space<vmem_shared>> -> memref<10000x128xf32, #tpu.memory_space<vmem_shared>>
      tpu.enqueue_indirect_dma source(%arg11 : memref<50x128xf32, #tpu.memory_space<vmem>>) target(%dma_start3A_140 : memref<10000x128xf32, #tpu.memory_space<vmem_shared>>) offsets(%dma_start3A_137 : memref<50xi32, #tpu.memory_space<vmem>>) semaphore(%arg20 : memref<!tpu.dma_semaphore, #tpu.memory_space<semaphore_mem>>) {add = true}
      %dma_wait3A_141 = arith.constant 36 : i32
      %dma_wait3A_142 = arith.constant 0 : i32
      %dma_wait3A_143 = tpu.memref_slice %arg7[%dma_wait3A_141, %dma_wait3A_142] : memref<40x50xi32, #tpu.memory_space<vmem>> -> memref<1x50xi32, #tpu.memory_space<vmem>>
      %dma_wait3A_144 = tpu.memref_squeeze %dma_wait3A_143 : memref<1x50xi32, #tpu.memory_space<vmem>> -> memref<50xi32, #tpu.memory_space<vmem>>
      %dma_wait3A_145 = arith.constant 0 : i32
      %dma_wait3A_146 = arith.constant 0 : i32
      %dma_wait3A_147 = tpu.memref_slice %arg12[%dma_wait3A_145, %dma_wait3A_146] : memref<10000x128xf32, #tpu.memory_space<vmem_shared>> -> memref<10000x128xf32, #tpu.memory_space<vmem_shared>>
      tpu.wait_indirect_dma semaphore(%arg17 : memref<!tpu.dma_semaphore, #tpu.memory_space<semaphore_mem>>) src(%arg8 : memref<50x128xf32, #tpu.memory_space<vmem>>) dst(%dma_wait3A_147 : memref<10000x128xf32, #tpu.memory_space<vmem_shared>>)
      %dma_wait3A_148 = arith.constant 37 : i32
      %dma_wait3A_149 = arith.constant 0 : i32
      %dma_wait3A_150 = tpu.memref_slice %arg7[%dma_wait3A_148, %dma_wait3A_149] : memref<40x50xi32, #tpu.memory_space<vmem>> -> memref<1x50xi32, #tpu.memory_space<vmem>>
      %dma_wait3A_151 = tpu.memref_squeeze %dma_wait3A_150 : memref<1x50xi32, #tpu.memory_space<vmem>> -> memref<50xi32, #tpu.memory_space<vmem>>
      %dma_wait3A_152 = arith.constant 0 : i32
      %dma_wait3A_153 = arith.constant 0 : i32
      %dma_wait3A_154 = tpu.memref_slice %arg12[%dma_wait3A_152, %dma_wait3A_153] : memref<10000x128xf32, #tpu.memory_space<vmem_shared>> -> memref<10000x128xf32, #tpu.memory_space<vmem_shared>>
      tpu.wait_indirect_dma semaphore(%arg18 : memref<!tpu.dma_semaphore, #tpu.memory_space<semaphore_mem>>) src(%arg9 : memref<50x128xf32, #tpu.memory_space<vmem>>) dst(%dma_wait3A_154 : memref<10000x128xf32, #tpu.memory_space<vmem_shared>>)
      %dma_wait3A_155 = arith.constant 38 : i32
      %dma_wait3A_156 = arith.constant 0 : i32
      %dma_wait3A_157 = tpu.memref_slice %arg7[%dma_wait3A_155, %dma_wait3A_156] : memref<40x50xi32, #tpu.memory_space<vmem>> -> memref<1x50xi32, #tpu.memory_space<vmem>>
      %dma_wait3A_158 = tpu.memref_squeeze %dma_wait3A_157 : memref<1x50xi32, #tpu.memory_space<vmem>> -> memref<50xi32, #tpu.memory_space<vmem>>
      %dma_wait3A_159 = arith.constant 0 : i32
      %dma_wait3A_160 = arith.constant 0 : i32
      %dma_wait3A_161 = tpu.memref_slice %arg12[%dma_wait3A_159, %dma_wait3A_160] : memref<10000x128xf32, #tpu.memory_space<vmem_shared>> -> memref<10000x128xf32, #tpu.memory_space<vmem_shared>>
      tpu.wait_indirect_dma semaphore(%arg19 : memref<!tpu.dma_semaphore, #tpu.memory_space<semaphore_mem>>) src(%arg10 : memref<50x128xf32, #tpu.memory_space<vmem>>) dst(%dma_wait3A_161 : memref<10000x128xf32, #tpu.memory_space<vmem_shared>>)
      %dma_wait3A_162 = arith.constant 39 : i32
      %dma_wait3A_163 = arith.constant 0 : i32
      %dma_wait3A_164 = tpu.memref_slice %arg7[%dma_wait3A_162, %dma_wait3A_163] : memref<40x50xi32, #tpu.memory_space<vmem>> -> memref<1x50xi32, #tpu.memory_space<vmem>>
      %dma_wait3A_165 = tpu.memref_squeeze %dma_wait3A_164 : memref<1x50xi32, #tpu.memory_space<vmem>> -> memref<50xi32, #tpu.memory_space<vmem>>
      %dma_wait3A_166 = arith.constant 0 : i32
      %dma_wait3A_167 = arith.constant 0 : i32
      %dma_wait3A_168 = tpu.memref_slice %arg12[%dma_wait3A_166, %dma_wait3A_167] : memref<10000x128xf32, #tpu.memory_space<vmem_shared>> -> memref<10000x128xf32, #tpu.memory_space<vmem_shared>>
      tpu.wait_indirect_dma semaphore(%arg20 : memref<!tpu.dma_semaphore, #tpu.memory_space<semaphore_mem>>) src(%arg11 : memref<50x128xf32, #tpu.memory_space<vmem>>) dst(%dma_wait3A_168 : memref<10000x128xf32, #tpu.memory_space<vmem_shared>>)
    }
    %scan3A_18 = arith.constant 5 : i32
    %barrier3A_19 = arith.constant 0 : index
    tpu.barrier barrier_id(%barrier3A_19)
    %mul3A_20 = arith.constant 80 : i32
    %mul3A_21 = arith.muli %arg1, %mul3A_20 : i32
    %sub3A_22 = arith.constant 10000 : i32
    %sub3A_23 = arith.subi %sub3A_22, %mul3A_21 : i32
    %sub3A_24 = arith.constant 1280 : i32
    %sub3A_25 = arith.constant 1 : i32
    %sub3A_26 = arith.subi %sub3A_24, %sub3A_25 : i32
    %add3A_27 = arith.addi %sub3A_23, %sub3A_26 : i32
    %div3A_28 = arith.constant 1280 : i32
    %div3A_29 = arith.divsi %add3A_27, %div3A_28 : i32
    %while3A_30 = arith.constant 1280 : i32
    %while3A_31 = arith.constant 0 : i32
    %while3A_32 = arith.subi %div3A_29, %while3A_31 : i32
    %while3A_33 = arith.addi %while3A_31, %while3A_32 : i32
    %while3A_34 = arith.constant 1 : i32
    %while3A_35 = arith.divsi %while3A_32, %while3A_34 : i32
    %while3A_36 = arith.muli %while3A_35, %while3A_34 : i32
    %while3A_37 = arith.addi %while3A_31, %while3A_36 : i32
    %while3A_38 = arith.constant 1 : i32
    scf.for %while3A_40 = %while3A_31 to %while3A_37 step %while3A_38  : i32 {
      %mul3A_41 = arith.muli %while3A_40, %while3A_30 : i32
      %add3A_42 = arith.addi %mul3A_21, %mul3A_41 : i32
      %mul3A_43 = arith.constant 10000 : i32
      %mul3A_44 = arith.muli %arg0, %mul3A_43 : i32
      %add3A_45 = arith.addi %mul3A_44, %add3A_42 : i32
      "tpu.region"() ({
        %run_scoped3A = tpu.sem_alloc : memref<!tpu.dma_semaphore, #tpu.memory_space<semaphore_mem>>
        %dma_start3A = arith.constant 0 : i32
        %dma_start3A_46 = tpu.memref_slice %arg5[%add3A_45, %dma_start3A] : memref<20000x128xf32, #tpu.memory_space<hbm>> -> memref<80x128xf32, #tpu.memory_space<hbm>>
        %dma_start3A_47 = arith.constant 0 : i32
        %dma_start3A_48 = tpu.memref_slice %arg12[%add3A_42, %dma_start3A_47] : memref<10000x128xf32, #tpu.memory_space<vmem_shared>> -> memref<80x128xf32, #tpu.memory_space<vmem_shared>>
        tpu.enqueue_dma source(%dma_start3A_48 : memref<80x128xf32, #tpu.memory_space<vmem_shared>>) target(%dma_start3A_46 : memref<80x128xf32, #tpu.memory_space<hbm>>) target_semaphore(%run_scoped3A : memref<!tpu.dma_semaphore, #tpu.memory_space<semaphore_mem>>)
        %dma_wait3A = arith.constant 0 : i32
        %dma_wait3A_49 = tpu.memref_slice %arg5[%add3A_45, %dma_wait3A] : memref<20000x128xf32, #tpu.memory_space<hbm>> -> memref<80x128xf32, #tpu.memory_space<hbm>>
        %dma_wait3A_50 = arith.constant 0 : i32
        %dma_wait3A_51 = tpu.memref_slice %arg12[%add3A_42, %dma_wait3A_50] : memref<10000x128xf32, #tpu.memory_space<vmem_shared>> -> memref<80x128xf32, #tpu.memory_space<vmem_shared>>
        tpu.wait_dma2 semaphore(%run_scoped3A : memref<!tpu.dma_semaphore, #tpu.memory_space<semaphore_mem>>) src(%dma_wait3A_51 : memref<80x128xf32, #tpu.memory_space<vmem_shared>>) dst(%dma_wait3A_49 : memref<80x128xf32, #tpu.memory_space<hbm>>)
        tpu.yield
      }) : () -> ()
    }
    %while3A_39 = arith.constant 1 : i32
    scf.for %while3A_40 = %while3A_37 to %while3A_33 step %while3A_39  : i32 {
      %mul3A_41 = arith.muli %while3A_40, %while3A_30 : i32
      %add3A_42 = arith.addi %mul3A_21, %mul3A_41 : i32
      %mul3A_43 = arith.constant 10000 : i32
      %mul3A_44 = arith.muli %arg0, %mul3A_43 : i32
      %add3A_45 = arith.addi %mul3A_44, %add3A_42 : i32
      "tpu.region"() ({
        %run_scoped3A = tpu.sem_alloc : memref<!tpu.dma_semaphore, #tpu.memory_space<semaphore_mem>>
        %dma_start3A = arith.constant 0 : i32
        %dma_start3A_46 = tpu.memref_slice %arg5[%add3A_45, %dma_start3A] : memref<20000x128xf32, #tpu.memory_space<hbm>> -> memref<80x128xf32, #tpu.memory_space<hbm>>
        %dma_start3A_47 = arith.constant 0 : i32
        %dma_start3A_48 = tpu.memref_slice %arg12[%add3A_42, %dma_start3A_47] : memref<10000x128xf32, #tpu.memory_space<vmem_shared>> -> memref<80x128xf32, #tpu.memory_space<vmem_shared>>
        tpu.enqueue_dma source(%dma_start3A_48 : memref<80x128xf32, #tpu.memory_space<vmem_shared>>) target(%dma_start3A_46 : memref<80x128xf32, #tpu.memory_space<hbm>>) target_semaphore(%run_scoped3A : memref<!tpu.dma_semaphore, #tpu.memory_space<semaphore_mem>>)
        %dma_wait3A = arith.constant 0 : i32
        %dma_wait3A_49 = tpu.memref_slice %arg5[%add3A_45, %dma_wait3A] : memref<20000x128xf32, #tpu.memory_space<hbm>> -> memref<80x128xf32, #tpu.memory_space<hbm>>
        %dma_wait3A_50 = arith.constant 0 : i32
        %dma_wait3A_51 = tpu.memref_slice %arg12[%add3A_42, %dma_wait3A_50] : memref<10000x128xf32, #tpu.memory_space<vmem_shared>> -> memref<80x128xf32, #tpu.memory_space<vmem_shared>>
        tpu.wait_dma2 semaphore(%run_scoped3A : memref<!tpu.dma_semaphore, #tpu.memory_space<semaphore_mem>>) src(%dma_wait3A_51 : memref<80x128xf32, #tpu.memory_space<vmem_shared>>) dst(%dma_wait3A_49 : memref<80x128xf32, #tpu.memory_space<hbm>>)
        tpu.yield
      }) : () -> ()
    }
    return
  }
}

#map = affine_map<(d0, d1) -> (0, 0)>
#map1 = affine_map<(d0, d1) -> (0, 0, 0)>
module attributes {stable_mosaic.version = 14 : i64} {
  func.func @k(%arg0: i32, %arg1: i32, %arg2: memref<20000x128xf32, #tpu.memory_space<hbm>>, %arg3: memref<160x40x50xi32, #tpu.memory_space<hbm>>, %arg4: memref<80x40x50xi32, #tpu.memory_space<hbm>>, %arg5: memref<20000x128xf32, #tpu.memory_space<hbm>>, %arg6: memref<40x50xi32, #tpu.memory_space<vmem>>, %arg7: memref<40x50xi32, #tpu.memory_space<vmem>>, %arg8: memref<50x128xf32, #tpu.memory_space<vmem>>, %arg9: memref<50x128xf32, #tpu.memory_space<vmem>>, %arg10: memref<50x128xf32, #tpu.memory_space<vmem>>, %arg11: memref<50x128xf32, #tpu.memory_space<vmem>>, %arg12: memref<10000x128xf32, #tpu.memory_space<vmem_shared>>, %arg13: memref<!tpu.dma_semaphore, #tpu.memory_space<semaphore_mem>>, %arg14: memref<!tpu.dma_semaphore, #tpu.memory_space<semaphore_mem>>, %arg15: memref<!tpu.dma_semaphore, #tpu.memory_space<semaphore_mem>>, %arg16: memref<!tpu.dma_semaphore, #tpu.memory_space<semaphore_mem>>, %arg17: memref<!tpu.dma_semaphore, #tpu.memory_space<semaphore_mem>>, %arg18: memref<!tpu.dma_semaphore, #tpu.memory_space<semaphore_mem>>, %arg19: memref<!tpu.dma_semaphore, #tpu.memory_space<semaphore_mem>>, %arg20: memref<!tpu.dma_semaphore, #tpu.memory_space<semaphore_mem>>) attributes {dimension_semantics = [#tpu.dimension_semantics<core_parallel>, #tpu.dimension_semantics<subcore_parallel>], iteration_bounds = array<i64: 2, 16>, scalar_prefetch = 0 : i64, scratch_operands = 15 : i64, tpu.core_type = #tpu.core_type<sc_vector_subcore>, window_params = [{transform_indices = #map}, {transform_indices = #map1}, {transform_indices = #map1}, {transform_indices = #map}]} {
    %mul3A = arith.constant 80 : i32
    %mul3A_0 = arith.muli %arg1, %mul3A : i32
    %sub3A = arith.constant 10000 : i32
    %sub3A_1 = arith.subi %sub3A, %mul3A_0 : i32
    %sub3A_2 = arith.constant 1280 : i32
    %sub3A_3 = arith.constant 1 : i32
    %sub3A_4 = arith.subi %sub3A_2, %sub3A_3 : i32
    %add3A = arith.addi %sub3A_1, %sub3A_4 : i32
    %div3A = arith.constant 1280 : i32
    %div3A_5 = arith.divsi %add3A, %div3A : i32
    %while3A = arith.constant 1280 : i32
    %while3A_6 = arith.constant 0 : i32
    %while3A_7 = arith.subi %div3A_5, %while3A_6 : i32
    %while3A_8 = arith.addi %while3A_6, %while3A_7 : i32
    %while3A_9 = arith.constant 1 : i32
    %while3A_10 = arith.divsi %while3A_7, %while3A_9 : i32
    %while3A_11 = arith.muli %while3A_10, %while3A_9 : i32
    %while3A_12 = arith.addi %while3A_6, %while3A_11 : i32
    %while3A_13 = arith.constant 1 : i32
    scf.for %while3A_40 = %while3A_6 to %while3A_12 step %while3A_13  : i32 {
      %mul3A_41 = arith.muli %while3A_40, %while3A : i32
      %add3A_42 = arith.addi %mul3A_0, %mul3A_41 : i32
      %mul3A_43 = arith.constant 10000 : i32
      %mul3A_44 = arith.muli %arg0, %mul3A_43 : i32
      %add3A_45 = arith.addi %mul3A_44, %add3A_42 : i32
      "tpu.region"() ({
        %run_scoped3A = tpu.sem_alloc : memref<!tpu.dma_semaphore, #tpu.memory_space<semaphore_mem>>
        %dma_start3A = arith.constant 0 : i32
        %dma_start3A_46 = tpu.memref_slice %arg12[%add3A_42, %dma_start3A] : memref<10000x128xf32, #tpu.memory_space<vmem_shared>> -> memref<80x128xf32, #tpu.memory_space<vmem_shared>>
        %dma_start3A_47 = arith.constant 0 : i32
        %dma_start3A_48 = tpu.memref_slice %arg2[%add3A_45, %dma_start3A_47] : memref<20000x128xf32, #tpu.memory_space<hbm>> -> memref<80x128xf32, #tpu.memory_space<hbm>>
        tpu.enqueue_dma source(%dma_start3A_48 : memref<80x128xf32, #tpu.memory_space<hbm>>) target(%dma_start3A_46 : memref<80x128xf32, #tpu.memory_space<vmem_shared>>) target_semaphore(%run_scoped3A : memref<!tpu.dma_semaphore, #tpu.memory_space<semaphore_mem>>)
        %dma_wait3A = arith.constant 0 : i32
        %dma_wait3A_49 = tpu.memref_slice %arg12[%add3A_42, %dma_wait3A] : memref<10000x128xf32, #tpu.memory_space<vmem_shared>> -> memref<80x128xf32, #tpu.memory_space<vmem_shared>>
        %dma_wait3A_50 = arith.constant 0 : i32
        %dma_wait3A_51 = tpu.memref_slice %arg2[%add3A_45, %dma_wait3A_50] : memref<20000x128xf32, #tpu.memory_space<hbm>> -> memref<80x128xf32, #tpu.memory_space<hbm>>
        tpu.wait_dma2 semaphore(%run_scoped3A : memref<!tpu.dma_semaphore, #tpu.memory_space<semaphore_mem>>) src(%dma_wait3A_51 : memref<80x128xf32, #tpu.memory_space<hbm>>) dst(%dma_wait3A_49 : memref<80x128xf32, #tpu.memory_space<vmem_shared>>)
        tpu.yield
      }) : () -> ()
    }
    %while3A_14 = arith.constant 1 : i32
    scf.for %while3A_40 = %while3A_12 to %while3A_8 step %while3A_14  : i32 {
      %mul3A_41 = arith.muli %while3A_40, %while3A : i32
      %add3A_42 = arith.addi %mul3A_0, %mul3A_41 : i32
      %mul3A_43 = arith.constant 10000 : i32
      %mul3A_44 = arith.muli %arg0, %mul3A_43 : i32
      %add3A_45 = arith.addi %mul3A_44, %add3A_42 : i32
      "tpu.region"() ({
        %run_scoped3A = tpu.sem_alloc : memref<!tpu.dma_semaphore, #tpu.memory_space<semaphore_mem>>
        %dma_start3A = arith.constant 0 : i32
        %dma_start3A_46 = tpu.memref_slice %arg12[%add3A_42, %dma_start3A] : memref<10000x128xf32, #tpu.memory_space<vmem_shared>> -> memref<80x128xf32, #tpu.memory_space<vmem_shared>>
        %dma_start3A_47 = arith.constant 0 : i32
        %dma_start3A_48 = tpu.memref_slice %arg2[%add3A_45, %dma_start3A_47] : memref<20000x128xf32, #tpu.memory_space<hbm>> -> memref<80x128xf32, #tpu.memory_space<hbm>>
        tpu.enqueue_dma source(%dma_start3A_48 : memref<80x128xf32, #tpu.memory_space<hbm>>) target(%dma_start3A_46 : memref<80x128xf32, #tpu.memory_space<vmem_shared>>) target_semaphore(%run_scoped3A : memref<!tpu.dma_semaphore, #tpu.memory_space<semaphore_mem>>)
        %dma_wait3A = arith.constant 0 : i32
        %dma_wait3A_49 = tpu.memref_slice %arg12[%add3A_42, %dma_wait3A] : memref<10000x128xf32, #tpu.memory_space<vmem_shared>> -> memref<80x128xf32, #tpu.memory_space<vmem_shared>>
        %dma_wait3A_50 = arith.constant 0 : i32
        %dma_wait3A_51 = tpu.memref_slice %arg2[%add3A_45, %dma_wait3A_50] : memref<20000x128xf32, #tpu.memory_space<hbm>> -> memref<80x128xf32, #tpu.memory_space<hbm>>
        tpu.wait_dma2 semaphore(%run_scoped3A : memref<!tpu.dma_semaphore, #tpu.memory_space<semaphore_mem>>) src(%dma_wait3A_51 : memref<80x128xf32, #tpu.memory_space<hbm>>) dst(%dma_wait3A_49 : memref<80x128xf32, #tpu.memory_space<vmem_shared>>)
        tpu.yield
      }) : () -> ()
    }
    %barrier3A = arith.constant 0 : index
    tpu.barrier barrier_id(%barrier3A)
    %scan3A = arith.constant 0 : i32
    %scan3A_15 = arith.constant 5 : i32
    %scan3A_16 = arith.addi %scan3A, %scan3A_15 : i32
    %scan3A_17 = arith.constant 1 : i32
    scf.for %scan3A_40 = %scan3A to %scan3A_16 step %scan3A_17  : i32 {
      %mul3A_41 = arith.constant 1 : i32
      %mul3A_42 = arith.muli %scan3A_40, %mul3A_41 : i32
      %add3A_43 = arith.constant 0 : i32
      %add3A_44 = arith.addi %add3A_43, %mul3A_42 : i32
      %mul3A_45 = arith.constant 16 : i32
      %mul3A_46 = arith.muli %arg0, %mul3A_45 : i32
      %add3A_47 = arith.addi %mul3A_46, %arg1 : i32
      %mul3A_48 = arith.constant 5 : i32
      %mul3A_49 = arith.muli %add3A_47, %mul3A_48 : i32
      %add3A_50 = arith.addi %mul3A_49, %add3A_44 : i32
      "tpu.region"() ({
        %run_scoped3A = tpu.sem_alloc : memref<!tpu.dma_semaphore, #tpu.memory_space<semaphore_mem>>
        %dma_start3A_169 = arith.constant 0 : i32
        %dma_start3A_170 = arith.constant 0 : i32
        %dma_start3A_171 = tpu.memref_slice %arg3[%add3A_50, %dma_start3A_169, %dma_start3A_170] : memref<160x40x50xi32, #tpu.memory_space<hbm>> -> memref<1x40x50xi32, #tpu.memory_space<hbm>>
        %dma_start3A_172 = tpu.memref_squeeze %dma_start3A_171 : memref<1x40x50xi32, #tpu.memory_space<hbm>> -> memref<40x50xi32, #tpu.memory_space<hbm>>
        %dma_start3A_173 = arith.constant 0 : i32
        %dma_start3A_174 = arith.constant 0 : i32
        %dma_start3A_175 = tpu.memref_slice %arg3[%add3A_50, %dma_start3A_173, %dma_start3A_174] : memref<160x40x50xi32, #tpu.memory_space<hbm>> -> memref<1x40x50xi32, #tpu.memory_space<hbm>>
        %dma_start3A_176 = tpu.memref_squeeze %dma_start3A_175 : memref<1x40x50xi32, #tpu.memory_space<hbm>> -> memref<40x50xi32, #tpu.memory_space<hbm>>
        tpu.enqueue_dma source(%dma_start3A_176 : memref<40x50xi32, #tpu.memory_space<hbm>>) target(%arg6 : memref<40x50xi32, #tpu.memory_space<vmem>>) target_semaphore(%run_scoped3A : memref<!tpu.dma_semaphore, #tpu.memory_space<semaphore_mem>>)
        %dma_wait3A_177 = arith.constant 0 : i32
        %dma_wait3A_178 = arith.constant 0 : i32
        %dma_wait3A_179 = tpu.memref_slice %arg3[%add3A_50, %dma_wait3A_177, %dma_wait3A_178] : memref<160x40x50xi32, #tpu.memory_space<hbm>> -> memref<1x40x50xi32, #tpu.memory_space<hbm>>
        %dma_wait3A_180 = tpu.memref_squeeze %dma_wait3A_179 : memref<1x40x50xi32, #tpu.memory_space<hbm>> -> memref<40x50xi32, #tpu.memory_space<hbm>>
        %dma_wait3A_181 = arith.constant 0 : i32
        %dma_wait3A_182 = arith.constant 0 : i32
        %dma_wait3A_183 = tpu.memref_slice %arg3[%add3A_50, %dma_wait3A_181, %dma_wait3A_182] : memref<160x40x50xi32, #tpu.memory_space<hbm>> -> memref<1x40x50xi32, #tpu.memory_space<hbm>>
        %dma_wait3A_184 = tpu.memref_squeeze %dma_wait3A_183 : memref<1x40x50xi32, #tpu.memory_space<hbm>> -> memref<40x50xi32, #tpu.memory_space<hbm>>
        tpu.wait_dma2 semaphore(%run_scoped3A : memref<!tpu.dma_semaphore, #tpu.memory_space<semaphore_mem>>) src(%dma_wait3A_184 : memref<40x50xi32, #tpu.memory_space<hbm>>) dst(%arg6 : memref<40x50xi32, #tpu.memory_space<vmem>>)
        tpu.yield
      }) : () -> ()
      %mul3A_51 = arith.constant 5 : i32
      %mul3A_52 = arith.muli %arg1, %mul3A_51 : i32
      %add3A_53 = arith.addi %mul3A_52, %add3A_44 : i32
      "tpu.region"() ({
        %run_scoped3A = tpu.sem_alloc : memref<!tpu.dma_semaphore, #tpu.memory_space<semaphore_mem>>
        %dma_start3A_169 = arith.constant 0 : i32
        %dma_start3A_170 = arith.constant 0 : i32
        %dma_start3A_171 = tpu.memref_slice %arg4[%add3A_53, %dma_start3A_169, %dma_start3A_170] : memref<80x40x50xi32, #tpu.memory_space<hbm>> -> memref<1x40x50xi32, #tpu.memory_space<hbm>>
        %dma_start3A_172 = tpu.memref_squeeze %dma_start3A_171 : memref<1x40x50xi32, #tpu.memory_space<hbm>> -> memref<40x50xi32, #tpu.memory_space<hbm>>
        %dma_start3A_173 = arith.constant 0 : i32
        %dma_start3A_174 = arith.constant 0 : i32
        %dma_start3A_175 = tpu.memref_slice %arg4[%add3A_53, %dma_start3A_173, %dma_start3A_174] : memref<80x40x50xi32, #tpu.memory_space<hbm>> -> memref<1x40x50xi32, #tpu.memory_space<hbm>>
        %dma_start3A_176 = tpu.memref_squeeze %dma_start3A_175 : memref<1x40x50xi32, #tpu.memory_space<hbm>> -> memref<40x50xi32, #tpu.memory_space<hbm>>
        tpu.enqueue_dma source(%dma_start3A_176 : memref<40x50xi32, #tpu.memory_space<hbm>>) target(%arg7 : memref<40x50xi32, #tpu.memory_space<vmem>>) target_semaphore(%run_scoped3A : memref<!tpu.dma_semaphore, #tpu.memory_space<semaphore_mem>>)
        %dma_wait3A_177 = arith.constant 0 : i32
        %dma_wait3A_178 = arith.constant 0 : i32
        %dma_wait3A_179 = tpu.memref_slice %arg4[%add3A_53, %dma_wait3A_177, %dma_wait3A_178] : memref<80x40x50xi32, #tpu.memory_space<hbm>> -> memref<1x40x50xi32, #tpu.memory_space<hbm>>
        %dma_wait3A_180 = tpu.memref_squeeze %dma_wait3A_179 : memref<1x40x50xi32, #tpu.memory_space<hbm>> -> memref<40x50xi32, #tpu.memory_space<hbm>>
        %dma_wait3A_181 = arith.constant 0 : i32
        %dma_wait3A_182 = arith.constant 0 : i32
        %dma_wait3A_183 = tpu.memref_slice %arg4[%add3A_53, %dma_wait3A_181, %dma_wait3A_182] : memref<80x40x50xi32, #tpu.memory_space<hbm>> -> memref<1x40x50xi32, #tpu.memory_space<hbm>>
        %dma_wait3A_184 = tpu.memref_squeeze %dma_wait3A_183 : memref<1x40x50xi32, #tpu.memory_space<hbm>> -> memref<40x50xi32, #tpu.memory_space<hbm>>
        tpu.wait_dma2 semaphore(%run_scoped3A : memref<!tpu.dma_semaphore, #tpu.memory_space<semaphore_mem>>) src(%dma_wait3A_184 : memref<40x50xi32, #tpu.memory_space<hbm>>) dst(%arg7 : memref<40x50xi32, #tpu.memory_space<vmem>>)
        tpu.yield
      }) : () -> ()
      %dma_start3A = arith.constant 0 : i32
      %dma_start3A_54 = arith.constant 0 : i32
      %dma_start3A_55 = tpu.memref_slice %arg6[%dma_start3A, %dma_start3A_54] : memref<40x50xi32, #tpu.memory_space<vmem>> -> memref<1x50xi32, #tpu.memory_space<vmem>>
      %dma_start3A_56 = tpu.memref_squeeze %dma_start3A_55 : memref<1x50xi32, #tpu.memory_space<vmem>> -> memref<50xi32, #tpu.memory_space<vmem>>
      %dma_start3A_57 = arith.constant 0 : i32
      %dma_start3A_58 = arith.constant 0 : i32
      %dma_start3A_59 = tpu.memref_slice %arg2[%dma_start3A_57, %dma_start3A_58] : memref<20000x128xf32, #tpu.memory_space<hbm>> -> memref<20000x128xf32, #tpu.memory_space<hbm>>
      tpu.enqueue_indirect_dma source(%dma_start3A_59 : memref<20000x128xf32, #tpu.memory_space<hbm>>) target(%arg8 : memref<50x128xf32, #tpu.memory_space<vmem>>) offsets(%dma_start3A_56 : memref<50xi32, #tpu.memory_space<vmem>>) semaphore(%arg13 : memref<!tpu.dma_semaphore, #tpu.memory_space<semaphore_mem>>)
      %dma_start3A_60 = arith.constant 1 : i32
      %dma_start3A_61 = arith.constant 0 : i32
      %dma_start3A_62 = tpu.memref_slice %arg6[%dma_start3A_60, %dma_start3A_61] : memref<40x50xi32, #tpu.memory_space<vmem>> -> memref<1x50xi32, #tpu.memory_space<vmem>>
      %dma_start3A_63 = tpu.memref_squeeze %dma_start3A_62 : memref<1x50xi32, #tpu.memory_space<vmem>> -> memref<50xi32, #tpu.memory_space<vmem>>
      %dma_start3A_64 = arith.constant 0 : i32
      %dma_start3A_65 = arith.constant 0 : i32
      %dma_start3A_66 = tpu.memref_slice %arg2[%dma_start3A_64, %dma_start3A_65] : memref<20000x128xf32, #tpu.memory_space<hbm>> -> memref<20000x128xf32, #tpu.memory_space<hbm>>
      tpu.enqueue_indirect_dma source(%dma_start3A_66 : memref<20000x128xf32, #tpu.memory_space<hbm>>) target(%arg9 : memref<50x128xf32, #tpu.memory_space<vmem>>) offsets(%dma_start3A_63 : memref<50xi32, #tpu.memory_space<vmem>>) semaphore(%arg14 : memref<!tpu.dma_semaphore, #tpu.memory_space<semaphore_mem>>)
      %dma_start3A_67 = arith.constant 2 : i32
      %dma_start3A_68 = arith.constant 0 : i32
      %dma_start3A_69 = tpu.memref_slice %arg6[%dma_start3A_67, %dma_start3A_68] : memref<40x50xi32, #tpu.memory_space<vmem>> -> memref<1x50xi32, #tpu.memory_space<vmem>>
      %dma_start3A_70 = tpu.memref_squeeze %dma_start3A_69 : memref<1x50xi32, #tpu.memory_space<vmem>> -> memref<50xi32, #tpu.memory_space<vmem>>
      %dma_start3A_71 = arith.constant 0 : i32
      %dma_start3A_72 = arith.constant 0 : i32
      %dma_start3A_73 = tpu.memref_slice %arg2[%dma_start3A_71, %dma_start3A_72] : memref<20000x128xf32, #tpu.memory_space<hbm>> -> memref<20000x128xf32, #tpu.memory_space<hbm>>
      tpu.enqueue_indirect_dma source(%dma_start3A_73 : memref<20000x128xf32, #tpu.memory_space<hbm>>) target(%arg10 : memref<50x128xf32, #tpu.memory_space<vmem>>) offsets(%dma_start3A_70 : memref<50xi32, #tpu.memory_space<vmem>>) semaphore(%arg15 : memref<!tpu.dma_semaphore, #tpu.memory_space<semaphore_mem>>)
      %dma_start3A_74 = arith.constant 3 : i32
      %dma_start3A_75 = arith.constant 0 : i32
      %dma_start3A_76 = tpu.memref_slice %arg6[%dma_start3A_74, %dma_start3A_75] : memref<40x50xi32, #tpu.memory_space<vmem>> -> memref<1x50xi32, #tpu.memory_space<vmem>>
      %dma_start3A_77 = tpu.memref_squeeze %dma_start3A_76 : memref<1x50xi32, #tpu.memory_space<vmem>> -> memref<50xi32, #tpu.memory_space<vmem>>
      %dma_start3A_78 = arith.constant 0 : i32
      %dma_start3A_79 = arith.constant 0 : i32
      %dma_start3A_80 = tpu.memref_slice %arg2[%dma_start3A_78, %dma_start3A_79] : memref<20000x128xf32, #tpu.memory_space<hbm>> -> memref<20000x128xf32, #tpu.memory_space<hbm>>
      tpu.enqueue_indirect_dma source(%dma_start3A_80 : memref<20000x128xf32, #tpu.memory_space<hbm>>) target(%arg11 : memref<50x128xf32, #tpu.memory_space<vmem>>) offsets(%dma_start3A_77 : memref<50xi32, #tpu.memory_space<vmem>>) semaphore(%arg16 : memref<!tpu.dma_semaphore, #tpu.memory_space<semaphore_mem>>)
      %scan3A_81 = arith.constant 0 : i32
      %scan3A_82 = arith.constant 9 : i32
      %scan3A_83 = arith.addi %scan3A_81, %scan3A_82 : i32
      %scan3A_84 = arith.constant 1 : i32
      scf.for %scan3A_169 = %scan3A_81 to %scan3A_83 step %scan3A_84  : i32 {
        %mul3A_170 = arith.constant 4 : i32
        %mul3A_171 = arith.muli %scan3A_169, %mul3A_170 : i32
        %add3A_172 = arith.constant 0 : i32
        %add3A_173 = arith.addi %add3A_172, %mul3A_171 : i32
        %add3A_174 = arith.constant 0 : i32
        %add3A_175 = arith.addi %add3A_173, %add3A_174 : i32
        %dma_wait3A_176 = arith.constant 0 : i32
        %dma_wait3A_177 = tpu.memref_slice %arg6[%add3A_175, %dma_wait3A_176] : memref<40x50xi32, #tpu.memory_space<vmem>> -> memref<1x50xi32, #tpu.memory_space<vmem>>
        %dma_wait3A_178 = tpu.memref_squeeze %dma_wait3A_177 : memref<1x50xi32, #tpu.memory_space<vmem>> -> memref<50xi32, #tpu.memory_space<vmem>>
        %dma_wait3A_179 = arith.constant 0 : i32
        %dma_wait3A_180 = arith.constant 0 : i32
        %dma_wait3A_181 = tpu.memref_slice %arg2[%dma_wait3A_179, %dma_wait3A_180] : memref<20000x128xf32, #tpu.memory_space<hbm>> -> memref<20000x128xf32, #tpu.memory_space<hbm>>
        tpu.wait_indirect_dma semaphore(%arg13 : memref<!tpu.dma_semaphore, #tpu.memory_space<semaphore_mem>>) src(%dma_wait3A_181 : memref<20000x128xf32, #tpu.memory_space<hbm>>) dst(%arg8 : memref<50x128xf32, #tpu.memory_space<vmem>>)
        %add3A_182 = arith.constant 0 : i32
        %add3A_183 = arith.addi %add3A_173, %add3A_182 : i32
        %dma_start3A_184 = arith.constant 0 : i32
        %dma_start3A_185 = tpu.memref_slice %arg7[%add3A_183, %dma_start3A_184] : memref<40x50xi32, #tpu.memory_space<vmem>> -> memref<1x50xi32, #tpu.memory_space<vmem>>
        %dma_start3A_186 = tpu.memref_squeeze %dma_start3A_185 : memref<1x50xi32, #tpu.memory_space<vmem>> -> memref<50xi32, #tpu.memory_space<vmem>>
        %dma_start3A_187 = arith.constant 0 : i32
        %dma_start3A_188 = arith.constant 0 : i32
        %dma_start3A_189 = tpu.memref_slice %arg12[%dma_start3A_187, %dma_start3A_188] : memref<10000x128xf32, #tpu.memory_space<vmem_shared>> -> memref<10000x128xf32, #tpu.memory_space<vmem_shared>>
        tpu.enqueue_indirect_dma source(%arg8 : memref<50x128xf32, #tpu.memory_space<vmem>>) target(%dma_start3A_189 : memref<10000x128xf32, #tpu.memory_space<vmem_shared>>) offsets(%dma_start3A_186 : memref<50xi32, #tpu.memory_space<vmem>>) semaphore(%arg17 : memref<!tpu.dma_semaphore, #tpu.memory_space<semaphore_mem>>) {add = true}
        %add3A_190 = arith.constant 1 : i32
        %add3A_191 = arith.addi %add3A_173, %add3A_190 : i32
        %dma_wait3A_192 = arith.constant 0 : i32
        %dma_wait3A_193 = tpu.memref_slice %arg6[%add3A_191, %dma_wait3A_192] : memref<40x50xi32, #tpu.memory_space<vmem>> -> memref<1x50xi32, #tpu.memory_space<vmem>>
        %dma_wait3A_194 = tpu.memref_squeeze %dma_wait3A_193 : memref<1x50xi32, #tpu.memory_space<vmem>> -> memref<50xi32, #tpu.memory_space<vmem>>
        %dma_wait3A_195 = arith.constant 0 : i32
        %dma_wait3A_196 = arith.constant 0 : i32
        %dma_wait3A_197 = tpu.memref_slice %arg2[%dma_wait3A_195, %dma_wait3A_196] : memref<20000x128xf32, #tpu.memory_space<hbm>> -> memref<20000x128xf32, #tpu.memory_space<hbm>>
        tpu.wait_indirect_dma semaphore(%arg14 : memref<!tpu.dma_semaphore, #tpu.memory_space<semaphore_mem>>) src(%dma_wait3A_197 : memref<20000x128xf32, #tpu.memory_space<hbm>>) dst(%arg9 : memref<50x128xf32, #tpu.memory_space<vmem>>)
        %add3A_198 = arith.constant 1 : i32
        %add3A_199 = arith.addi %add3A_173, %add3A_198 : i32
        %dma_start3A_200 = arith.constant 0 : i32
        %dma_start3A_201 = tpu.memref_slice %arg7[%add3A_199, %dma_start3A_200] : memref<40x50xi32, #tpu.memory_space<vmem>> -> memref<1x50xi32, #tpu.memory_space<vmem>>
        %dma_start3A_202 = tpu.memref_squeeze %dma_start3A_201 : memref<1x50xi32, #tpu.memory_space<vmem>> -> memref<50xi32, #tpu.memory_space<vmem>>
        %dma_start3A_203 = arith.constant 0 : i32
        %dma_start3A_204 = arith.constant 0 : i32
        %dma_start3A_205 = tpu.memref_slice %arg12[%dma_start3A_203, %dma_start3A_204] : memref<10000x128xf32, #tpu.memory_space<vmem_shared>> -> memref<10000x128xf32, #tpu.memory_space<vmem_shared>>
        tpu.enqueue_indirect_dma source(%arg9 : memref<50x128xf32, #tpu.memory_space<vmem>>) target(%dma_start3A_205 : memref<10000x128xf32, #tpu.memory_space<vmem_shared>>) offsets(%dma_start3A_202 : memref<50xi32, #tpu.memory_space<vmem>>) semaphore(%arg18 : memref<!tpu.dma_semaphore, #tpu.memory_space<semaphore_mem>>) {add = true}
        %add3A_206 = arith.constant 2 : i32
        %add3A_207 = arith.addi %add3A_173, %add3A_206 : i32
        %dma_wait3A_208 = arith.constant 0 : i32
        %dma_wait3A_209 = tpu.memref_slice %arg6[%add3A_207, %dma_wait3A_208] : memref<40x50xi32, #tpu.memory_space<vmem>> -> memref<1x50xi32, #tpu.memory_space<vmem>>
        %dma_wait3A_210 = tpu.memref_squeeze %dma_wait3A_209 : memref<1x50xi32, #tpu.memory_space<vmem>> -> memref<50xi32, #tpu.memory_space<vmem>>
        %dma_wait3A_211 = arith.constant 0 : i32
        %dma_wait3A_212 = arith.constant 0 : i32
        %dma_wait3A_213 = tpu.memref_slice %arg2[%dma_wait3A_211, %dma_wait3A_212] : memref<20000x128xf32, #tpu.memory_space<hbm>> -> memref<20000x128xf32, #tpu.memory_space<hbm>>
        tpu.wait_indirect_dma semaphore(%arg15 : memref<!tpu.dma_semaphore, #tpu.memory_space<semaphore_mem>>) src(%dma_wait3A_213 : memref<20000x128xf32, #tpu.memory_space<hbm>>) dst(%arg10 : memref<50x128xf32, #tpu.memory_space<vmem>>)
        %add3A_214 = arith.constant 2 : i32
        %add3A_215 = arith.addi %add3A_173, %add3A_214 : i32
        %dma_start3A_216 = arith.constant 0 : i32
        %dma_start3A_217 = tpu.memref_slice %arg7[%add3A_215, %dma_start3A_216] : memref<40x50xi32, #tpu.memory_space<vmem>> -> memref<1x50xi32, #tpu.memory_space<vmem>>
        %dma_start3A_218 = tpu.memref_squeeze %dma_start3A_217 : memref<1x50xi32, #tpu.memory_space<vmem>> -> memref<50xi32, #tpu.memory_space<vmem>>
        %dma_start3A_219 = arith.constant 0 : i32
        %dma_start3A_220 = arith.constant 0 : i32
        %dma_start3A_221 = tpu.memref_slice %arg12[%dma_start3A_219, %dma_start3A_220] : memref<10000x128xf32, #tpu.memory_space<vmem_shared>> -> memref<10000x128xf32, #tpu.memory_space<vmem_shared>>
        tpu.enqueue_indirect_dma source(%arg10 : memref<50x128xf32, #tpu.memory_space<vmem>>) target(%dma_start3A_221 : memref<10000x128xf32, #tpu.memory_space<vmem_shared>>) offsets(%dma_start3A_218 : memref<50xi32, #tpu.memory_space<vmem>>) semaphore(%arg19 : memref<!tpu.dma_semaphore, #tpu.memory_space<semaphore_mem>>) {add = true}
        %add3A_222 = arith.constant 3 : i32
        %add3A_223 = arith.addi %add3A_173, %add3A_222 : i32
        %dma_wait3A_224 = arith.constant 0 : i32
        %dma_wait3A_225 = tpu.memref_slice %arg6[%add3A_223, %dma_wait3A_224] : memref<40x50xi32, #tpu.memory_space<vmem>> -> memref<1x50xi32, #tpu.memory_space<vmem>>
        %dma_wait3A_226 = tpu.memref_squeeze %dma_wait3A_225 : memref<1x50xi32, #tpu.memory_space<vmem>> -> memref<50xi32, #tpu.memory_space<vmem>>
        %dma_wait3A_227 = arith.constant 0 : i32
        %dma_wait3A_228 = arith.constant 0 : i32
        %dma_wait3A_229 = tpu.memref_slice %arg2[%dma_wait3A_227, %dma_wait3A_228] : memref<20000x128xf32, #tpu.memory_space<hbm>> -> memref<20000x128xf32, #tpu.memory_space<hbm>>
        tpu.wait_indirect_dma semaphore(%arg16 : memref<!tpu.dma_semaphore, #tpu.memory_space<semaphore_mem>>) src(%dma_wait3A_229 : memref<20000x128xf32, #tpu.memory_space<hbm>>) dst(%arg11 : memref<50x128xf32, #tpu.memory_space<vmem>>)
        %add3A_230 = arith.constant 3 : i32
        %add3A_231 = arith.addi %add3A_173, %add3A_230 : i32
        %dma_start3A_232 = arith.constant 0 : i32
        %dma_start3A_233 = tpu.memref_slice %arg7[%add3A_231, %dma_start3A_232] : memref<40x50xi32, #tpu.memory_space<vmem>> -> memref<1x50xi32, #tpu.memory_space<vmem>>
        %dma_start3A_234 = tpu.memref_squeeze %dma_start3A_233 : memref<1x50xi32, #tpu.memory_space<vmem>> -> memref<50xi32, #tpu.memory_space<vmem>>
        %dma_start3A_235 = arith.constant 0 : i32
        %dma_start3A_236 = arith.constant 0 : i32
        %dma_start3A_237 = tpu.memref_slice %arg12[%dma_start3A_235, %dma_start3A_236] : memref<10000x128xf32, #tpu.memory_space<vmem_shared>> -> memref<10000x128xf32, #tpu.memory_space<vmem_shared>>
        tpu.enqueue_indirect_dma source(%arg11 : memref<50x128xf32, #tpu.memory_space<vmem>>) target(%dma_start3A_237 : memref<10000x128xf32, #tpu.memory_space<vmem_shared>>) offsets(%dma_start3A_234 : memref<50xi32, #tpu.memory_space<vmem>>) semaphore(%arg20 : memref<!tpu.dma_semaphore, #tpu.memory_space<semaphore_mem>>) {add = true}
        %add3A_238 = arith.constant 0 : i32
        %add3A_239 = arith.addi %add3A_173, %add3A_238 : i32
        %dma_wait3A_240 = arith.constant 0 : i32
        %dma_wait3A_241 = tpu.memref_slice %arg7[%add3A_239, %dma_wait3A_240] : memref<40x50xi32, #tpu.memory_space<vmem>> -> memref<1x50xi32, #tpu.memory_space<vmem>>
        %dma_wait3A_242 = tpu.memref_squeeze %dma_wait3A_241 : memref<1x50xi32, #tpu.memory_space<vmem>> -> memref<50xi32, #tpu.memory_space<vmem>>
        %dma_wait3A_243 = arith.constant 0 : i32
        %dma_wait3A_244 = arith.constant 0 : i32
        %dma_wait3A_245 = tpu.memref_slice %arg12[%dma_wait3A_243, %dma_wait3A_244] : memref<10000x128xf32, #tpu.memory_space<vmem_shared>> -> memref<10000x128xf32, #tpu.memory_space<vmem_shared>>
        tpu.wait_indirect_dma semaphore(%arg17 : memref<!tpu.dma_semaphore, #tpu.memory_space<semaphore_mem>>) src(%arg8 : memref<50x128xf32, #tpu.memory_space<vmem>>) dst(%dma_wait3A_245 : memref<10000x128xf32, #tpu.memory_space<vmem_shared>>)
        %add3A_246 = arith.constant 4 : i32
        %add3A_247 = arith.addi %add3A_173, %add3A_246 : i32
        %add3A_248 = arith.constant 0 : i32
        %add3A_249 = arith.addi %add3A_247, %add3A_248 : i32
        %dma_start3A_250 = arith.constant 0 : i32
        %dma_start3A_251 = tpu.memref_slice %arg6[%add3A_249, %dma_start3A_250] : memref<40x50xi32, #tpu.memory_space<vmem>> -> memref<1x50xi32, #tpu.memory_space<vmem>>
        %dma_start3A_252 = tpu.memref_squeeze %dma_start3A_251 : memref<1x50xi32, #tpu.memory_space<vmem>> -> memref<50xi32, #tpu.memory_space<vmem>>
        %dma_start3A_253 = arith.constant 0 : i32
        %dma_start3A_254 = arith.constant 0 : i32
        %dma_start3A_255 = tpu.memref_slice %arg2[%dma_start3A_253, %dma_start3A_254] : memref<20000x128xf32, #tpu.memory_space<hbm>> -> memref<20000x128xf32, #tpu.memory_space<hbm>>
        tpu.enqueue_indirect_dma source(%dma_start3A_255 : memref<20000x128xf32, #tpu.memory_space<hbm>>) target(%arg8 : memref<50x128xf32, #tpu.memory_space<vmem>>) offsets(%dma_start3A_252 : memref<50xi32, #tpu.memory_space<vmem>>) semaphore(%arg13 : memref<!tpu.dma_semaphore, #tpu.memory_space<semaphore_mem>>)
        %add3A_256 = arith.constant 1 : i32
        %add3A_257 = arith.addi %add3A_173, %add3A_256 : i32
        %dma_wait3A_258 = arith.constant 0 : i32
        %dma_wait3A_259 = tpu.memref_slice %arg7[%add3A_257, %dma_wait3A_258] : memref<40x50xi32, #tpu.memory_space<vmem>> -> memref<1x50xi32, #tpu.memory_space<vmem>>
        %dma_wait3A_260 = tpu.memref_squeeze %dma_wait3A_259 : memref<1x50xi32, #tpu.memory_space<vmem>> -> memref<50xi32, #tpu.memory_space<vmem>>
        %dma_wait3A_261 = arith.constant 0 : i32
        %dma_wait3A_262 = arith.constant 0 : i32
        %dma_wait3A_263 = tpu.memref_slice %arg12[%dma_wait3A_261, %dma_wait3A_262] : memref<10000x128xf32, #tpu.memory_space<vmem_shared>> -> memref<10000x128xf32, #tpu.memory_space<vmem_shared>>
        tpu.wait_indirect_dma semaphore(%arg18 : memref<!tpu.dma_semaphore, #tpu.memory_space<semaphore_mem>>) src(%arg9 : memref<50x128xf32, #tpu.memory_space<vmem>>) dst(%dma_wait3A_263 : memref<10000x128xf32, #tpu.memory_space<vmem_shared>>)
        %add3A_264 = arith.constant 4 : i32
        %add3A_265 = arith.addi %add3A_173, %add3A_264 : i32
        %add3A_266 = arith.constant 1 : i32
        %add3A_267 = arith.addi %add3A_265, %add3A_266 : i32
        %dma_start3A_268 = arith.constant 0 : i32
        %dma_start3A_269 = tpu.memref_slice %arg6[%add3A_267, %dma_start3A_268] : memref<40x50xi32, #tpu.memory_space<vmem>> -> memref<1x50xi32, #tpu.memory_space<vmem>>
        %dma_start3A_270 = tpu.memref_squeeze %dma_start3A_269 : memref<1x50xi32, #tpu.memory_space<vmem>> -> memref<50xi32, #tpu.memory_space<vmem>>
        %dma_start3A_271 = arith.constant 0 : i32
        %dma_start3A_272 = arith.constant 0 : i32
        %dma_start3A_273 = tpu.memref_slice %arg2[%dma_start3A_271, %dma_start3A_272] : memref<20000x128xf32, #tpu.memory_space<hbm>> -> memref<20000x128xf32, #tpu.memory_space<hbm>>
        tpu.enqueue_indirect_dma source(%dma_start3A_273 : memref<20000x128xf32, #tpu.memory_space<hbm>>) target(%arg9 : memref<50x128xf32, #tpu.memory_space<vmem>>) offsets(%dma_start3A_270 : memref<50xi32, #tpu.memory_space<vmem>>) semaphore(%arg14 : memref<!tpu.dma_semaphore, #tpu.memory_space<semaphore_mem>>)
        %add3A_274 = arith.constant 2 : i32
        %add3A_275 = arith.addi %add3A_173, %add3A_274 : i32
        %dma_wait3A_276 = arith.constant 0 : i32
        %dma_wait3A_277 = tpu.memref_slice %arg7[%add3A_275, %dma_wait3A_276] : memref<40x50xi32, #tpu.memory_space<vmem>> -> memref<1x50xi32, #tpu.memory_space<vmem>>
        %dma_wait3A_278 = tpu.memref_squeeze %dma_wait3A_277 : memref<1x50xi32, #tpu.memory_space<vmem>> -> memref<50xi32, #tpu.memory_space<vmem>>
        %dma_wait3A_279 = arith.constant 0 : i32
        %dma_wait3A_280 = arith.constant 0 : i32
        %dma_wait3A_281 = tpu.memref_slice %arg12[%dma_wait3A_279, %dma_wait3A_280] : memref<10000x128xf32, #tpu.memory_space<vmem_shared>> -> memref<10000x128xf32, #tpu.memory_space<vmem_shared>>
        tpu.wait_indirect_dma semaphore(%arg19 : memref<!tpu.dma_semaphore, #tpu.memory_space<semaphore_mem>>) src(%arg10 : memref<50x128xf32, #tpu.memory_space<vmem>>) dst(%dma_wait3A_281 : memref<10000x128xf32, #tpu.memory_space<vmem_shared>>)
        %add3A_282 = arith.constant 4 : i32
        %add3A_283 = arith.addi %add3A_173, %add3A_282 : i32
        %add3A_284 = arith.constant 2 : i32
        %add3A_285 = arith.addi %add3A_283, %add3A_284 : i32
        %dma_start3A_286 = arith.constant 0 : i32
        %dma_start3A_287 = tpu.memref_slice %arg6[%add3A_285, %dma_start3A_286] : memref<40x50xi32, #tpu.memory_space<vmem>> -> memref<1x50xi32, #tpu.memory_space<vmem>>
        %dma_start3A_288 = tpu.memref_squeeze %dma_start3A_287 : memref<1x50xi32, #tpu.memory_space<vmem>> -> memref<50xi32, #tpu.memory_space<vmem>>
        %dma_start3A_289 = arith.constant 0 : i32
        %dma_start3A_290 = arith.constant 0 : i32
        %dma_start3A_291 = tpu.memref_slice %arg2[%dma_start3A_289, %dma_start3A_290] : memref<20000x128xf32, #tpu.memory_space<hbm>> -> memref<20000x128xf32, #tpu.memory_space<hbm>>
        tpu.enqueue_indirect_dma source(%dma_start3A_291 : memref<20000x128xf32, #tpu.memory_space<hbm>>) target(%arg10 : memref<50x128xf32, #tpu.memory_space<vmem>>) offsets(%dma_start3A_288 : memref<50xi32, #tpu.memory_space<vmem>>) semaphore(%arg15 : memref<!tpu.dma_semaphore, #tpu.memory_space<semaphore_mem>>)
        %add3A_292 = arith.constant 3 : i32
        %add3A_293 = arith.addi %add3A_173, %add3A_292 : i32
        %dma_wait3A_294 = arith.constant 0 : i32
        %dma_wait3A_295 = tpu.memref_slice %arg7[%add3A_293, %dma_wait3A_294] : memref<40x50xi32, #tpu.memory_space<vmem>> -> memref<1x50xi32, #tpu.memory_space<vmem>>
        %dma_wait3A_296 = tpu.memref_squeeze %dma_wait3A_295 : memref<1x50xi32, #tpu.memory_space<vmem>> -> memref<50xi32, #tpu.memory_space<vmem>>
        %dma_wait3A_297 = arith.constant 0 : i32
        %dma_wait3A_298 = arith.constant 0 : i32
        %dma_wait3A_299 = tpu.memref_slice %arg12[%dma_wait3A_297, %dma_wait3A_298] : memref<10000x128xf32, #tpu.memory_space<vmem_shared>> -> memref<10000x128xf32, #tpu.memory_space<vmem_shared>>
        tpu.wait_indirect_dma semaphore(%arg20 : memref<!tpu.dma_semaphore, #tpu.memory_space<semaphore_mem>>) src(%arg11 : memref<50x128xf32, #tpu.memory_space<vmem>>) dst(%dma_wait3A_299 : memref<10000x128xf32, #tpu.memory_space<vmem_shared>>)
        %add3A_300 = arith.constant 4 : i32
        %add3A_301 = arith.addi %add3A_173, %add3A_300 : i32
        %add3A_302 = arith.constant 3 : i32
        %add3A_303 = arith.addi %add3A_301, %add3A_302 : i32
        %dma_start3A_304 = arith.constant 0 : i32
        %dma_start3A_305 = tpu.memref_slice %arg6[%add3A_303, %dma_start3A_304] : memref<40x50xi32, #tpu.memory_space<vmem>> -> memref<1x50xi32, #tpu.memory_space<vmem>>
        %dma_start3A_306 = tpu.memref_squeeze %dma_start3A_305 : memref<1x50xi32, #tpu.memory_space<vmem>> -> memref<50xi32, #tpu.memory_space<vmem>>
        %dma_start3A_307 = arith.constant 0 : i32
        %dma_start3A_308 = arith.constant 0 : i32
        %dma_start3A_309 = tpu.memref_slice %arg2[%dma_start3A_307, %dma_start3A_308] : memref<20000x128xf32, #tpu.memory_space<hbm>> -> memref<20000x128xf32, #tpu.memory_space<hbm>>
        tpu.enqueue_indirect_dma source(%dma_start3A_309 : memref<20000x128xf32, #tpu.memory_space<hbm>>) target(%arg11 : memref<50x128xf32, #tpu.memory_space<vmem>>) offsets(%dma_start3A_306 : memref<50xi32, #tpu.memory_space<vmem>>) semaphore(%arg16 : memref<!tpu.dma_semaphore, #tpu.memory_space<semaphore_mem>>)
      }
      %scan3A_85 = arith.constant 9 : i32
      %dma_wait3A = arith.constant 36 : i32
      %dma_wait3A_86 = arith.constant 0 : i32
      %dma_wait3A_87 = tpu.memref_slice %arg6[%dma_wait3A, %dma_wait3A_86] : memref<40x50xi32, #tpu.memory_space<vmem>> -> memref<1x50xi32, #tpu.memory_space<vmem>>
      %dma_wait3A_88 = tpu.memref_squeeze %dma_wait3A_87 : memref<1x50xi32, #tpu.memory_space<vmem>> -> memref<50xi32, #tpu.memory_space<vmem>>
      %dma_wait3A_89 = arith.constant 0 : i32
      %dma_wait3A_90 = arith.constant 0 : i32
      %dma_wait3A_91 = tpu.memref_slice %arg2[%dma_wait3A_89, %dma_wait3A_90] : memref<20000x128xf32, #tpu.memory_space<hbm>> -> memref<20000x128xf32, #tpu.memory_space<hbm>>
      tpu.wait_indirect_dma semaphore(%arg13 : memref<!tpu.dma_semaphore, #tpu.memory_space<semaphore_mem>>) src(%dma_wait3A_91 : memref<20000x128xf32, #tpu.memory_space<hbm>>) dst(%arg8 : memref<50x128xf32, #tpu.memory_space<vmem>>)
      %dma_start3A_92 = arith.constant 36 : i32
      %dma_start3A_93 = arith.constant 0 : i32
      %dma_start3A_94 = tpu.memref_slice %arg7[%dma_start3A_92, %dma_start3A_93] : memref<40x50xi32, #tpu.memory_space<vmem>> -> memref<1x50xi32, #tpu.memory_space<vmem>>
      %dma_start3A_95 = tpu.memref_squeeze %dma_start3A_94 : memref<1x50xi32, #tpu.memory_space<vmem>> -> memref<50xi32, #tpu.memory_space<vmem>>
      %dma_start3A_96 = arith.constant 0 : i32
      %dma_start3A_97 = arith.constant 0 : i32
      %dma_start3A_98 = tpu.memref_slice %arg12[%dma_start3A_96, %dma_start3A_97] : memref<10000x128xf32, #tpu.memory_space<vmem_shared>> -> memref<10000x128xf32, #tpu.memory_space<vmem_shared>>
      tpu.enqueue_indirect_dma source(%arg8 : memref<50x128xf32, #tpu.memory_space<vmem>>) target(%dma_start3A_98 : memref<10000x128xf32, #tpu.memory_space<vmem_shared>>) offsets(%dma_start3A_95 : memref<50xi32, #tpu.memory_space<vmem>>) semaphore(%arg17 : memref<!tpu.dma_semaphore, #tpu.memory_space<semaphore_mem>>) {add = true}
      %dma_wait3A_99 = arith.constant 37 : i32
      %dma_wait3A_100 = arith.constant 0 : i32
      %dma_wait3A_101 = tpu.memref_slice %arg6[%dma_wait3A_99, %dma_wait3A_100] : memref<40x50xi32, #tpu.memory_space<vmem>> -> memref<1x50xi32, #tpu.memory_space<vmem>>
      %dma_wait3A_102 = tpu.memref_squeeze %dma_wait3A_101 : memref<1x50xi32, #tpu.memory_space<vmem>> -> memref<50xi32, #tpu.memory_space<vmem>>
      %dma_wait3A_103 = arith.constant 0 : i32
      %dma_wait3A_104 = arith.constant 0 : i32
      %dma_wait3A_105 = tpu.memref_slice %arg2[%dma_wait3A_103, %dma_wait3A_104] : memref<20000x128xf32, #tpu.memory_space<hbm>> -> memref<20000x128xf32, #tpu.memory_space<hbm>>
      tpu.wait_indirect_dma semaphore(%arg14 : memref<!tpu.dma_semaphore, #tpu.memory_space<semaphore_mem>>) src(%dma_wait3A_105 : memref<20000x128xf32, #tpu.memory_space<hbm>>) dst(%arg9 : memref<50x128xf32, #tpu.memory_space<vmem>>)
      %dma_start3A_106 = arith.constant 37 : i32
      %dma_start3A_107 = arith.constant 0 : i32
      %dma_start3A_108 = tpu.memref_slice %arg7[%dma_start3A_106, %dma_start3A_107] : memref<40x50xi32, #tpu.memory_space<vmem>> -> memref<1x50xi32, #tpu.memory_space<vmem>>
      %dma_start3A_109 = tpu.memref_squeeze %dma_start3A_108 : memref<1x50xi32, #tpu.memory_space<vmem>> -> memref<50xi32, #tpu.memory_space<vmem>>
      %dma_start3A_110 = arith.constant 0 : i32
      %dma_start3A_111 = arith.constant 0 : i32
      %dma_start3A_112 = tpu.memref_slice %arg12[%dma_start3A_110, %dma_start3A_111] : memref<10000x128xf32, #tpu.memory_space<vmem_shared>> -> memref<10000x128xf32, #tpu.memory_space<vmem_shared>>
      tpu.enqueue_indirect_dma source(%arg9 : memref<50x128xf32, #tpu.memory_space<vmem>>) target(%dma_start3A_112 : memref<10000x128xf32, #tpu.memory_space<vmem_shared>>) offsets(%dma_start3A_109 : memref<50xi32, #tpu.memory_space<vmem>>) semaphore(%arg18 : memref<!tpu.dma_semaphore, #tpu.memory_space<semaphore_mem>>) {add = true}
      %dma_wait3A_113 = arith.constant 38 : i32
      %dma_wait3A_114 = arith.constant 0 : i32
      %dma_wait3A_115 = tpu.memref_slice %arg6[%dma_wait3A_113, %dma_wait3A_114] : memref<40x50xi32, #tpu.memory_space<vmem>> -> memref<1x50xi32, #tpu.memory_space<vmem>>
      %dma_wait3A_116 = tpu.memref_squeeze %dma_wait3A_115 : memref<1x50xi32, #tpu.memory_space<vmem>> -> memref<50xi32, #tpu.memory_space<vmem>>
      %dma_wait3A_117 = arith.constant 0 : i32
      %dma_wait3A_118 = arith.constant 0 : i32
      %dma_wait3A_119 = tpu.memref_slice %arg2[%dma_wait3A_117, %dma_wait3A_118] : memref<20000x128xf32, #tpu.memory_space<hbm>> -> memref<20000x128xf32, #tpu.memory_space<hbm>>
      tpu.wait_indirect_dma semaphore(%arg15 : memref<!tpu.dma_semaphore, #tpu.memory_space<semaphore_mem>>) src(%dma_wait3A_119 : memref<20000x128xf32, #tpu.memory_space<hbm>>) dst(%arg10 : memref<50x128xf32, #tpu.memory_space<vmem>>)
      %dma_start3A_120 = arith.constant 38 : i32
      %dma_start3A_121 = arith.constant 0 : i32
      %dma_start3A_122 = tpu.memref_slice %arg7[%dma_start3A_120, %dma_start3A_121] : memref<40x50xi32, #tpu.memory_space<vmem>> -> memref<1x50xi32, #tpu.memory_space<vmem>>
      %dma_start3A_123 = tpu.memref_squeeze %dma_start3A_122 : memref<1x50xi32, #tpu.memory_space<vmem>> -> memref<50xi32, #tpu.memory_space<vmem>>
      %dma_start3A_124 = arith.constant 0 : i32
      %dma_start3A_125 = arith.constant 0 : i32
      %dma_start3A_126 = tpu.memref_slice %arg12[%dma_start3A_124, %dma_start3A_125] : memref<10000x128xf32, #tpu.memory_space<vmem_shared>> -> memref<10000x128xf32, #tpu.memory_space<vmem_shared>>
      tpu.enqueue_indirect_dma source(%arg10 : memref<50x128xf32, #tpu.memory_space<vmem>>) target(%dma_start3A_126 : memref<10000x128xf32, #tpu.memory_space<vmem_shared>>) offsets(%dma_start3A_123 : memref<50xi32, #tpu.memory_space<vmem>>) semaphore(%arg19 : memref<!tpu.dma_semaphore, #tpu.memory_space<semaphore_mem>>) {add = true}
      %dma_wait3A_127 = arith.constant 39 : i32
      %dma_wait3A_128 = arith.constant 0 : i32
      %dma_wait3A_129 = tpu.memref_slice %arg6[%dma_wait3A_127, %dma_wait3A_128] : memref<40x50xi32, #tpu.memory_space<vmem>> -> memref<1x50xi32, #tpu.memory_space<vmem>>
      %dma_wait3A_130 = tpu.memref_squeeze %dma_wait3A_129 : memref<1x50xi32, #tpu.memory_space<vmem>> -> memref<50xi32, #tpu.memory_space<vmem>>
      %dma_wait3A_131 = arith.constant 0 : i32
      %dma_wait3A_132 = arith.constant 0 : i32
      %dma_wait3A_133 = tpu.memref_slice %arg2[%dma_wait3A_131, %dma_wait3A_132] : memref<20000x128xf32, #tpu.memory_space<hbm>> -> memref<20000x128xf32, #tpu.memory_space<hbm>>
      tpu.wait_indirect_dma semaphore(%arg16 : memref<!tpu.dma_semaphore, #tpu.memory_space<semaphore_mem>>) src(%dma_wait3A_133 : memref<20000x128xf32, #tpu.memory_space<hbm>>) dst(%arg11 : memref<50x128xf32, #tpu.memory_space<vmem>>)
      %dma_start3A_134 = arith.constant 39 : i32
      %dma_start3A_135 = arith.constant 0 : i32
      %dma_start3A_136 = tpu.memref_slice %arg7[%dma_start3A_134, %dma_start3A_135] : memref<40x50xi32, #tpu.memory_space<vmem>> -> memref<1x50xi32, #tpu.memory_space<vmem>>
      %dma_start3A_137 = tpu.memref_squeeze %dma_start3A_136 : memref<1x50xi32, #tpu.memory_space<vmem>> -> memref<50xi32, #tpu.memory_space<vmem>>
      %dma_start3A_138 = arith.constant 0 : i32
      %dma_start3A_139 = arith.constant 0 : i32
      %dma_start3A_140 = tpu.memref_slice %arg12[%dma_start3A_138, %dma_start3A_139] : memref<10000x128xf32, #tpu.memory_space<vmem_shared>> -> memref<10000x128xf32, #tpu.memory_space<vmem_shared>>
      tpu.enqueue_indirect_dma source(%arg11 : memref<50x128xf32, #tpu.memory_space<vmem>>) target(%dma_start3A_140 : memref<10000x128xf32, #tpu.memory_space<vmem_shared>>) offsets(%dma_start3A_137 : memref<50xi32, #tpu.memory_space<vmem>>) semaphore(%arg20 : memref<!tpu.dma_semaphore, #tpu.memory_space<semaphore_mem>>) {add = true}
      %dma_wait3A_141 = arith.constant 36 : i32
      %dma_wait3A_142 = arith.constant 0 : i32
      %dma_wait3A_143 = tpu.memref_slice %arg7[%dma_wait3A_141, %dma_wait3A_142] : memref<40x50xi32, #tpu.memory_space<vmem>> -> memref<1x50xi32, #tpu.memory_space<vmem>>
      %dma_wait3A_144 = tpu.memref_squeeze %dma_wait3A_143 : memref<1x50xi32, #tpu.memory_space<vmem>> -> memref<50xi32, #tpu.memory_space<vmem>>
      %dma_wait3A_145 = arith.constant 0 : i32
      %dma_wait3A_146 = arith.constant 0 : i32
      %dma_wait3A_147 = tpu.memref_slice %arg12[%dma_wait3A_145, %dma_wait3A_146] : memref<10000x128xf32, #tpu.memory_space<vmem_shared>> -> memref<10000x128xf32, #tpu.memory_space<vmem_shared>>
      tpu.wait_indirect_dma semaphore(%arg17 : memref<!tpu.dma_semaphore, #tpu.memory_space<semaphore_mem>>) src(%arg8 : memref<50x128xf32, #tpu.memory_space<vmem>>) dst(%dma_wait3A_147 : memref<10000x128xf32, #tpu.memory_space<vmem_shared>>)
      %dma_wait3A_148 = arith.constant 37 : i32
      %dma_wait3A_149 = arith.constant 0 : i32
      %dma_wait3A_150 = tpu.memref_slice %arg7[%dma_wait3A_148, %dma_wait3A_149] : memref<40x50xi32, #tpu.memory_space<vmem>> -> memref<1x50xi32, #tpu.memory_space<vmem>>
      %dma_wait3A_151 = tpu.memref_squeeze %dma_wait3A_150 : memref<1x50xi32, #tpu.memory_space<vmem>> -> memref<50xi32, #tpu.memory_space<vmem>>
      %dma_wait3A_152 = arith.constant 0 : i32
      %dma_wait3A_153 = arith.constant 0 : i32
      %dma_wait3A_154 = tpu.memref_slice %arg12[%dma_wait3A_152, %dma_wait3A_153] : memref<10000x128xf32, #tpu.memory_space<vmem_shared>> -> memref<10000x128xf32, #tpu.memory_space<vmem_shared>>
      tpu.wait_indirect_dma semaphore(%arg18 : memref<!tpu.dma_semaphore, #tpu.memory_space<semaphore_mem>>) src(%arg9 : memref<50x128xf32, #tpu.memory_space<vmem>>) dst(%dma_wait3A_154 : memref<10000x128xf32, #tpu.memory_space<vmem_shared>>)
      %dma_wait3A_155 = arith.constant 38 : i32
      %dma_wait3A_156 = arith.constant 0 : i32
      %dma_wait3A_157 = tpu.memref_slice %arg7[%dma_wait3A_155, %dma_wait3A_156] : memref<40x50xi32, #tpu.memory_space<vmem>> -> memref<1x50xi32, #tpu.memory_space<vmem>>
      %dma_wait3A_158 = tpu.memref_squeeze %dma_wait3A_157 : memref<1x50xi32, #tpu.memory_space<vmem>> -> memref<50xi32, #tpu.memory_space<vmem>>
      %dma_wait3A_159 = arith.constant 0 : i32
      %dma_wait3A_160 = arith.constant 0 : i32
      %dma_wait3A_161 = tpu.memref_slice %arg12[%dma_wait3A_159, %dma_wait3A_160] : memref<10000x128xf32, #tpu.memory_space<vmem_shared>> -> memref<10000x128xf32, #tpu.memory_space<vmem_shared>>
      tpu.wait_indirect_dma semaphore(%arg19 : memref<!tpu.dma_semaphore, #tpu.memory_space<semaphore_mem>>) src(%arg10 : memref<50x128xf32, #tpu.memory_space<vmem>>) dst(%dma_wait3A_161 : memref<10000x128xf32, #tpu.memory_space<vmem_shared>>)
      %dma_wait3A_162 = arith.constant 39 : i32
      %dma_wait3A_163 = arith.constant 0 : i32
      %dma_wait3A_164 = tpu.memref_slice %arg7[%dma_wait3A_162, %dma_wait3A_163] : memref<40x50xi32, #tpu.memory_space<vmem>> -> memref<1x50xi32, #tpu.memory_space<vmem>>
      %dma_wait3A_165 = tpu.memref_squeeze %dma_wait3A_164 : memref<1x50xi32, #tpu.memory_space<vmem>> -> memref<50xi32, #tpu.memory_space<vmem>>
      %dma_wait3A_166 = arith.constant 0 : i32
      %dma_wait3A_167 = arith.constant 0 : i32
      %dma_wait3A_168 = tpu.memref_slice %arg12[%dma_wait3A_166, %dma_wait3A_167] : memref<10000x128xf32, #tpu.memory_space<vmem_shared>> -> memref<10000x128xf32, #tpu.memory_space<vmem_shared>>
      tpu.wait_indirect_dma semaphore(%arg20 : memref<!tpu.dma_semaphore, #tpu.memory_space<semaphore_mem>>) src(%arg11 : memref<50x128xf32, #tpu.memory_space<vmem>>) dst(%dma_wait3A_168 : memref<10000x128xf32, #tpu.memory_space<vmem_shared>>)
    }
    %scan3A_18 = arith.constant 5 : i32
    %barrier3A_19 = arith.constant 0 : index
    tpu.barrier barrier_id(%barrier3A_19)
    %mul3A_20 = arith.constant 80 : i32
    %mul3A_21 = arith.muli %arg1, %mul3A_20 : i32
    %sub3A_22 = arith.constant 10000 : i32
    %sub3A_23 = arith.subi %sub3A_22, %mul3A_21 : i32
    %sub3A_24 = arith.constant 1280 : i32
    %sub3A_25 = arith.constant 1 : i32
    %sub3A_26 = arith.subi %sub3A_24, %sub3A_25 : i32
    %add3A_27 = arith.addi %sub3A_23, %sub3A_26 : i32
    %div3A_28 = arith.constant 1280 : i32
    %div3A_29 = arith.divsi %add3A_27, %div3A_28 : i32
    %while3A_30 = arith.constant 1280 : i32
    %while3A_31 = arith.constant 0 : i32
    %while3A_32 = arith.subi %div3A_29, %while3A_31 : i32
    %while3A_33 = arith.addi %while3A_31, %while3A_32 : i32
    %while3A_34 = arith.constant 1 : i32
    %while3A_35 = arith.divsi %while3A_32, %while3A_34 : i32
    %while3A_36 = arith.muli %while3A_35, %while3A_34 : i32
    %while3A_37 = arith.addi %while3A_31, %while3A_36 : i32
    %while3A_38 = arith.constant 1 : i32
    scf.for %while3A_40 = %while3A_31 to %while3A_37 step %while3A_38  : i32 {
      %mul3A_41 = arith.muli %while3A_40, %while3A_30 : i32
      %add3A_42 = arith.addi %mul3A_21, %mul3A_41 : i32
      %mul3A_43 = arith.constant 10000 : i32
      %mul3A_44 = arith.muli %arg0, %mul3A_43 : i32
      %add3A_45 = arith.addi %mul3A_44, %add3A_42 : i32
      "tpu.region"() ({
        %run_scoped3A = tpu.sem_alloc : memref<!tpu.dma_semaphore, #tpu.memory_space<semaphore_mem>>
        %dma_start3A = arith.constant 0 : i32
        %dma_start3A_46 = tpu.memref_slice %arg5[%add3A_45, %dma_start3A] : memref<20000x128xf32, #tpu.memory_space<hbm>> -> memref<80x128xf32, #tpu.memory_space<hbm>>
        %dma_start3A_47 = arith.constant 0 : i32
        %dma_start3A_48 = tpu.memref_slice %arg12[%add3A_42, %dma_start3A_47] : memref<10000x128xf32, #tpu.memory_space<vmem_shared>> -> memref<80x128xf32, #tpu.memory_space<vmem_shared>>
        tpu.enqueue_dma source(%dma_start3A_48 : memref<80x128xf32, #tpu.memory_space<vmem_shared>>) target(%dma_start3A_46 : memref<80x128xf32, #tpu.memory_space<hbm>>) target_semaphore(%run_scoped3A : memref<!tpu.dma_semaphore, #tpu.memory_space<semaphore_mem>>)
        %dma_wait3A = arith.constant 0 : i32
        %dma_wait3A_49 = tpu.memref_slice %arg5[%add3A_45, %dma_wait3A] : memref<20000x128xf32, #tpu.memory_space<hbm>> -> memref<80x128xf32, #tpu.memory_space<hbm>>
        %dma_wait3A_50 = arith.constant 0 : i32
        %dma_wait3A_51 = tpu.memref_slice %arg12[%add3A_42, %dma_wait3A_50] : memref<10000x128xf32, #tpu.memory_space<vmem_shared>> -> memref<80x128xf32, #tpu.memory_space<vmem_shared>>
        tpu.wait_dma2 semaphore(%run_scoped3A : memref<!tpu.dma_semaphore, #tpu.memory_space<semaphore_mem>>) src(%dma_wait3A_51 : memref<80x128xf32, #tpu.memory_space<vmem_shared>>) dst(%dma_wait3A_49 : memref<80x128xf32, #tpu.memory_space<hbm>>)
        tpu.yield
      }) : () -> ()
    }
    %while3A_39 = arith.constant 1 : i32
    scf.for %while3A_40 = %while3A_37 to %while3A_33 step %while3A_39  : i32 {
      %mul3A_41 = arith.muli %while3A_40, %while3A_30 : i32
      %add3A_42 = arith.addi %mul3A_21, %mul3A_41 : i32
      %mul3A_43 = arith.constant 10000 : i32
      %mul3A_44 = arith.muli %arg0, %mul3A_43 : i32
      %add3A_45 = arith.addi %mul3A_44, %add3A_42 : i32
      "tpu.region"() ({
        %run_scoped3A = tpu.sem_alloc : memref<!tpu.dma_semaphore, #tpu.memory_space<semaphore_mem>>
        %dma_start3A = arith.constant 0 : i32
        %dma_start3A_46 = tpu.memref_slice %arg5[%add3A_45, %dma_start3A] : memref<20000x128xf32, #tpu.memory_space<hbm>> -> memref<80x128xf32, #tpu.memory_space<hbm>>
        %dma_start3A_47 = arith.constant 0 : i32
        %dma_start3A_48 = tpu.memref_slice %arg12[%add3A_42, %dma_start3A_47] : memref<10000x128xf32, #tpu.memory_space<vmem_shared>> -> memref<80x128xf32, #tpu.memory_space<vmem_shared>>
        tpu.enqueue_dma source(%dma_start3A_48 : memref<80x128xf32, #tpu.memory_space<vmem_shared>>) target(%dma_start3A_46 : memref<80x128xf32, #tpu.memory_space<hbm>>) target_semaphore(%run_scoped3A : memref<!tpu.dma_semaphore, #tpu.memory_space<semaphore_mem>>)
        %dma_wait3A = arith.constant 0 : i32
        %dma_wait3A_49 = tpu.memref_slice %arg5[%add3A_45, %dma_wait3A] : memref<20000x128xf32, #tpu.memory_space<hbm>> -> memref<80x128xf32, #tpu.memory_space<hbm>>
        %dma_wait3A_50 = arith.constant 0 : i32
        %dma_wait3A_51 = tpu.memref_slice %arg12[%add3A_42, %dma_wait3A_50] : memref<10000x128xf32, #tpu.memory_space<vmem_shared>> -> memref<80x128xf32, #tpu.memory_space<vmem_shared>>
        tpu.wait_dma2 semaphore(%run_scoped3A : memref<!tpu.dma_semaphore, #tpu.memory_space<semaphore_mem>>) src(%dma_wait3A_51 : memref<80x128xf32, #tpu.memory_space<vmem_shared>>) dst(%dma_wait3A_49 : memref<80x128xf32, #tpu.memory_space<hbm>>)
        tpu.yield
      }) : () -> ()
    }
    return
  }
}

module attributes {stable_mosaic.version = 14 : i64} {
  func.func @_tc1_body(%arg0: i32, %arg1: i32, %arg2: memref<1000x512xf32, #tpu.memory_space<vmem>>, %arg3: memref<512x128xf32, #tpu.memory_space<vmem>>, %arg4: memref<1000x128xf32, #tpu.memory_space<vmem>>, %arg5: memref<1000x128xf32, #tpu.memory_space<vmem>>) attributes {dimension_semantics = [#tpu.dimension_semantics<arbitrary>, #tpu.dimension_semantics<arbitrary>], iteration_bounds = array<i64: 10, 2>, scalar_prefetch = 0 : i64, scratch_operands = 0 : i64, tpu.core_type = #tpu.core_type<tc>, window_params = [{transform_indices = @transform_0, window_bounds = array<i64: 1000, 512>}, {transform_indices = @transform_1, window_bounds = array<i64: 512, 128>}, {transform_indices = @transform_2, window_bounds = array<i64: 1000, 128>}, {transform_indices = @transform_3, window_bounds = array<i64: 1000, 128>}]} {
    %get3A = arith.constant 0 : index
    %get3A_0 = arith.constant 0 : index
    %get3A_1 = vector.load %arg4[%get3A, %get3A_0] : memref<1000x128xf32, #tpu.memory_space<vmem>>, vector<1000x1xf32>
    %rsqrt3A = math.rsqrt %get3A_1 : vector<1000x1xf32>
    %get3A_2 = arith.constant 0 : index
    %get3A_3 = arith.constant 0 : index
    %get3A_4 = vector.load %arg2[%get3A_2, %get3A_3] : memref<1000x512xf32, #tpu.memory_space<vmem>>, vector<1000x512xf32>
    %get3A_5 = arith.constant 0 : index
    %get3A_6 = arith.constant 0 : index
    %get3A_7 = vector.load %arg3[%get3A_5, %get3A_6] : memref<512x128xf32, #tpu.memory_space<vmem>>, vector<512x128xf32>
    %dot_general3A = arith.constant dense<0.000000e+00> : vector<1000x128xf32>
    %dot_general3A_8 = tpu.matmul %get3A_4, %get3A_7, %dot_general3A {dimension_numbers = #tpu.dot_dimension_numbers<[1], [0], [0], [1], [0, 0, 1, 1], [], []>, transpose_lhs_hint = false} : vector<1000x512xf32>, vector<512x128xf32>, vector<1000x128xf32> -> vector<1000x128xf32>
    %mul3A = vector.broadcast %rsqrt3A : vector<1000x1xf32> to vector<1000x128xf32>
    %mul3A_9 = arith.mulf %dot_general3A_8, %mul3A : vector<1000x128xf32>
    %swap3A = arith.constant 0 : index
    %swap3A_10 = arith.constant 0 : index
    %swap3A_11 = vector.load %arg5[%swap3A, %swap3A_10] : memref<1000x128xf32, #tpu.memory_space<vmem>>, vector<1000x128xf32>
    tpu.vector_store %arg5[%swap3A, %swap3A_10], %mul3A_9 {strides = array<i32>} : memref<1000x128xf32, #tpu.memory_space<vmem>>, vector<1000x128xf32>,
    return
  }
  func.func @transform_0(%arg0: i32, %arg1: i32) -> (i32, i32) {
    %c0_i32 = arith.constant 0 : i32
    %c0_i32_0 = arith.constant 0 : i32
    return %arg0, %c0_i32 : i32, i32
  }
  func.func @transform_1(%arg0: i32, %arg1: i32) -> (i32, i32) {
    %c0_i32 = arith.constant 0 : i32
    %c0_i32_0 = arith.constant 0 : i32
    return %c0_i32, %arg1 : i32, i32
  }
  func.func @transform_2(%arg0: i32, %arg1: i32) -> (i32, i32) {
    %c0_i32 = arith.constant 0 : i32
    %c0_i32_0 = arith.constant 0 : i32
    return %arg0, %c0_i32 : i32, i32
  }
  func.func @transform_3(%arg0: i32, %arg1: i32) -> (i32, i32) {
    %mul3A = arith.constant 10 : i32
    %mul3A_0 = arith.muli %arg1, %mul3A : i32
    %add3A = arith.addi %mul3A_0, %arg0 : i32
    %c0_i32 = arith.constant 0 : i32
    %c0_i32_1 = arith.constant 0 : i32
    return %add3A, %c0_i32 : i32, i32
  }
}

module attributes {stable_mosaic.version = 14 : i64} {
  func.func @_tc2_body(%arg0: i32, %arg1: i32, %arg2: memref<1000x128xf32, #tpu.memory_space<vmem>>, %arg3: memref<1000x128xf32, #tpu.memory_space<vmem>>, %arg4: memref<1000x128xf32, #tpu.memory_space<vmem>>, %arg5: memref<128x128xf32, #tpu.memory_space<vmem>>, %arg6: memref<128x128xf32, #tpu.memory_space<vmem>>, %arg7: memref<1x1x128xf32, #tpu.memory_space<vmem>>, %arg8: memref<1x1x128xf32, #tpu.memory_space<vmem>>, %arg9: memref<1000x128xf32, #tpu.memory_space<vmem>>) attributes {dimension_semantics = [#tpu.dimension_semantics<arbitrary>, #tpu.dimension_semantics<arbitrary>], iteration_bounds = array<i64: 10, 2>, scalar_prefetch = 0 : i64, scratch_operands = 0 : i64, tpu.core_type = #tpu.core_type<tc>, window_params = [{transform_indices = @transform_0, window_bounds = array<i64: 1000, 128>}, {transform_indices = @transform_1, window_bounds = array<i64: 1000, 128>}, {transform_indices = @transform_2, window_bounds = array<i64: 1000, 128>}, {transform_indices = @transform_3, window_bounds = array<i64: 128, 128>}, {transform_indices = @transform_4, window_bounds = array<i64: 128, 128>}, {transform_indices = @transform_5, window_bounds = array<i64: 1, 1, 128>}, {transform_indices = @transform_6, window_bounds = array<i64: 1, 1, 128>}, {transform_indices = @transform_7, window_bounds = array<i64: 1000, 128>}]} {
    %get3A = arith.constant 0 : index
    %get3A_0 = arith.constant 0 : index
    %get3A_1 = vector.load %arg4[%get3A, %get3A_0] : memref<1000x128xf32, #tpu.memory_space<vmem>>, vector<1000x1xf32>
    %rsqrt3A = math.rsqrt %get3A_1 : vector<1000x1xf32>
    %get3A_2 = arith.constant 0 : index
    %get3A_3 = arith.constant 0 : index
    %get3A_4 = vector.load %arg2[%get3A_2, %get3A_3] : memref<1000x128xf32, #tpu.memory_space<vmem>>, vector<1000x128xf32>
    %mul3A = vector.broadcast %rsqrt3A : vector<1000x1xf32> to vector<1000x128xf32>
    %mul3A_5 = arith.mulf %get3A_4, %mul3A : vector<1000x128xf32>
    %get3A_6 = arith.constant 0 : index
    %get3A_7 = arith.constant 0 : index
    %get3A_8 = arith.constant 0 : index
    %get3A_9 = vector.load %arg7[%get3A_6, %get3A_7, %get3A_8] : memref<1x1x128xf32, #tpu.memory_space<vmem>>, vector<1x1x128xf32>
    %get3A_10 = vector.shape_cast %get3A_9 : vector<1x1x128xf32> to vector<1x128xf32>
    %add3A = vector.broadcast %get3A_10 : vector<1x128xf32> to vector<1000x128xf32>
    %add3A_11 = arith.addf %mul3A_5, %add3A : vector<1000x128xf32>
    %max3A = arith.constant 0.000000e+00 : f32
    %max3A_12 = vector.broadcast %max3A : f32 to vector<1000x128xf32>
    %max3A_13 = arith.maximumf %add3A_11, %max3A_12 : vector<1000x128xf32>
    %get3A_14 = arith.constant 0 : index
    %get3A_15 = arith.constant 0 : index
    %get3A_16 = vector.load %arg3[%get3A_14, %get3A_15] : memref<1000x128xf32, #tpu.memory_space<vmem>>, vector<1000x128xf32>
    %mul3A_17 = vector.broadcast %rsqrt3A : vector<1000x1xf32> to vector<1000x128xf32>
    %mul3A_18 = arith.mulf %get3A_16, %mul3A_17 : vector<1000x128xf32>
    %get3A_19 = arith.constant 0 : index
    %get3A_20 = arith.constant 0 : index
    %get3A_21 = arith.constant 0 : index
    %get3A_22 = vector.load %arg8[%get3A_19, %get3A_20, %get3A_21] : memref<1x1x128xf32, #tpu.memory_space<vmem>>, vector<1x1x128xf32>
    %get3A_23 = vector.shape_cast %get3A_22 : vector<1x1x128xf32> to vector<1x128xf32>
    %add3A_24 = vector.broadcast %get3A_23 : vector<1x128xf32> to vector<1000x128xf32>
    %add3A_25 = arith.addf %mul3A_18, %add3A_24 : vector<1000x128xf32>
    %max3A_26 = arith.constant 0.000000e+00 : f32
    %max3A_27 = vector.broadcast %max3A_26 : f32 to vector<1000x128xf32>
    %max3A_28 = arith.maximumf %add3A_25, %max3A_27 : vector<1000x128xf32>
    %get3A_29 = arith.constant 0 : index
    %get3A_30 = arith.constant 0 : index
    %get3A_31 = vector.load %arg5[%get3A_29, %get3A_30] : memref<128x128xf32, #tpu.memory_space<vmem>>, vector<128x128xf32>
    %dot_general3A = arith.constant dense<0.000000e+00> : vector<1000x128xf32>
    %dot_general3A_32 = tpu.matmul %max3A_13, %get3A_31, %dot_general3A {dimension_numbers = #tpu.dot_dimension_numbers<[1], [0], [0], [1], [0, 0, 1, 1], [], []>, transpose_lhs_hint = false} : vector<1000x128xf32>, vector<128x128xf32>, vector<1000x128xf32> -> vector<1000x128xf32>
    %get3A_33 = arith.constant 0 : index
    %get3A_34 = arith.constant 0 : index
    %get3A_35 = vector.load %arg6[%get3A_33, %get3A_34] : memref<128x128xf32, #tpu.memory_space<vmem>>, vector<128x128xf32>
    %dot_general3A_36 = arith.constant dense<0.000000e+00> : vector<1000x128xf32>
    %dot_general3A_37 = tpu.matmul %max3A_28, %get3A_35, %dot_general3A_36 {dimension_numbers = #tpu.dot_dimension_numbers<[1], [0], [0], [1], [0, 0, 1, 1], [], []>, transpose_lhs_hint = false} : vector<1000x128xf32>, vector<128x128xf32>, vector<1000x128xf32> -> vector<1000x128xf32>
    %add3A_38 = arith.addf %dot_general3A_32, %dot_general3A_37 : vector<1000x128xf32>
    %mul3A_39 = vector.broadcast %rsqrt3A : vector<1000x1xf32> to vector<1000x128xf32>
    %mul3A_40 = arith.mulf %add3A_38, %mul3A_39 : vector<1000x128xf32>
    %swap3A = arith.constant 0 : index
    %swap3A_41 = arith.constant 0 : index
    %swap3A_42 = vector.load %arg9[%swap3A, %swap3A_41] : memref<1000x128xf32, #tpu.memory_space<vmem>>, vector<1000x128xf32>
    tpu.vector_store %arg9[%swap3A, %swap3A_41], %mul3A_40 {strides = array<i32>} : memref<1000x128xf32, #tpu.memory_space<vmem>>, vector<1000x128xf32>,
    return
  }
  func.func @transform_0(%arg0: i32, %arg1: i32) -> (i32, i32) {
    %c0_i32 = arith.constant 0 : i32
    %c0_i32_0 = arith.constant 0 : i32
    return %arg0, %c0_i32 : i32, i32
  }
  func.func @transform_1(%arg0: i32, %arg1: i32) -> (i32, i32) {
    %add3A = arith.constant 10 : i32
    %add3A_0 = arith.addi %arg0, %add3A : i32
    %c0_i32 = arith.constant 0 : i32
    %c0_i32_1 = arith.constant 0 : i32
    return %add3A_0, %c0_i32 : i32, i32
  }
  func.func @transform_2(%arg0: i32, %arg1: i32) -> (i32, i32) {
    %c0_i32 = arith.constant 0 : i32
    %c0_i32_0 = arith.constant 0 : i32
    return %arg0, %c0_i32 : i32, i32
  }
  func.func @transform_3(%arg0: i32, %arg1: i32) -> (i32, i32) {
    %c0_i32 = arith.constant 0 : i32
    %c0_i32_0 = arith.constant 0 : i32
    return %c0_i32, %arg1 : i32, i32
  }
  func.func @transform_4(%arg0: i32, %arg1: i32) -> (i32, i32) {
    %c1_i32 = arith.constant 1 : i32
    %c0_i32 = arith.constant 0 : i32
    return %c1_i32, %arg1 : i32, i32
  }
  func.func @transform_5(%arg0: i32, %arg1: i32) -> (i32, i32, i32) {
    %c0_i32 = arith.constant 0 : i32
    %c0_i32_0 = arith.constant 0 : i32
    %c0_i32_1 = arith.constant 0 : i32
    %c0_i32_2 = arith.constant 0 : i32
    return %c0_i32, %c0_i32_0, %c0_i32_1 : i32, i32, i32
  }
  func.func @transform_6(%arg0: i32, %arg1: i32) -> (i32, i32, i32) {
    %c1_i32 = arith.constant 1 : i32
    %c0_i32 = arith.constant 0 : i32
    %c0_i32_0 = arith.constant 0 : i32
    %c0_i32_1 = arith.constant 0 : i32
    return %c1_i32, %c0_i32, %c0_i32_0 : i32, i32, i32
  }
  func.func @transform_7(%arg0: i32, %arg1: i32) -> (i32, i32) {
    %mul3A = arith.constant 10 : i32
    %mul3A_0 = arith.muli %arg1, %mul3A : i32
    %add3A = arith.addi %mul3A_0, %arg0 : i32
    %c0_i32 = arith.constant 0 : i32
    %c0_i32_1 = arith.constant 0 : i32
    return %add3A, %c0_i32 : i32, i32
  }
}

module attributes {stable_mosaic.version = 14 : i64} {
  func.func @_tc3_body(%arg0: i32, %arg1: i32, %arg2: memref<1000x128xf32, #tpu.memory_space<vmem>>, %arg3: memref<1000x128xf32, #tpu.memory_space<vmem>>, %arg4: memref<1x1x128xf32, #tpu.memory_space<vmem>>, %arg5: memref<1000x128xf32, #tpu.memory_space<vmem>>) attributes {dimension_semantics = [#tpu.dimension_semantics<arbitrary>, #tpu.dimension_semantics<arbitrary>], iteration_bounds = array<i64: 10, 2>, scalar_prefetch = 0 : i64, scratch_operands = 0 : i64, tpu.core_type = #tpu.core_type<tc>, window_params = [{transform_indices = @transform_0, window_bounds = array<i64: 1000, 128>}, {transform_indices = @transform_1, window_bounds = array<i64: 1000, 128>}, {transform_indices = @transform_2, window_bounds = array<i64: 1, 1, 128>}, {transform_indices = @transform_3, window_bounds = array<i64: 1000, 128>}]} {
    %get3A = arith.constant 0 : index
    %get3A_0 = arith.constant 0 : index
    %get3A_1 = vector.load %arg3[%get3A, %get3A_0] : memref<1000x128xf32, #tpu.memory_space<vmem>>, vector<1000x1xf32>
    %rsqrt3A = math.rsqrt %get3A_1 : vector<1000x1xf32>
    %get3A_2 = arith.constant 0 : index
    %get3A_3 = arith.constant 0 : index
    %get3A_4 = vector.load %arg2[%get3A_2, %get3A_3] : memref<1000x128xf32, #tpu.memory_space<vmem>>, vector<1000x128xf32>
    %mul3A = vector.broadcast %rsqrt3A : vector<1000x1xf32> to vector<1000x128xf32>
    %mul3A_5 = arith.mulf %get3A_4, %mul3A : vector<1000x128xf32>
    %get3A_6 = arith.constant 0 : index
    %get3A_7 = arith.constant 0 : index
    %get3A_8 = arith.constant 0 : index
    %get3A_9 = vector.load %arg4[%get3A_6, %get3A_7, %get3A_8] : memref<1x1x128xf32, #tpu.memory_space<vmem>>, vector<1x1x128xf32>
    %get3A_10 = vector.shape_cast %get3A_9 : vector<1x1x128xf32> to vector<1x128xf32>
    %add3A = vector.broadcast %get3A_10 : vector<1x128xf32> to vector<1000x128xf32>
    %add3A_11 = arith.addf %mul3A_5, %add3A : vector<1000x128xf32>
    %max3A = arith.constant 0.000000e+00 : f32
    %max3A_12 = vector.broadcast %max3A : f32 to vector<1000x128xf32>
    %max3A_13 = arith.maximumf %add3A_11, %max3A_12 : vector<1000x128xf32>
    %swap3A = arith.constant 0 : index
    %swap3A_14 = arith.constant 0 : index
    %swap3A_15 = vector.load %arg5[%swap3A, %swap3A_14] : memref<1000x128xf32, #tpu.memory_space<vmem>>, vector<1000x128xf32>
    tpu.vector_store %arg5[%swap3A, %swap3A_14], %max3A_13 {strides = array<i32>} : memref<1000x128xf32, #tpu.memory_space<vmem>>, vector<1000x128xf32>,
    return
  }
  func.func @transform_0(%arg0: i32, %arg1: i32) -> (i32, i32) {
    %mul3A = arith.constant 10 : i32
    %mul3A_0 = arith.muli %arg1, %mul3A : i32
    %add3A = arith.addi %mul3A_0, %arg0 : i32
    %c0_i32 = arith.constant 0 : i32
    %c0_i32_1 = arith.constant 0 : i32
    return %add3A, %c0_i32 : i32, i32
  }
  func.func @transform_1(%arg0: i32, %arg1: i32) -> (i32, i32) {
    %c0_i32 = arith.constant 0 : i32
    %c0_i32_0 = arith.constant 0 : i32
    return %arg0, %c0_i32 : i32, i32
  }
  func.func @transform_2(%arg0: i32, %arg1: i32) -> (i32, i32, i32) {
    %c0_i32 = arith.constant 0 : i32
    %c0_i32_0 = arith.constant 0 : i32
    %c0_i32_1 = arith.constant 0 : i32
    return %arg1, %c0_i32, %c0_i32_0 : i32, i32, i32
  }
  func.func @transform_3(%arg0: i32, %arg1: i32) -> (i32, i32) {
    %c0_i32 = arith.constant 0 : i32
    return %arg0, %arg1 : i32, i32
  }
}

</mosaic_0001>

<sc_bundles>
// kernel: kernel.11.cloned.1.call-start
scs
__scs_entry_jumppad:
0x0: {  	(pc) =	sbr.rel $0x88, $3  }
0x1: {  	(tag) =	ssettag $0x0;
	lr =	simm.s32 $0x1  }
0x2: {  	[smem:$0x3F9B] =	sst lr;
	_ =	strace $0xD0000000  }
0x3: {  	_ = 	snop  }
0x4: {  	_ = 	snop  }
0x5: {  	_ = 	snop  }
0x6: {  	_ = 	snop  }
0x7: {  	_ = 	snop  }
__scs_overlays_trampoline_lowered:
0x8: {  	[smem:$0x3FAA] =	sst s0  }
0x9: {  	[smem:$0x3FAB] =	sst s1  }
0xa: {  	[smem:$0x3FAC] =	sst s2  }
0xb: {  	[smem:$0x3FAD] =	sst s3  }
0xc: {  	[smem:$0x3FAE] =	sst s4  }
0xd: {  	[smem:$0x3FAF] =	sst s5  }
0xe: {  	[smem:$0x3FB0] =	sst s6  }
0xf: {  	[smem:$0x3FB1] =	sst s7  }
0x10: {  	[smem:$0x3FB2] =	sst s8  }
0x11: {  	[smem:$0x3FB3] =	sst s9;
	s0 =	simm.s32 @!p0 $0x0  }
0x12: {  	s1 =	sld [smem:$0x3F99];
	s0 =	simm.s32 @p0 $0x1  }
0x13: {  	[smem:$0x3FB4] =	sst s0;
	s0 =	simm.s32 @!p1 $0x0  }
0x14: {  	s2 =	sld [smem:$0x3F98];
	s0 =	simm.s32 @p1 $0x1  }
0x15: {  	[smem:$0x3FB5] =	sst s0;
	s0 =	simm.s32 @!p2 $0x0  }
0x16: {  	s3 =	sld [smem:$0x3FDB];
	s0 =	simm.s32 @p2 $0x1  }
0x17: {  	s4 =	simm.s32 $0x1BF5;
	[smem:$0x3FB7] =	sst s0  }
0x18: {  	s0 =	sld [smem:$0x3F9A];
	_ =	swait.ge [sflag:s4], $0x0  }
0x19: {  	s7 =	sld [smem:$0x3F9B]  }
0x1a: {  	s8 =	sadd.s32 $0xFFFFE003, lr  }
0x1b: {  	s9 =	sadd.s32 $0xFFFFFEF7, lr;
	s5 =	simm.s32 $0xFFFFFFFF;
	p2 =	slt.u32 s8, $0xFFFFF086  }
0x1c: {  	p1 =	slt.u32 s9, $0xF7A;
	s5 =	simm.s32 @!p2 $0x0  }
0x1d: {  	s5 =	simm.s32 @p1 $0x1;
	p0 =	seq.s32 s7, s2  }
0x1e: {  	s7 =	smul.u32 @!p0 $0xF7A, s2;
	p2 =	seq.s32 @!p0 s5, $0x0  }
0x1f: {  	s9 =	smul.u32 $0xF7A, s1;
	s8 =	simm.s32 @!p0 $0x1BF5;
	p2 =	por !p2, p0  }
0x20: {  	[sflag:s8] =	ssyncset.s32 @!p0 $0xFFFFF086;
	s6 =	sadd.s32 @!p0 s3, s7;
	s7 =	simm.s32 @!p0 $0x108  }
0x21: {  	s3 =	sadd.s32 s3, s9;
	s6 =	sadd.s32 @!p0 $0x88, s6;
	s7 =	simm.s32 @p2 $0x1082  }
0x22: {  	[simem:s7], [sflag:s8] =	dma.local @!p0 [hbm:s6], $0xF7A  }
0x23: {  	s9 =	sor.u32 $0xD0000000, s2;
	s6 =	simm.s32 $0x108;
	_ =	swait.ge @!p0 [sflag:s8], $0x0  }
0x24: {  	s3 =	sadd.s32 $0x88, s3;
	s6 =	simm.s32 @!p1 $0x1082;
	[sflag:s4] =	ssyncset.s32 $0xFFFFF086  }
0x25: {  	[simem:s6], [sflag:s4] =	dma.local [hbm:s3], $0xF7A  }
0x26: {  	[smem:$0x3F9B] =	sst s1;
	(tag) =	ssettag s2;
	_ =	strace s9  }
0x27: {  	s1 =	sld [smem:$0x3FAB]  }
0x28: {  	s2 =	sld [smem:$0x3FAC]  }
0x29: {  	s4 =	sld [smem:$0x3FAE]  }
0x2a: {  	p0 =	seq.s32 s5, $0x0;
	s5 =	sld [smem:$0x3FAF]  }
0x2b: {  	s6 =	sld [smem:$0x3FB0]  }
0x2c: {  	s7 =	sld [smem:$0x3FB1]  }
0x2d: {  	s3 =	simm.s32 $0x108;
	s8 =	sld [smem:$0x3FB2]  }
0x2e: {  	s3 =	simm.s32 @!p0 $0x1082;
	s9 =	sld [smem:$0x3FB3]  }
0x2f: {  	lr =	sadd.s32 s0, s3;
	s0 =	sld [smem:$0x3FAA]  }
0x30: {  	s3 =	sld [smem:$0x3FAD]  }
0x31: {  	[smem:$0x3FB6] =	sst s10  }
0x32: {  	s10 =	sld [smem:$0x3FB4];
	_ =	sdelay $0x3  }
0x33: {  	p0 =	seq.s32 s10, $0x1;
	s10 =	sld [smem:$0x3FB6];
	_ =	sdelay $0x3  }
0x34: {  	[smem:$0x3FB6] =	sst s10  }
0x35: {  	s10 =	sld [smem:$0x3FB5];
	_ =	sdelay $0x3  }
0x36: {  	p1 =	seq.s32 s10, $0x1;
	s10 =	sld [smem:$0x3FB6];
	_ =	sdelay $0x3  }
0x37: {  	[smem:$0x3FB6] =	sst s10  }
0x38: {  	s10 =	sld [smem:$0x3FB7]  }
0x39: {  	_ = 	snop;
	(pc) =	sbr.ind lr, $3  }
0x3a: {  	_ = 	snop  }
0x3b: {  	_ = 	snop  }
0x3c: {  	p2 =	seq.s32 s10, $0x1;
	s10 =	sld [smem:$0x3FB6]  }
0x3d: {  	_ =	shalt  }
0x3e: {  	_ =	shalt  }
0x3f: {  	_ =	shalt  }
0x40: {  	_ =	shalt  }
0x41: {  	_ =	shalt  }
0x42: {  	_ =	shalt  }
0x43: {  	_ =	shalt  }
0x44: {  	_ =	shalt  }
0x45: {  	_ =	shalt  }
0x46: {  	_ =	shalt  }
0x47: {  	_ =	shalt  }
0x48: {  	_ =	shalt  }
0x49: {  	_ =	shalt  }
0x4a: {  	_ =	shalt  }
0x4b: {  	_ =	shalt  }
0x4c: {  	_ =	shalt  }
0x4d: {  	_ =	shalt  }
0x4e: {  	_ =	shalt  }
0x4f: {  	_ =	shalt  }
0x50: {  	_ =	shalt  }
0x51: {  	_ =	shalt  }
0x52: {  	_ =	shalt  }
0x53: {  	_ =	shalt  }
0x54: {  	_ =	shalt  }
0x55: {  	_ =	shalt  }
0x56: {  	_ =	shalt  }
0x57: {  	_ =	shalt  }
0x58: {  	_ =	shalt  }
0x59: {  	_ =	shalt  }
0x5a: {  	_ =	shalt  }
0x5b: {  	_ =	shalt  }
0x5c: {  	_ =	shalt  }
0x5d: {  	_ =	shalt  }
0x5e: {  	_ =	shalt  }
0x5f: {  	_ =	shalt  }
0x60: {  	_ =	shalt  }
0x61: {  	_ =	shalt  }
0x62: {  	_ =	shalt  }
0x63: {  	_ =	shalt  }
0x64: {  	_ =	shalt  }
0x65: {  	_ =	shalt  }
0x66: {  	_ =	shalt  }
0x67: {  	_ =	shalt  }
0x68: {  	_ =	shalt  }
0x69: {  	_ =	shalt  }
0x6a: {  	_ =	shalt  }
0x6b: {  	_ =	shalt  }
0x6c: {  	_ =	shalt  }
0x6d: {  	_ =	shalt  }
0x6e: {  	_ =	shalt  }
0x6f: {  	_ =	shalt  }
0x70: {  	_ =	shalt  }
0x71: {  	_ =	shalt  }
0x72: {  	_ =	shalt  }
0x73: {  	_ =	shalt  }
0x74: {  	_ =	shalt  }
0x75: {  	_ =	shalt  }
0x76: {  	_ =	shalt  }
0x77: {  	_ =	shalt  }
0x78: {  	_ =	shalt  }
0x79: {  	_ =	shalt  }
0x7a: {  	_ =	shalt  }
0x7b: {  	_ =	shalt  }
0x7c: {  	_ =	shalt  }
0x7d: {  	_ =	shalt  }
0x7e: {  	_ =	shalt  }
0x7f: {  	_ =	shalt  }
0x80: {  	_ =	shalt  }
0x81: {  	_ =	shalt  }
0x82: {  	_ =	shalt  }
0x83: {  	_ =	shalt  }
0x84: {  	_ =	shalt  }
0x85: {  	_ =	shalt  }
0x86: {  	_ =	shalt  }
0x87: {  	_ =	shalt  }
.Lfunc_end0:
.L_simem_size_0:
called_computation.1_lowered:
.L_overlay_start_0:
0x88: {  	s2 =	sld [smem:$0x3FD9]  }
0x89: {  	s3 =	sld [smem:$0x3FFE];
	_ =	sdelay $0x1  }
0x8a: {  	s1 =	srdreg.scid  }
0x8b: {  	s0 =	sand.u32 $0x1, s1  }
0x8c: {  	s17 =	sshll.u32 s0, $0xA;
	s2 =	sadd.s32 s3, s2  }
0x8d: {  	s2 =	sadd.s32 s2, s17  }
0x8e: {  	[smem:$0x3FC2] =	sst s2  }
0x8f: {  	_ = 	snop  }
0x90: {  	s2 =	sld [smem:$0x3FD0];
	(tm) =	ssettm $0x1  }
0x91: {  	s18 =	sld [smem:$0x3FFB];
	_ =	sdelay $0x3  }
0x92: {  	_ =	strace s18  }
0x93: {  	s3 =	sld [smem:$0x3FFC];
	_ =	sdelay $0x3  }
0x94: {  	_ =	strace s3  }
0x95: {  	s3 =	sld [smem:$0x3FFD];
	_ =	sdelay $0x3  }
0x96: {  	_ =	strace s3  }
0x97: {  	_ =	strace $0x8FFFFFFF  }
0x98: {  	s19 =	sld [smem:$0x3FDB];
	_ =	sdelay $0x1  }
0x99: {  	s4 =	simm.s32 $_scs_section_size  }
0x9a: {  	s5 =	simm.s32 $_size__tile_overlayer_lowered;
	s6 =	simm.s32 $_tile_overlayer_lowered  }
0x9b: {  	s22 =	simm.s32 $0x1BFF;
	s21 =	sshll.u32 s6, $0x1;
	s3 =	sadd.s32 s4, s19  }
0x9c: {  	s7 =	simm.s32 $0x0;
	s20 =	sshll.u32 s5, $0x1;
	s5 =	sadd.s32 s21, s3  }
0x9d: {  	[timem:s7], [sflag:s22] =	dma.local [hbm:s5], s20  }
0x9e: {  	_ =	swait.ge [sflag:s22], s20  }
0x9f: {  	s4 =	ssub.s32 $0x0, s20;
	[sflag:s22] =	ssyncset.done $0x0  }
0xa0: {  	[sflag:s22] =	ssyncadd.s32 s4;
	_ =	sdelay $0x1  }
0xa1: {  	s23 =	simm.s32 $0x1B8B  }
0xa2: {  	_ =	swait.ge [sflag:s23], $0x1  }
0xa3: {  	[sflag:s23] =	ssyncset.done $0x0  }
0xa4: {  	s25 =	simm.s32 $0x1B8E;
	s24 =	sld [smem:$0x3FFE];
	[sflag:s23] =	ssyncadd.s32 $0xFFFFFFFF  }
0xa5: {  	s26 =	simm.s32 $execute0_lowered;
	[smem:$0x3FD2] =	sst s25  }
0xa6: {  	s5 =	sshll.u32 s26, $0x1;
	_ =	strace $0x80000049;
	[dreg:$0x1] =	wrdreg $0xFFFFFFFF  }
0xa7: {  	s28 =	simm.s32 $_size_execute0_lowered;
	s3 =	sadd.s32 s3, s5;
	[dreg:$0x0] =	wrdreg $0x0  }
0xa8: {  	s5 =	sshll.u32 s28, $0x1;
	[dreg:$0x2] =	wrdreg s3  }
0xa9: {  	[dreg:$0x3] =	wrdreg s5  }
0xaa: {  	[dreg:$0x4] =	wrdreg $0xC0  }
0xab: {  	_ =	task [dreg:s7], $0x5FFFF  }
0xac: {  	[dreg:$0x1] =	wrdreg $0xFFFFFFFF  }
0xad: {  	[dreg:$0x0] =	wrdreg $0x60  }
0xae: {  	[dreg:$0x2] =	wrdreg s2  }
0xaf: {  	[dreg:$0x3] =	wrdreg s24  }
0xb0: {  	[dreg:$0x4] =	wrdreg $0x98000  }
0xb1: {  	[dreg:$0x5] =	wrdreg $0x9  }
0xb2: {  	_ =	task.clear_ibuf [dreg:s7], $0x6FFFF;
	_ =	strace $0x90000049  }
0xb3: {  	s29 =	simm.s32 $0x9;
	_ =	strace $0x8000004B  }
0xb4: {  	_ =	swait.ge [sflag:s29], $0x1  }
0xb5: {  	[sflag:s29] =	ssyncadd.s32 $0xFFFFFFFF  }
0xb6: {  	_ =	strace $0x9000004B  }
0xb7: {  	_ =	sfence  }
0xb8: {  	s30 =	sld [smem:$0x0];
	_ =	sdelay $0x2  }
0xb9: {  	s31 =	sshll.u32 s1, $0xD;
	s1 =	sshrl.u32 s1, $0x2  }
0xba: {  	s3 =	sand.u32 $0x4000, s31;
	s1 =	sadd.s32 s1, s30  }
0xbb: {  	s0 =	sor.u32 s3, s0;
	s1 =	sshll.u32 s1, $0x11  }
0xbc: {  	s0 =	sor.u32 s1, s0  }
0xbd: {  	s0 =	sadd.s32 $0x8F2B, s0  }
0xbe: {  	[sflag:s0] =	ssyncadd.remote.s32 $0x1  }
0xbf: {  	_ =	sfence.sel $0xFFFF  }
0xc0: {  	[dreg:$0x0] =	wrdreg $0xFFFFFFFF;
	(pc) =	sbr.abs _section_cstart, $3  }
0xc1: {  	[dreg:$0x1] =	wrdreg $0xFFFFFFFF  }
0xc2: {  	_ =	task.clear_ibuf [dreg:s7], $0x2FFFF;
	_ =	strace $0x9FFFFFFF  }
0xc3: {  	(tm) =	ssettm $0x7FFFFFFF  }
tec
execute0_lowered:
.L_overlay_start_1:
0x0: {  	(tag) =	ssettag $0x1  }
0x1: {  	s2 =	rddreg [dreg:$0x0]  }
0x2: {  	s0 =	rddreg [dreg:$0x1]  }
0x3: {  	s3 =	rddreg [dreg:$0x2];
	s11 =	stileid.u32;
	s16 =	simm.s32 $0x0  }
0x4: {  	s1 =	srdreg.scid;
	s15 =	simm.s32 $0x9;
	s17 =	simm.s32 $0x32  }
0x5: {  	s18 =	simm.s32 $0x2800;
	s20 =	simm.s32 $0x4400;
	s28 =	simm.s32 $0x3  }
0x6: {  	s29 =	simm.s32 $0x4;
	s30 =	simm.s32 $0x5;
	s31 =	simm.s32 $0x6  }
0x7: {  	s12 =	simm.s32 $0x2680;
	s13 =	simm.s32 $0x2700;
	s4 =	smul.u32 $0x50, s11  }
0x8: {  	[smem:$0x7FF] =	sst s16;
	s1 =	sand.u32 $0x1, s1;
	s10 =	smul.u32 $0xA000, s11  }
0x9: {  	s7 =	sadd.s32 $0x2200, s0;
	s23 =	smul.u32 $0x500, s11;
	s26 =	sshll.u32 s11, $0x6  }
0xa: {  	s9 =	smul.u32 $0x27100, s1;
	s5 =	sshll.u32 s1, $0x4;
	_ =	strace $0x8000004A  }
0xb: {  	s1 =	ssub.s32 $0x2, s1;
	s14 =	sor.u32 $0x1C09, s26;
	s26 =	simm.s32 $0x2  }
0xc: {  	s4 =	ssub.s32 $0x2C00, s4;
	s6 =	sor.u32 s11, s5;
	s5 =	sadd.s32 $0xEA00, s0  }
0xd: {  	s8 =	sshrl.u32 s1, $0x1;
	s22 =	sshrl.u32 s10, $0x2;
	s4 =	smul.u32 $0xCCD, s4  }
0xe: {  	s10 =	simm.s32 $0x2600;
	s6 =	smul.u32 $0x5, s6;
	s0 =	sadd.s32 s9, s0  }
0xf: {  	s1 =	ssub.s32 s1, s8;
	s8 =	smul.u32 $0x5, s11;
	s24 =	sadd.s32 s22, s3  }
0x10: {  	s25 =	sadd.s32 s9, s2;
	s22 =	simm.s32 $0x6000;
	s9 =	simm.s32 $0x2780  }
0x11: {  	s1 =	smax.u32 s1, $0x1;
	[dreg:$0x7] =	wrdreg s24;
	s0 =	sadd.s32 s23, s0  }
0x12: {  	s24 =	simm.s32 $0x7C00;
	[dreg:$0x6] =	wrdreg s1;
	s1 =	sadd.s32 s23, s25  }
0x13: {  	s21 =	sshrl.u32 s4, $0x16;
	s0 =	sadd.s32 $0x75C00, s0;
	[dreg:$0x8] =	wrdreg s1  }
0x14: {  	s23 =	simm.s32 $0x180;
	s25 =	simm.s32 $0x1;
	[dreg:$0x9] =	wrdreg s0  }
0x15: {  	s0 =	simm.s32 $0x7;
	s1 =	simm.s32 $0x8;
	[dreg:$0x5] =	wrdreg s21  }
.LBB2_1:
0x16: {  	[dreg:$0x4] =	wrdreg s16  }
0x17: {  	s11 =	rddreg [dreg:$0x7];
	p0 =	sne.s32 s21, $0x1  }
.Ltmp0:
0x18: {  	s16 =	rddreg [dreg:$0x8];
	s4 =	sshrl.u32 s11, $0x3;
	(pc) =	sbr.rel @!p0 .LBB2_3-.Ltmp0, $4  }
0x19: {  	[dreg:$0xa] =	wrdreg s4  }
0x1a: {  	[spmem:s4], [sflag:s14] =	dma.local [hbm:s16], $0x500  }
0x1b: {  	_ =	swait.ge [sflag:s15], $0x500  }
0x1c: {  	s11 =	sadd.s32 $0x28000, s11;
	s4 =	sadd.s32 $0xFFFFFFFF, s21;
	[sflag:s15] =	ssyncset.done $0x0  }
.LBB2_2:
0x1d: {  	s19 =	sshrl.u32 s11, $0x3  }
0x1e: {  	[sflag:s15] =	ssyncadd.s32 $0xFFFFFB00;
	s16 =	sadd.s32 $0x5000, s16;
	p1 =	sne.s32 s4, $0x1  }
0x1f: {  	[spmem:s19], [sflag:s14] =	dma.local [hbm:s16], $0x500  }
.Ltmp1:
0x20: {  	_ = 	snop;
	(pc) =	sbr.rel @p1 .LBB2_2-.Ltmp1, $4  }
0x21: {  	_ = 	snop  }
0x22: {  	s4 =	sadd.s32 $0xFFFFFFFF, s4  }
0x23: {  	_ =	swait.ge [sflag:s15], $0x500  }
0x24: {  	s11 =	sadd.s32 $0x28000, s11;
	[sflag:s15] =	ssyncset.done $0x0  }
.LBB2_3:
0x25: {  	[sflag:s15] =	ssyncadd.s32 $0xFFFFFB00  }
0x26: {  	s11 =	simm.s32 $0x0;
	s4 =	simm.s32 $0x0;
	[bflag:$0x0] =	sbarrier.arrive $0xFFFF  }
.LBB2_4:
0x27: {  	s16 =	sadd.s32 s6, s4  }
0x28: {  	s16 =	smul.u32 $0x280, s16;
	_ =	sdelay $0x1  }
0x29: {  	s19 =	sadd.s32 s8, s4;
	s16 =	sadd.s32 s5, s16  }
0x2a: {  	[tilespmem:s11], [sflag:$0x9] =	stream.linear.gather [hbm4b:s16+s11], $0x1400, $0x38;
	[tilespmem:$0x1D080] =	vst v63  }
0x2b: {  	s16 =	smul.u32 $0x280, s19;
	_ =	swait.ge [sflag:s15], $0x1400  }
0x2c: {  	[sflag:s15] =	ssyncset.done $0x0  }
0x2d: {  	s19 =	simm.s32 $0x1400;
	s16 =	sadd.s32 s7, s16;
	[sflag:s15] =	ssyncadd.s32 $0xFFFFEC00  }
0x2e: {  	[tilespmem:s19], [sflag:$0x9] =	stream.linear.gather [hbm4b:s16+s11], $0x1400, $0x38;
	[tilespmem:$0x1D080] =	vst v63  }
0x2f: {  	_ =	swait.ge [sflag:s15], $0x1400  }
0x30: {  	[sflag:s15] =	ssyncset.done $0x0  }
0x31: {  	[sflag:s15] =	ssyncadd.s32 $0xFFFFEC00  }
0x32: {  	[tilespmem:s18], [sflag:$0x1] =	stream.indirect.gather [hbm4b:s2+s17], $0x80, s11, s17, $0xb8;
	[tilespmem:$0x1D080] =	vst v63  }
0x33: {  	s21 =	simm.s32 $0x80  }
0x34: {  	[tilespmem:s20], [sflag:$0x2] =	stream.indirect.gather [hbm4b:s2+s17], $0x80, s21, s17, $0xb8;
	[tilespmem:$0x1D080] =	vst v63  }
0x35: {  	s19 =	simm.s32 $0x100  }
0x36: {  	[tilespmem:s22], [sflag:$0x3] =	stream.indirect.gather [hbm4b:s2+s17], $0x80, s19, s17, $0xb8;
	[tilespmem:$0x1D080] =	vst v63  }
0x37: {  	_ = 	snop  }
0x38: {  	[tilespmem:s24], [sflag:$0x4] =	stream.indirect.gather [hbm4b:s2+s17], $0x80, s23, s17, $0xb8;
	[tilespmem:$0x1D080] =	vst v63  }
0x39: {  	_ =	swait.ge [sflag:s25], $0x1900  }
0x3a: {  	[sflag:s25] =	ssyncset.done $0x0  }
0x3b: {  	s21 =	simm.s32 $0x1400;
	[sflag:s25] =	ssyncadd.s32 $0xFFFFE700  }
0x3c: {  	[spmem:s3] =	stream.indirect.scatter.add.f32 [tilespmem:s18], [sflag:$0x5], $0x80, s21, s17, $0xb8;
	[tilespmem:$0x1D080] =	vst v63  }
0x3d: {  	_ =	swait.ge [sflag:s26], $0x1900  }
0x3e: {  	[sflag:s26] =	ssyncset.done $0x0  }
0x3f: {  	s19 =	simm.s32 $0x1480;
	[sflag:s26] =	ssyncadd.s32 $0xFFFFE700  }
0x40: {  	[spmem:s3] =	stream.indirect.scatter.add.f32 [tilespmem:s20], [sflag:$0x6], $0x80, s19, s17, $0xb8;
	[tilespmem:$0x1D080] =	vst v63  }
0x41: {  	_ =	swait.ge [sflag:s28], $0x1900  }
0x42: {  	[sflag:s28] =	ssyncset.done $0x0  }
0x43: {  	s21 =	simm.s32 $0x1500;
	[sflag:s28] =	ssyncadd.s32 $0xFFFFE700  }
0x44: {  	[spmem:s3] =	stream.indirect.scatter.add.f32 [tilespmem:s22], [sflag:$0x7], $0x80, s21, s17, $0xb8;
	[tilespmem:$0x1D080] =	vst v63  }
0x45: {  	_ =	swait.ge [sflag:s29], $0x1900  }
0x46: {  	[sflag:s29] =	ssyncset.done $0x0  }
0x47: {  	s19 =	simm.s32 $0x1580;
	[sflag:s29] =	ssyncadd.s32 $0xFFFFE700  }
0x48: {  	[spmem:s3] =	stream.indirect.scatter.add.f32 [tilespmem:s24], [sflag:$0x8], $0x80, s19, s17, $0xb8;
	[tilespmem:$0x1D080] =	vst v63  }
0x49: {  	_ =	swait.ge [sflag:s30], $0x1900  }
0x4a: {  	[sflag:s30] =	ssyncset.done $0x0  }
0x4b: {  	s21 =	simm.s32 $0x200;
	[sflag:s30] =	ssyncadd.s32 $0xFFFFE700  }
0x4c: {  	[tilespmem:s18], [sflag:$0x1] =	stream.indirect.gather [hbm4b:s2+s17], $0x80, s21, s17, $0xb8;
	[tilespmem:$0x1D080] =	vst v63  }
0x4d: {  	_ =	swait.ge [sflag:s31], $0x1900  }
0x4e: {  	[sflag:s31] =	ssyncset.done $0x0  }
0x4f: {  	s19 =	simm.s32 $0x280;
	[sflag:s31] =	ssyncadd.s32 $0xFFFFE700  }
0x50: {  	[tilespmem:s20], [sflag:$0x2] =	stream.indirect.gather [hbm4b:s2+s17], $0x80, s19, s17, $0xb8;
	[tilespmem:$0x1D080] =	vst v63  }
0x51: {  	_ =	swait.ge [sflag:s0], $0x1900  }
0x52: {  	[sflag:s0] =	ssyncset.done $0x0  }
0x53: {  	s21 =	simm.s32 $0x300;
	[sflag:s0] =	ssyncadd.s32 $0xFFFFE700  }
0x54: {  	[tilespmem:s22], [sflag:$0x3] =	stream.indirect.gather [hbm4b:s2+s17], $0x80, s21, s17, $0xb8;
	[tilespmem:$0x1D080] =	vst v63  }
0x55: {  	_ =	swait.ge [sflag:s1], $0x1900  }
0x56: {  	[sflag:s1] =	ssyncset.done $0x0  }
0x57: {  	s16 =	simm.s32 $0x800;
	s19 =	simm.s32 $0x380;
	[sflag:s1] =	ssyncadd.s32 $0xFFFFE700  }
.LBB2_5:
0x58: {  	[tilespmem:s24], [sflag:$0x4] =	stream.indirect.gather [hbm4b:s2+s17], $0x80, s19, s17, $0xb8;
	[tilespmem:$0x1D080] =	vst v63  }
0x59: {  	s19 =	smov.u32 s16  }
0x5a: {  	p1 =	sne.s32 s16, $0x4000;
	s16 =	sadd.s32 $0x800, s16;
	_ =	swait.ge [sflag:s25], $0x1900  }
0x5b: {  	s19 =	sshra.s32 s19, $0x2;
	[sflag:s25] =	ssyncset.done $0x0  }
0x5c: {  	s21 =	sadd.s32 $0x1400, s19;
	[sflag:s25] =	ssyncadd.s32 $0xFFFFE700  }
0x5d: {  	[spmem:s3] =	stream.indirect.scatter.add.f32 [tilespmem:s18], [sflag:$0x5], $0x80, s21, s17, $0xb8;
	[tilespmem:$0x1D080] =	vst v63  }
0x5e: {  	_ =	swait.ge [sflag:s26], $0x1900  }
0x5f: {  	[sflag:s26] =	ssyncset.done $0x0  }
0x60: {  	s21 =	sadd.s32 $0x1480, s19;
	[sflag:s26] =	ssyncadd.s32 $0xFFFFE700  }
0x61: {  	[spmem:s3] =	stream.indirect.scatter.add.f32 [tilespmem:s20], [sflag:$0x6], $0x80, s21, s17, $0xb8;
	[tilespmem:$0x1D080] =	vst v63  }
0x62: {  	_ =	swait.ge [sflag:s28], $0x1900  }
0x63: {  	[sflag:s28] =	ssyncset.done $0x0  }
0x64: {  	s21 =	sadd.s32 $0x1500, s19;
	[sflag:s28] =	ssyncadd.s32 $0xFFFFE700  }
0x65: {  	[spmem:s3] =	stream.indirect.scatter.add.f32 [tilespmem:s22], [sflag:$0x7], $0x80, s21, s17, $0xb8;
	[tilespmem:$0x1D080] =	vst v63  }
0x66: {  	_ =	swait.ge [sflag:s29], $0x1900  }
0x67: {  	[sflag:s29] =	ssyncset.done $0x0  }
0x68: {  	s21 =	sadd.s32 $0x1580, s19;
	[sflag:s29] =	ssyncadd.s32 $0xFFFFE700  }
0x69: {  	[spmem:s3] =	stream.indirect.scatter.add.f32 [tilespmem:s24], [sflag:$0x8], $0x80, s21, s17, $0xb8;
	[tilespmem:$0x1D080] =	vst v63  }
0x6a: {  	_ =	swait.ge [sflag:s30], $0x1900  }
0x6b: {  	[sflag:s30] =	ssyncset.done $0x0  }
0x6c: {  	s21 =	sadd.s32 $0x200, s19;
	[sflag:s30] =	ssyncadd.s32 $0xFFFFE700  }
0x6d: {  	[tilespmem:s18], [sflag:$0x1] =	stream.indirect.gather [hbm4b:s2+s17], $0x80, s21, s17, $0xb8;
	[tilespmem:$0x1D080] =	vst v63  }
0x6e: {  	_ =	swait.ge [sflag:s31], $0x1900  }
0x6f: {  	[sflag:s31] =	ssyncset.done $0x0  }
0x70: {  	s21 =	sadd.s32 $0x280, s19;
	[sflag:s31] =	ssyncadd.s32 $0xFFFFE700  }
0x71: {  	[tilespmem:s20], [sflag:$0x2] =	stream.indirect.gather [hbm4b:s2+s17], $0x80, s21, s17, $0xb8;
	[tilespmem:$0x1D080] =	vst v63  }
0x72: {  	_ =	swait.ge [sflag:s0], $0x1900  }
0x73: {  	[sflag:s0] =	ssyncset.done $0x0  }
.Ltmp2:
0x74: {  	s21 =	sadd.s32 $0x300, s19;
	[sflag:s0] =	ssyncadd.s32 $0xFFFFE700;
	(pc) =	sbr.rel @p1 .LBB2_5-.Ltmp2, $4  }
0x75: {  	[tilespmem:s22], [sflag:$0x3] =	stream.indirect.gather [hbm4b:s2+s17], $0x80, s21, s17, $0xb8;
	[tilespmem:$0x1D080] =	vst v63  }
0x76: {  	_ =	swait.ge [sflag:s1], $0x1900  }
0x77: {  	[sflag:s1] =	ssyncset.done $0x0  }
0x78: {  	s19 =	sadd.s32 $0x380, s19;
	[sflag:s1] =	ssyncadd.s32 $0xFFFFE700  }
0x79: {  	[tilespmem:s24], [sflag:$0x4] =	stream.indirect.gather [hbm4b:s2+s17], $0x80, s19, s17, $0xb8;
	[tilespmem:$0x1D080] =	vst v63  }
0x7a: {  	_ =	swait.ge [sflag:s25], $0x1900  }
0x7b: {  	[sflag:s25] =	ssyncset.done $0x0  }
0x7c: {  	[sflag:s25] =	ssyncadd.s32 $0xFFFFE700  }
0x7d: {  	[spmem:s3] =	stream.indirect.scatter.add.f32 [tilespmem:s18], [sflag:$0x5], $0x80, s10, s17, $0xb8;
	[tilespmem:$0x1D080] =	vst v63  }
0x7e: {  	_ =	swait.ge [sflag:s26], $0x1900  }
0x7f: {  	[sflag:s26] =	ssyncset.done $0x0  }
0x80: {  	[sflag:s26] =	ssyncadd.s32 $0xFFFFE700  }
0x81: {  	[spmem:s3] =	stream.indirect.scatter.add.f32 [tilespmem:s20], [sflag:$0x6], $0x80, s12, s17, $0xb8;
	[tilespmem:$0x1D080] =	vst v63  }
0x82: {  	_ =	swait.ge [sflag:s28], $0x1900  }
0x83: {  	[sflag:s28] =	ssyncset.done $0x0  }
0x84: {  	[sflag:s28] =	ssyncadd.s32 $0xFFFFE700  }
0x85: {  	[spmem:s3] =	stream.indirect.scatter.add.f32 [tilespmem:s22], [sflag:$0x7], $0x80, s13, s17, $0xb8;
	[tilespmem:$0x1D080] =	vst v63  }
0x86: {  	_ =	swait.ge [sflag:s29], $0x1900  }
0x87: {  	[sflag:s29] =	ssyncset.done $0x0  }
0x88: {  	[sflag:s29] =	ssyncadd.s32 $0xFFFFE700  }
0x89: {  	[spmem:s3] =	stream.indirect.scatter.add.f32 [tilespmem:s24], [sflag:$0x8], $0x80, s9, s17, $0xb8;
	[tilespmem:$0x1D080] =	vst v63  }
0x8a: {  	_ =	swait.ge [sflag:s30], $0x1900  }
0x8b: {  	[sflag:s30] =	ssyncset.done $0x0  }
0x8c: {  	[sflag:s30] =	ssyncadd.s32 $0xFFFFE700  }
0x8d: {  	_ =	swait.ge [sflag:s31], $0x1900  }
0x8e: {  	[sflag:s31] =	ssyncset.done $0x0  }
0x8f: {  	s4 =	sadd.s32 $0x1, s4;
	[sflag:s31] =	ssyncadd.s32 $0xFFFFE700  }
0x90: {  	p1 =	sne.s32 s4, $0x5;
	_ =	swait.ge [sflag:s0], $0x1900  }
.Ltmp3:
0x91: {  	[sflag:s0] =	ssyncset.done $0x0;
	(pc) =	sbr.rel @p1 .LBB2_4-.Ltmp3, $4  }
0x92: {  	[sflag:s0] =	ssyncadd.s32 $0xFFFFE700  }
0x93: {  	_ =	swait.ge [sflag:s1], $0x1900  }
0x94: {  	[sflag:s1] =	ssyncset.done $0x0  }
0x95: {  	[sflag:s1] =	ssyncadd.s32 $0xFFFFE700  }
0x96: {  	[bflag:$0x0] =	sbarrier.arrive $0xFFFF  }
0x97: {  	s16 =	rddreg [dreg:$0x9]  }
0x98: {  	s4 =	rddreg [dreg:$0xa]  }
0x99: {  	[hbm:s16], [sflag:s14] =	dma.local [spmem:s4], $0x500  }
.Ltmp4:
0x9a: {  	_ = 	snop;
	(pc) =	sbr.rel @!p0 .LBB2_9-.Ltmp4, $4  }
0x9b: {  	_ =	swait.ge [sflag:s15], $0x500  }
0x9c: {  	s21 =	rddreg [dreg:$0x5]  }
0x9d: {  	s11 =	rddreg [dreg:$0x7]  }
0x9e: {  	[sflag:s15] =	ssyncset.done $0x0;
	s4 =	sadd.s32 $0xFFFFFFFF, s21;
	s11 =	sadd.s32 $0x28000, s11  }
.LBB2_8:
0x9f: {  	s19 =	sshrl.u32 s11, $0x3  }
0xa0: {  	[sflag:s15] =	ssyncadd.s32 $0xFFFFFB00;
	s16 =	sadd.s32 $0x5000, s16;
	p0 =	sne.s32 s4, $0x1  }
0xa1: {  	[hbm:s16], [sflag:s14] =	dma.local [spmem:s19], $0x500  }
.Ltmp5:
0xa2: {  	_ = 	snop;
	(pc) =	sbr.rel @p0 .LBB2_8-.Ltmp5, $4  }
0xa3: {  	_ = 	snop  }
0xa4: {  	s4 =	sadd.s32 $0xFFFFFFFF, s4  }
0xa5: {  	_ =	swait.ge [sflag:s15], $0x500  }
0xa6: {  	s11 =	sadd.s32 $0x28000, s11;
	[sflag:s15] =	ssyncset.done $0x0  }
.LBB2_9:
0xa7: {  	s16 =	rddreg [dreg:$0x4]  }
0xa8: {  	s4 =	rddreg [dreg:$0x6];
	s16 =	sadd.s32 $0x1, s16  }
0xa9: {  	p0 =	sne.s32 s16, s4  }
.Ltmp6:
0xaa: {  	_ = 	snop;
	(pc) =	sbr.rel @p0 .LBB2_1-.Ltmp6, $2  }
0xab: {  	_ =	sdelay $0x2  }
0xac: {  	[sflag:s15] =	ssyncadd.s32 $0xFFFFFB00  }
0xad: {  	_ =	sfence.sel $0x180000  }
0xae: {  	[bflag:$0x0] =	sbarrier.arrive $0xFFFF  }
0xaf: {  	_ =	strace $0x9000004A  }
0xb0: {  	s0 =	stileid.u32;
	[bflag:$0x2] =	sbarrier.arrive $0xFFFF  }
0xb1: {  	p0 =	sne.s32 s0, $0x0;
	s0 =	rddreg [dreg:$0x3]  }
0xb2: {  	s0 =	sadd.s32 @!p0 $0x100000, s0  }
0xb3: {  	[sflag:s0] =	ssyncadd.tile.s32 @!p0 $0x1;
	_ =	shalt  }
.Lfunc_end2:
_tile_overlayer_lowered:
.L_overlay_start_2:
0xb4: {  	(tag) =	ssettag $0x2  }
0xb5: {  	s0 =	rddreg [dreg:$0x0];
	s2 =	stileid.u32  }
0xb6: {  	s1 =	rddreg [dreg:$0x1];
	p0 =	sne.s32 s2, $0x0  }
0xb7: {  	s3 =	rddreg [dreg:$0x2];
	[bflag:$0x3] =	sbarrier.arrive $0xFFFF;
	s2 =	simm.s32 @!p0 $0x1C09  }
0xb8: {  	[timem:s3], [sflag:s2] =	dma.local @!p0 [hbm:s0], s1  }
0xb9: {  	s0 =	simm.s32 @!p0 $0x9  }
0xba: {  	_ =	swait.ge @!p0 [sflag:s0], s1  }
0xbb: {  	s1 =	ssub.s32 @!p0 $0x0, s1;
	[sflag:s0] =	ssyncset.done @!p0 $0x0  }
0xbc: {  	[sflag:s0] =	ssyncadd.s32 @!p0 s1  }
0xbd: {  	[bflag:$0x3] =	sbarrier.arrive $0xFFFF  }
0xbe: {  	_ =	shalt  }

// kernel: kernel.14.cloned.1.call-start
scs
__scs_entry_jumppad:
0x0: {  	(pc) =	sbr.rel $0x88, $3  }
0x1: {  	(tag) =	ssettag $0x0;
	lr =	simm.s32 $0x1  }
0x2: {  	[smem:$0x3F9B] =	sst lr;
	_ =	strace $0xD0000000  }
0x3: {  	_ = 	snop  }
0x4: {  	_ = 	snop  }
0x5: {  	_ = 	snop  }
0x6: {  	_ = 	snop  }
0x7: {  	_ = 	snop  }
__scs_overlays_trampoline_lowered:
0x8: {  	[smem:$0x3FAA] =	sst s0  }
0x9: {  	[smem:$0x3FAB] =	sst s1  }
0xa: {  	[smem:$0x3FAC] =	sst s2  }
0xb: {  	[smem:$0x3FAD] =	sst s3  }
0xc: {  	[smem:$0x3FAE] =	sst s4  }
0xd: {  	[smem:$0x3FAF] =	sst s5  }
0xe: {  	[smem:$0x3FB0] =	sst s6  }
0xf: {  	[smem:$0x3FB1] =	sst s7  }
0x10: {  	[smem:$0x3FB2] =	sst s8  }
0x11: {  	[smem:$0x3FB3] =	sst s9;
	s0 =	simm.s32 @!p0 $0x0  }
0x12: {  	s1 =	sld [smem:$0x3F99];
	s0 =	simm.s32 @p0 $0x1  }
0x13: {  	[smem:$0x3FB4] =	sst s0;
	s0 =	simm.s32 @!p1 $0x0  }
0x14: {  	s2 =	sld [smem:$0x3F98];
	s0 =	simm.s32 @p1 $0x1  }
0x15: {  	[smem:$0x3FB5] =	sst s0;
	s0 =	simm.s32 @!p2 $0x0  }
0x16: {  	s3 =	sld [smem:$0x3FDB];
	s0 =	simm.s32 @p2 $0x1  }
0x17: {  	s4 =	simm.s32 $0x1BF5;
	[smem:$0x3FB7] =	sst s0  }
0x18: {  	s0 =	sld [smem:$0x3F9A];
	_ =	swait.ge [sflag:s4], $0x0  }
0x19: {  	s7 =	sld [smem:$0x3F9B]  }
0x1a: {  	s8 =	sadd.s32 $0xFFFFE003, lr  }
0x1b: {  	s9 =	sadd.s32 $0xFFFFFEF7, lr;
	s5 =	simm.s32 $0xFFFFFFFF;
	p2 =	slt.u32 s8, $0xFFFFF086  }
0x1c: {  	p1 =	slt.u32 s9, $0xF7A;
	s5 =	simm.s32 @!p2 $0x0  }
0x1d: {  	s5 =	simm.s32 @p1 $0x1;
	p0 =	seq.s32 s7, s2  }
0x1e: {  	s7 =	smul.u32 @!p0 $0xF7A, s2;
	p2 =	seq.s32 @!p0 s5, $0x0  }
0x1f: {  	s9 =	smul.u32 $0xF7A, s1;
	s8 =	simm.s32 @!p0 $0x1BF5;
	p2 =	por !p2, p0  }
0x20: {  	[sflag:s8] =	ssyncset.s32 @!p0 $0xFFFFF086;
	s6 =	sadd.s32 @!p0 s3, s7;
	s7 =	simm.s32 @!p0 $0x108  }
0x21: {  	s3 =	sadd.s32 s3, s9;
	s6 =	sadd.s32 @!p0 $0x88, s6;
	s7 =	simm.s32 @p2 $0x1082  }
0x22: {  	[simem:s7], [sflag:s8] =	dma.local @!p0 [hbm:s6], $0xF7A  }
0x23: {  	s9 =	sor.u32 $0xD0000000, s2;
	s6 =	simm.s32 $0x108;
	_ =	swait.ge @!p0 [sflag:s8], $0x0  }
0x24: {  	s3 =	sadd.s32 $0x88, s3;
	s6 =	simm.s32 @!p1 $0x1082;
	[sflag:s4] =	ssyncset.s32 $0xFFFFF086  }
0x25: {  	[simem:s6], [sflag:s4] =	dma.local [hbm:s3], $0xF7A  }
0x26: {  	[smem:$0x3F9B] =	sst s1;
	(tag) =	ssettag s2;
	_ =	strace s9  }
0x27: {  	s1 =	sld [smem:$0x3FAB]  }
0x28: {  	s2 =	sld [smem:$0x3FAC]  }
0x29: {  	s4 =	sld [smem:$0x3FAE]  }
0x2a: {  	p0 =	seq.s32 s5, $0x0;
	s5 =	sld [smem:$0x3FAF]  }
0x2b: {  	s6 =	sld [smem:$0x3FB0]  }
0x2c: {  	s7 =	sld [smem:$0x3FB1]  }
0x2d: {  	s3 =	simm.s32 $0x108;
	s8 =	sld [smem:$0x3FB2]  }
0x2e: {  	s3 =	simm.s32 @!p0 $0x1082;
	s9 =	sld [smem:$0x3FB3]  }
0x2f: {  	lr =	sadd.s32 s0, s3;
	s0 =	sld [smem:$0x3FAA]  }
0x30: {  	s3 =	sld [smem:$0x3FAD]  }
0x31: {  	[smem:$0x3FB6] =	sst s10  }
0x32: {  	s10 =	sld [smem:$0x3FB4];
	_ =	sdelay $0x3  }
0x33: {  	p0 =	seq.s32 s10, $0x1;
	s10 =	sld [smem:$0x3FB6];
	_ =	sdelay $0x3  }
0x34: {  	[smem:$0x3FB6] =	sst s10  }
0x35: {  	s10 =	sld [smem:$0x3FB5];
	_ =	sdelay $0x3  }
0x36: {  	p1 =	seq.s32 s10, $0x1;
	s10 =	sld [smem:$0x3FB6];
	_ =	sdelay $0x3  }
0x37: {  	[smem:$0x3FB6] =	sst s10  }
0x38: {  	s10 =	sld [smem:$0x3FB7]  }
0x39: {  	_ = 	snop;
	(pc) =	sbr.ind lr, $3  }
0x3a: {  	_ = 	snop  }
0x3b: {  	_ = 	snop  }
0x3c: {  	p2 =	seq.s32 s10, $0x1;
	s10 =	sld [smem:$0x3FB6]  }
0x3d: {  	_ =	shalt  }
0x3e: {  	_ =	shalt  }
0x3f: {  	_ =	shalt  }
0x40: {  	_ =	shalt  }
0x41: {  	_ =	shalt  }
0x42: {  	_ =	shalt  }
0x43: {  	_ =	shalt  }
0x44: {  	_ =	shalt  }
0x45: {  	_ =	shalt  }
0x46: {  	_ =	shalt  }
0x47: {  	_ =	shalt  }
0x48: {  	_ =	shalt  }
0x49: {  	_ =	shalt  }
0x4a: {  	_ =	shalt  }
0x4b: {  	_ =	shalt  }
0x4c: {  	_ =	shalt  }
0x4d: {  	_ =	shalt  }
0x4e: {  	_ =	shalt  }
0x4f: {  	_ =	shalt  }
0x50: {  	_ =	shalt  }
0x51: {  	_ =	shalt  }
0x52: {  	_ =	shalt  }
0x53: {  	_ =	shalt  }
0x54: {  	_ =	shalt  }
0x55: {  	_ =	shalt  }
0x56: {  	_ =	shalt  }
0x57: {  	_ =	shalt  }
0x58: {  	_ =	shalt  }
0x59: {  	_ =	shalt  }
0x5a: {  	_ =	shalt  }
0x5b: {  	_ =	shalt  }
0x5c: {  	_ =	shalt  }
0x5d: {  	_ =	shalt  }
0x5e: {  	_ =	shalt  }
0x5f: {  	_ =	shalt  }
0x60: {  	_ =	shalt  }
0x61: {  	_ =	shalt  }
0x62: {  	_ =	shalt  }
0x63: {  	_ =	shalt  }
0x64: {  	_ =	shalt  }
0x65: {  	_ =	shalt  }
0x66: {  	_ =	shalt  }
0x67: {  	_ =	shalt  }
0x68: {  	_ =	shalt  }
0x69: {  	_ =	shalt  }
0x6a: {  	_ =	shalt  }
0x6b: {  	_ =	shalt  }
0x6c: {  	_ =	shalt  }
0x6d: {  	_ =	shalt  }
0x6e: {  	_ =	shalt  }
0x6f: {  	_ =	shalt  }
0x70: {  	_ =	shalt  }
0x71: {  	_ =	shalt  }
0x72: {  	_ =	shalt  }
0x73: {  	_ =	shalt  }
0x74: {  	_ =	shalt  }
0x75: {  	_ =	shalt  }
0x76: {  	_ =	shalt  }
0x77: {  	_ =	shalt  }
0x78: {  	_ =	shalt  }
0x79: {  	_ =	shalt  }
0x7a: {  	_ =	shalt  }
0x7b: {  	_ =	shalt  }
0x7c: {  	_ =	shalt  }
0x7d: {  	_ =	shalt  }
0x7e: {  	_ =	shalt  }
0x7f: {  	_ =	shalt  }
0x80: {  	_ =	shalt  }
0x81: {  	_ =	shalt  }
0x82: {  	_ =	shalt  }
0x83: {  	_ =	shalt  }
0x84: {  	_ =	shalt  }
0x85: {  	_ =	shalt  }
0x86: {  	_ =	shalt  }
0x87: {  	_ =	shalt  }
.Lfunc_end0:
.L_simem_size_0:
called_computation.2_lowered:
.L_overlay_start_0:
0x88: {  	s2 =	sld [smem:$0x3FD9]  }
0x89: {  	s3 =	sld [smem:$0x3FFE];
	_ =	sdelay $0x1  }
0x8a: {  	s1 =	srdreg.scid  }
0x8b: {  	s0 =	sand.u32 $0x1, s1  }
0x8c: {  	s17 =	sshll.u32 s0, $0xA;
	s2 =	sadd.s32 s3, s2  }
0x8d: {  	s2 =	sadd.s32 s2, s17  }
0x8e: {  	[smem:$0x3FC2] =	sst s2  }
0x8f: {  	_ = 	snop  }
0x90: {  	s2 =	sld [smem:$0x3FD0];
	(tm) =	ssettm $0x1  }
0x91: {  	s18 =	sld [smem:$0x3FFB];
	_ =	sdelay $0x3  }
0x92: {  	_ =	strace s18  }
0x93: {  	s3 =	sld [smem:$0x3FFC];
	_ =	sdelay $0x3  }
0x94: {  	_ =	strace s3  }
0x95: {  	s3 =	sld [smem:$0x3FFD];
	_ =	sdelay $0x3  }
0x96: {  	_ =	strace s3  }
0x97: {  	_ =	strace $0x8FFFFFFF  }
0x98: {  	s19 =	sld [smem:$0x3FDB];
	_ =	sdelay $0x1  }
0x99: {  	s4 =	simm.s32 $_scs_section_size  }
0x9a: {  	s5 =	simm.s32 $_size__tile_overlayer_lowered;
	s6 =	simm.s32 $_tile_overlayer_lowered  }
0x9b: {  	s22 =	simm.s32 $0x1BFF;
	s21 =	sshll.u32 s6, $0x1;
	s3 =	sadd.s32 s4, s19  }
0x9c: {  	s7 =	simm.s32 $0x0;
	s20 =	sshll.u32 s5, $0x1;
	s5 =	sadd.s32 s21, s3  }
0x9d: {  	[timem:s7], [sflag:s22] =	dma.local [hbm:s5], s20  }
0x9e: {  	_ =	swait.ge [sflag:s22], s20  }
0x9f: {  	s4 =	ssub.s32 $0x0, s20;
	[sflag:s22] =	ssyncset.done $0x0  }
0xa0: {  	[sflag:s22] =	ssyncadd.s32 s4;
	_ =	sdelay $0x1  }
0xa1: {  	s23 =	simm.s32 $0x1B8B  }
0xa2: {  	_ =	swait.ge [sflag:s23], $0x1  }
0xa3: {  	[sflag:s23] =	ssyncset.done $0x0  }
0xa4: {  	s25 =	simm.s32 $0x1B8E;
	s24 =	sld [smem:$0x3FFE];
	[sflag:s23] =	ssyncadd.s32 $0xFFFFFFFF  }
0xa5: {  	s26 =	simm.s32 $execute0_lowered;
	[smem:$0x3FD2] =	sst s25  }
0xa6: {  	s5 =	sshll.u32 s26, $0x1;
	_ =	strace $0x8000004C;
	[dreg:$0x1] =	wrdreg $0xFFFFFFFF  }
0xa7: {  	s28 =	simm.s32 $_size_execute0_lowered;
	s3 =	sadd.s32 s3, s5;
	[dreg:$0x0] =	wrdreg $0x0  }
0xa8: {  	s5 =	sshll.u32 s28, $0x1;
	[dreg:$0x2] =	wrdreg s3  }
0xa9: {  	[dreg:$0x3] =	wrdreg s5  }
0xaa: {  	[dreg:$0x4] =	wrdreg $0xC0  }
0xab: {  	_ =	task [dreg:s7], $0x5FFFF  }
0xac: {  	[dreg:$0x1] =	wrdreg $0xFFFFFFFF  }
0xad: {  	[dreg:$0x0] =	wrdreg $0x60  }
0xae: {  	[dreg:$0x2] =	wrdreg s2  }
0xaf: {  	[dreg:$0x3] =	wrdreg s24  }
0xb0: {  	[dreg:$0x4] =	wrdreg $0x98000  }
0xb1: {  	[dreg:$0x5] =	wrdreg $0x9  }
0xb2: {  	_ =	task.clear_ibuf [dreg:s7], $0x6FFFF;
	_ =	strace $0x9000004C  }
0xb3: {  	s29 =	simm.s32 $0x9;
	_ =	strace $0x8000004E  }
0xb4: {  	_ =	swait.ge [sflag:s29], $0x1  }
0xb5: {  	[sflag:s29] =	ssyncadd.s32 $0xFFFFFFFF  }
0xb6: {  	_ =	strace $0x9000004E  }
0xb7: {  	_ =	sfence  }
0xb8: {  	s30 =	sld [smem:$0x0];
	_ =	sdelay $0x2  }
0xb9: {  	s31 =	sshll.u32 s1, $0xD;
	s1 =	sshrl.u32 s1, $0x2  }
0xba: {  	s3 =	sand.u32 $0x4000, s31;
	s1 =	sadd.s32 s1, s30  }
0xbb: {  	s0 =	sor.u32 s3, s0;
	s1 =	sshll.u32 s1, $0x11  }
0xbc: {  	s0 =	sor.u32 s1, s0  }
0xbd: {  	s0 =	sadd.s32 $0x8F2B, s0  }
0xbe: {  	[sflag:s0] =	ssyncadd.remote.s32 $0x1  }
0xbf: {  	_ =	sfence.sel $0xFFFF  }
0xc0: {  	[dreg:$0x0] =	wrdreg $0xFFFFFFFF;
	(pc) =	sbr.abs _section_cstart, $3  }
0xc1: {  	[dreg:$0x1] =	wrdreg $0xFFFFFFFF  }
0xc2: {  	_ =	task.clear_ibuf [dreg:s7], $0x2FFFF;
	_ =	strace $0x9FFFFFFF  }
0xc3: {  	(tm) =	ssettm $0x7FFFFFFF  }
tec
execute0_lowered:
.L_overlay_start_1:
0x0: {  	(tag) =	ssettag $0x1  }
0x1: {  	s2 =	rddreg [dreg:$0x0]  }
0x2: {  	s0 =	rddreg [dreg:$0x1]  }
0x3: {  	s3 =	rddreg [dreg:$0x2];
	s11 =	stileid.u32;
	s16 =	simm.s32 $0x0  }
0x4: {  	s1 =	srdreg.scid;
	s15 =	simm.s32 $0x9;
	s17 =	simm.s32 $0x32  }
0x5: {  	s18 =	simm.s32 $0x2800;
	s20 =	simm.s32 $0x4400;
	s28 =	simm.s32 $0x3  }
0x6: {  	s29 =	simm.s32 $0x4;
	s30 =	simm.s32 $0x5;
	s31 =	simm.s32 $0x6  }
0x7: {  	s12 =	simm.s32 $0x2680;
	s13 =	simm.s32 $0x2700;
	s4 =	smul.u32 $0x50, s11  }
0x8: {  	[smem:$0x7FF] =	sst s16;
	s1 =	sand.u32 $0x1, s1;
	s10 =	smul.u32 $0xA000, s11  }
0x9: {  	s7 =	sadd.s32 $0x2200, s0;
	s23 =	smul.u32 $0x500, s11;
	s26 =	sshll.u32 s11, $0x6  }
0xa: {  	s9 =	smul.u32 $0x27100, s1;
	s5 =	sshll.u32 s1, $0x4;
	_ =	strace $0x8000004D  }
0xb: {  	s1 =	ssub.s32 $0x2, s1;
	s14 =	sor.u32 $0x1C09, s26;
	s26 =	simm.s32 $0x2  }
0xc: {  	s4 =	ssub.s32 $0x2C00, s4;
	s6 =	sor.u32 s11, s5;
	s5 =	sadd.s32 $0xEA00, s0  }
0xd: {  	s8 =	sshrl.u32 s1, $0x1;
	s22 =	sshrl.u32 s10, $0x2;
	s4 =	smul.u32 $0xCCD, s4  }
0xe: {  	s10 =	simm.s32 $0x2600;
	s6 =	smul.u32 $0x5, s6;
	s0 =	sadd.s32 s9, s0  }
0xf: {  	s1 =	ssub.s32 s1, s8;
	s8 =	smul.u32 $0x5, s11;
	s24 =	sadd.s32 s22, s3  }
0x10: {  	s25 =	sadd.s32 s9, s2;
	s22 =	simm.s32 $0x6000;
	s9 =	simm.s32 $0x2780  }
0x11: {  	s1 =	smax.u32 s1, $0x1;
	[dreg:$0x7] =	wrdreg s24;
	s0 =	sadd.s32 s23, s0  }
0x12: {  	s24 =	simm.s32 $0x7C00;
	[dreg:$0x6] =	wrdreg s1;
	s1 =	sadd.s32 s23, s25  }
0x13: {  	s21 =	sshrl.u32 s4, $0x16;
	s0 =	sadd.s32 $0x75C00, s0;
	[dreg:$0x8] =	wrdreg s1  }
0x14: {  	s23 =	simm.s32 $0x180;
	s25 =	simm.s32 $0x1;
	[dreg:$0x9] =	wrdreg s0  }
0x15: {  	s0 =	simm.s32 $0x7;
	s1 =	simm.s32 $0x8;
	[dreg:$0x5] =	wrdreg s21  }
.LBB2_1:
0x16: {  	[dreg:$0x4] =	wrdreg s16  }
0x17: {  	s11 =	rddreg [dreg:$0x7];
	p0 =	sne.s32 s21, $0x1  }
.Ltmp0:
0x18: {  	s16 =	rddreg [dreg:$0x8];
	s4 =	sshrl.u32 s11, $0x3;
	(pc) =	sbr.rel @!p0 .LBB2_3-.Ltmp0, $4  }
0x19: {  	[dreg:$0xa] =	wrdreg s4  }
0x1a: {  	[spmem:s4], [sflag:s14] =	dma.local [hbm:s16], $0x500  }
0x1b: {  	_ =	swait.ge [sflag:s15], $0x500  }
0x1c: {  	s11 =	sadd.s32 $0x28000, s11;
	s4 =	sadd.s32 $0xFFFFFFFF, s21;
	[sflag:s15] =	ssyncset.done $0x0  }
.LBB2_2:
0x1d: {  	s19 =	sshrl.u32 s11, $0x3  }
0x1e: {  	[sflag:s15] =	ssyncadd.s32 $0xFFFFFB00;
	s16 =	sadd.s32 $0x5000, s16;
	p1 =	sne.s32 s4, $0x1  }
0x1f: {  	[spmem:s19], [sflag:s14] =	dma.local [hbm:s16], $0x500  }
.Ltmp1:
0x20: {  	_ = 	snop;
	(pc) =	sbr.rel @p1 .LBB2_2-.Ltmp1, $4  }
0x21: {  	_ = 	snop  }
0x22: {  	s4 =	sadd.s32 $0xFFFFFFFF, s4  }
0x23: {  	_ =	swait.ge [sflag:s15], $0x500  }
0x24: {  	s11 =	sadd.s32 $0x28000, s11;
	[sflag:s15] =	ssyncset.done $0x0  }
.LBB2_3:
0x25: {  	[sflag:s15] =	ssyncadd.s32 $0xFFFFFB00  }
0x26: {  	s11 =	simm.s32 $0x0;
	s4 =	simm.s32 $0x0;
	[bflag:$0x0] =	sbarrier.arrive $0xFFFF  }
.LBB2_4:
0x27: {  	s16 =	sadd.s32 s6, s4  }
0x28: {  	s16 =	smul.u32 $0x280, s16;
	_ =	sdelay $0x1  }
0x29: {  	s19 =	sadd.s32 s8, s4;
	s16 =	sadd.s32 s5, s16  }
0x2a: {  	[tilespmem:s11], [sflag:$0x9] =	stream.linear.gather [hbm4b:s16+s11], $0x1400, $0x38;
	[tilespmem:$0x1D080] =	vst v63  }
0x2b: {  	s16 =	smul.u32 $0x280, s19;
	_ =	swait.ge [sflag:s15], $0x1400  }
0x2c: {  	[sflag:s15] =	ssyncset.done $0x0  }
0x2d: {  	s19 =	simm.s32 $0x1400;
	s16 =	sadd.s32 s7, s16;
	[sflag:s15] =	ssyncadd.s32 $0xFFFFEC00  }
0x2e: {  	[tilespmem:s19], [sflag:$0x9] =	stream.linear.gather [hbm4b:s16+s11], $0x1400, $0x38;
	[tilespmem:$0x1D080] =	vst v63  }
0x2f: {  	_ =	swait.ge [sflag:s15], $0x1400  }
0x30: {  	[sflag:s15] =	ssyncset.done $0x0  }
0x31: {  	[sflag:s15] =	ssyncadd.s32 $0xFFFFEC00  }
0x32: {  	[tilespmem:s18], [sflag:$0x1] =	stream.indirect.gather [hbm4b:s2+s17], $0x80, s11, s17, $0xb8;
	[tilespmem:$0x1D080] =	vst v63  }
0x33: {  	s21 =	simm.s32 $0x80  }
0x34: {  	[tilespmem:s20], [sflag:$0x2] =	stream.indirect.gather [hbm4b:s2+s17], $0x80, s21, s17, $0xb8;
	[tilespmem:$0x1D080] =	vst v63  }
0x35: {  	s19 =	simm.s32 $0x100  }
0x36: {  	[tilespmem:s22], [sflag:$0x3] =	stream.indirect.gather [hbm4b:s2+s17], $0x80, s19, s17, $0xb8;
	[tilespmem:$0x1D080] =	vst v63  }
0x37: {  	_ = 	snop  }
0x38: {  	[tilespmem:s24], [sflag:$0x4] =	stream.indirect.gather [hbm4b:s2+s17], $0x80, s23, s17, $0xb8;
	[tilespmem:$0x1D080] =	vst v63  }
0x39: {  	_ =	swait.ge [sflag:s25], $0x1900  }
0x3a: {  	[sflag:s25] =	ssyncset.done $0x0  }
0x3b: {  	s21 =	simm.s32 $0x1400;
	[sflag:s25] =	ssyncadd.s32 $0xFFFFE700  }
0x3c: {  	[spmem:s3] =	stream.indirect.scatter.add.f32 [tilespmem:s18], [sflag:$0x5], $0x80, s21, s17, $0xb8;
	[tilespmem:$0x1D080] =	vst v63  }
0x3d: {  	_ =	swait.ge [sflag:s26], $0x1900  }
0x3e: {  	[sflag:s26] =	ssyncset.done $0x0  }
0x3f: {  	s19 =	simm.s32 $0x1480;
	[sflag:s26] =	ssyncadd.s32 $0xFFFFE700  }
0x40: {  	[spmem:s3] =	stream.indirect.scatter.add.f32 [tilespmem:s20], [sflag:$0x6], $0x80, s19, s17, $0xb8;
	[tilespmem:$0x1D080] =	vst v63  }
0x41: {  	_ =	swait.ge [sflag:s28], $0x1900  }
0x42: {  	[sflag:s28] =	ssyncset.done $0x0  }
0x43: {  	s21 =	simm.s32 $0x1500;
	[sflag:s28] =	ssyncadd.s32 $0xFFFFE700  }
0x44: {  	[spmem:s3] =	stream.indirect.scatter.add.f32 [tilespmem:s22], [sflag:$0x7], $0x80, s21, s17, $0xb8;
	[tilespmem:$0x1D080] =	vst v63  }
0x45: {  	_ =	swait.ge [sflag:s29], $0x1900  }
0x46: {  	[sflag:s29] =	ssyncset.done $0x0  }
0x47: {  	s19 =	simm.s32 $0x1580;
	[sflag:s29] =	ssyncadd.s32 $0xFFFFE700  }
0x48: {  	[spmem:s3] =	stream.indirect.scatter.add.f32 [tilespmem:s24], [sflag:$0x8], $0x80, s19, s17, $0xb8;
	[tilespmem:$0x1D080] =	vst v63  }
0x49: {  	_ =	swait.ge [sflag:s30], $0x1900  }
0x4a: {  	[sflag:s30] =	ssyncset.done $0x0  }
0x4b: {  	s21 =	simm.s32 $0x200;
	[sflag:s30] =	ssyncadd.s32 $0xFFFFE700  }
0x4c: {  	[tilespmem:s18], [sflag:$0x1] =	stream.indirect.gather [hbm4b:s2+s17], $0x80, s21, s17, $0xb8;
	[tilespmem:$0x1D080] =	vst v63  }
0x4d: {  	_ =	swait.ge [sflag:s31], $0x1900  }
0x4e: {  	[sflag:s31] =	ssyncset.done $0x0  }
0x4f: {  	s19 =	simm.s32 $0x280;
	[sflag:s31] =	ssyncadd.s32 $0xFFFFE700  }
0x50: {  	[tilespmem:s20], [sflag:$0x2] =	stream.indirect.gather [hbm4b:s2+s17], $0x80, s19, s17, $0xb8;
	[tilespmem:$0x1D080] =	vst v63  }
0x51: {  	_ =	swait.ge [sflag:s0], $0x1900  }
0x52: {  	[sflag:s0] =	ssyncset.done $0x0  }
0x53: {  	s21 =	simm.s32 $0x300;
	[sflag:s0] =	ssyncadd.s32 $0xFFFFE700  }
0x54: {  	[tilespmem:s22], [sflag:$0x3] =	stream.indirect.gather [hbm4b:s2+s17], $0x80, s21, s17, $0xb8;
	[tilespmem:$0x1D080] =	vst v63  }
0x55: {  	_ =	swait.ge [sflag:s1], $0x1900  }
0x56: {  	[sflag:s1] =	ssyncset.done $0x0  }
0x57: {  	s16 =	simm.s32 $0x800;
	s19 =	simm.s32 $0x380;
	[sflag:s1] =	ssyncadd.s32 $0xFFFFE700  }
.LBB2_5:
0x58: {  	[tilespmem:s24], [sflag:$0x4] =	stream.indirect.gather [hbm4b:s2+s17], $0x80, s19, s17, $0xb8;
	[tilespmem:$0x1D080] =	vst v63  }
0x59: {  	s19 =	smov.u32 s16  }
0x5a: {  	p1 =	sne.s32 s16, $0x4000;
	s16 =	sadd.s32 $0x800, s16;
	_ =	swait.ge [sflag:s25], $0x1900  }
0x5b: {  	s19 =	sshra.s32 s19, $0x2;
	[sflag:s25] =	ssyncset.done $0x0  }
0x5c: {  	s21 =	sadd.s32 $0x1400, s19;
	[sflag:s25] =	ssyncadd.s32 $0xFFFFE700  }
0x5d: {  	[spmem:s3] =	stream.indirect.scatter.add.f32 [tilespmem:s18], [sflag:$0x5], $0x80, s21, s17, $0xb8;
	[tilespmem:$0x1D080] =	vst v63  }
0x5e: {  	_ =	swait.ge [sflag:s26], $0x1900  }
0x5f: {  	[sflag:s26] =	ssyncset.done $0x0  }
0x60: {  	s21 =	sadd.s32 $0x1480, s19;
	[sflag:s26] =	ssyncadd.s32 $0xFFFFE700  }
0x61: {  	[spmem:s3] =	stream.indirect.scatter.add.f32 [tilespmem:s20], [sflag:$0x6], $0x80, s21, s17, $0xb8;
	[tilespmem:$0x1D080] =	vst v63  }
0x62: {  	_ =	swait.ge [sflag:s28], $0x1900  }
0x63: {  	[sflag:s28] =	ssyncset.done $0x0  }
0x64: {  	s21 =	sadd.s32 $0x1500, s19;
	[sflag:s28] =	ssyncadd.s32 $0xFFFFE700  }
0x65: {  	[spmem:s3] =	stream.indirect.scatter.add.f32 [tilespmem:s22], [sflag:$0x7], $0x80, s21, s17, $0xb8;
	[tilespmem:$0x1D080] =	vst v63  }
0x66: {  	_ =	swait.ge [sflag:s29], $0x1900  }
0x67: {  	[sflag:s29] =	ssyncset.done $0x0  }
0x68: {  	s21 =	sadd.s32 $0x1580, s19;
	[sflag:s29] =	ssyncadd.s32 $0xFFFFE700  }
0x69: {  	[spmem:s3] =	stream.indirect.scatter.add.f32 [tilespmem:s24], [sflag:$0x8], $0x80, s21, s17, $0xb8;
	[tilespmem:$0x1D080] =	vst v63  }
0x6a: {  	_ =	swait.ge [sflag:s30], $0x1900  }
0x6b: {  	[sflag:s30] =	ssyncset.done $0x0  }
0x6c: {  	s21 =	sadd.s32 $0x200, s19;
	[sflag:s30] =	ssyncadd.s32 $0xFFFFE700  }
0x6d: {  	[tilespmem:s18], [sflag:$0x1] =	stream.indirect.gather [hbm4b:s2+s17], $0x80, s21, s17, $0xb8;
	[tilespmem:$0x1D080] =	vst v63  }
0x6e: {  	_ =	swait.ge [sflag:s31], $0x1900  }
0x6f: {  	[sflag:s31] =	ssyncset.done $0x0  }
0x70: {  	s21 =	sadd.s32 $0x280, s19;
	[sflag:s31] =	ssyncadd.s32 $0xFFFFE700  }
0x71: {  	[tilespmem:s20], [sflag:$0x2] =	stream.indirect.gather [hbm4b:s2+s17], $0x80, s21, s17, $0xb8;
	[tilespmem:$0x1D080] =	vst v63  }
0x72: {  	_ =	swait.ge [sflag:s0], $0x1900  }
0x73: {  	[sflag:s0] =	ssyncset.done $0x0  }
.Ltmp2:
0x74: {  	s21 =	sadd.s32 $0x300, s19;
	[sflag:s0] =	ssyncadd.s32 $0xFFFFE700;
	(pc) =	sbr.rel @p1 .LBB2_5-.Ltmp2, $4  }
0x75: {  	[tilespmem:s22], [sflag:$0x3] =	stream.indirect.gather [hbm4b:s2+s17], $0x80, s21, s17, $0xb8;
	[tilespmem:$0x1D080] =	vst v63  }
0x76: {  	_ =	swait.ge [sflag:s1], $0x1900  }
0x77: {  	[sflag:s1] =	ssyncset.done $0x0  }
0x78: {  	s19 =	sadd.s32 $0x380, s19;
	[sflag:s1] =	ssyncadd.s32 $0xFFFFE700  }
0x79: {  	[tilespmem:s24], [sflag:$0x4] =	stream.indirect.gather [hbm4b:s2+s17], $0x80, s19, s17, $0xb8;
	[tilespmem:$0x1D080] =	vst v63  }
0x7a: {  	_ =	swait.ge [sflag:s25], $0x1900  }
0x7b: {  	[sflag:s25] =	ssyncset.done $0x0  }
0x7c: {  	[sflag:s25] =	ssyncadd.s32 $0xFFFFE700  }
0x7d: {  	[spmem:s3] =	stream.indirect.scatter.add.f32 [tilespmem:s18], [sflag:$0x5], $0x80, s10, s17, $0xb8;
	[tilespmem:$0x1D080] =	vst v63  }
0x7e: {  	_ =	swait.ge [sflag:s26], $0x1900  }
0x7f: {  	[sflag:s26] =	ssyncset.done $0x0  }
0x80: {  	[sflag:s26] =	ssyncadd.s32 $0xFFFFE700  }
0x81: {  	[spmem:s3] =	stream.indirect.scatter.add.f32 [tilespmem:s20], [sflag:$0x6], $0x80, s12, s17, $0xb8;
	[tilespmem:$0x1D080] =	vst v63  }
0x82: {  	_ =	swait.ge [sflag:s28], $0x1900  }
0x83: {  	[sflag:s28] =	ssyncset.done $0x0  }
0x84: {  	[sflag:s28] =	ssyncadd.s32 $0xFFFFE700  }
0x85: {  	[spmem:s3] =	stream.indirect.scatter.add.f32 [tilespmem:s22], [sflag:$0x7], $0x80, s13, s17, $0xb8;
	[tilespmem:$0x1D080] =	vst v63  }
0x86: {  	_ =	swait.ge [sflag:s29], $0x1900  }
0x87: {  	[sflag:s29] =	ssyncset.done $0x0  }
0x88: {  	[sflag:s29] =	ssyncadd.s32 $0xFFFFE700  }
0x89: {  	[spmem:s3] =	stream.indirect.scatter.add.f32 [tilespmem:s24], [sflag:$0x8], $0x80, s9, s17, $0xb8;
	[tilespmem:$0x1D080] =	vst v63  }
0x8a: {  	_ =	swait.ge [sflag:s30], $0x1900  }
0x8b: {  	[sflag:s30] =	ssyncset.done $0x0  }
0x8c: {  	[sflag:s30] =	ssyncadd.s32 $0xFFFFE700  }
0x8d: {  	_ =	swait.ge [sflag:s31], $0x1900  }
0x8e: {  	[sflag:s31] =	ssyncset.done $0x0  }
0x8f: {  	s4 =	sadd.s32 $0x1, s4;
	[sflag:s31] =	ssyncadd.s32 $0xFFFFE700  }
0x90: {  	p1 =	sne.s32 s4, $0x5;
	_ =	swait.ge [sflag:s0], $0x1900  }
.Ltmp3:
0x91: {  	[sflag:s0] =	ssyncset.done $0x0;
	(pc) =	sbr.rel @p1 .LBB2_4-.Ltmp3, $4  }
0x92: {  	[sflag:s0] =	ssyncadd.s32 $0xFFFFE700  }
0x93: {  	_ =	swait.ge [sflag:s1], $0x1900  }
0x94: {  	[sflag:s1] =	ssyncset.done $0x0  }
0x95: {  	[sflag:s1] =	ssyncadd.s32 $0xFFFFE700  }
0x96: {  	[bflag:$0x0] =	sbarrier.arrive $0xFFFF  }
0x97: {  	s16 =	rddreg [dreg:$0x9]  }
0x98: {  	s4 =	rddreg [dreg:$0xa]  }
0x99: {  	[hbm:s16], [sflag:s14] =	dma.local [spmem:s4], $0x500  }
.Ltmp4:
0x9a: {  	_ = 	snop;
	(pc) =	sbr.rel @!p0 .LBB2_9-.Ltmp4, $4  }
0x9b: {  	_ =	swait.ge [sflag:s15], $0x500  }
0x9c: {  	s21 =	rddreg [dreg:$0x5]  }
0x9d: {  	s11 =	rddreg [dreg:$0x7]  }
0x9e: {  	[sflag:s15] =	ssyncset.done $0x0;
	s4 =	sadd.s32 $0xFFFFFFFF, s21;
	s11 =	sadd.s32 $0x28000, s11  }
.LBB2_8:
0x9f: {  	s19 =	sshrl.u32 s11, $0x3  }
0xa0: {  	[sflag:s15] =	ssyncadd.s32 $0xFFFFFB00;
	s16 =	sadd.s32 $0x5000, s16;
	p0 =	sne.s32 s4, $0x1  }
0xa1: {  	[hbm:s16], [sflag:s14] =	dma.local [spmem:s19], $0x500  }
.Ltmp5:
0xa2: {  	_ = 	snop;
	(pc) =	sbr.rel @p0 .LBB2_8-.Ltmp5, $4  }
0xa3: {  	_ = 	snop  }
0xa4: {  	s4 =	sadd.s32 $0xFFFFFFFF, s4  }
0xa5: {  	_ =	swait.ge [sflag:s15], $0x500  }
0xa6: {  	s11 =	sadd.s32 $0x28000, s11;
	[sflag:s15] =	ssyncset.done $0x0  }
.LBB2_9:
0xa7: {  	s16 =	rddreg [dreg:$0x4]  }
0xa8: {  	s4 =	rddreg [dreg:$0x6];
	s16 =	sadd.s32 $0x1, s16  }
0xa9: {  	p0 =	sne.s32 s16, s4  }
.Ltmp6:
0xaa: {  	_ = 	snop;
	(pc) =	sbr.rel @p0 .LBB2_1-.Ltmp6, $2  }
0xab: {  	_ =	sdelay $0x2  }
0xac: {  	[sflag:s15] =	ssyncadd.s32 $0xFFFFFB00  }
0xad: {  	_ =	sfence.sel $0x180000  }
0xae: {  	[bflag:$0x0] =	sbarrier.arrive $0xFFFF  }
0xaf: {  	_ =	strace $0x9000004D  }
0xb0: {  	s0 =	stileid.u32;
	[bflag:$0x2] =	sbarrier.arrive $0xFFFF  }
0xb1: {  	p0 =	sne.s32 s0, $0x0;
	s0 =	rddreg [dreg:$0x3]  }
0xb2: {  	s0 =	sadd.s32 @!p0 $0x100000, s0  }
0xb3: {  	[sflag:s0] =	ssyncadd.tile.s32 @!p0 $0x1;
	_ =	shalt  }
.Lfunc_end2:
_tile_overlayer_lowered:
.L_overlay_start_2:
0xb4: {  	(tag) =	ssettag $0x2  }
0xb5: {  	s0 =	rddreg [dreg:$0x0];
	s2 =	stileid.u32  }
0xb6: {  	s1 =	rddreg [dreg:$0x1];
	p0 =	sne.s32 s2, $0x0  }
0xb7: {  	s3 =	rddreg [dreg:$0x2];
	[bflag:$0x3] =	sbarrier.arrive $0xFFFF;
	s2 =	simm.s32 @!p0 $0x1C09  }
0xb8: {  	[timem:s3], [sflag:s2] =	dma.local @!p0 [hbm:s0], s1  }
0xb9: {  	s0 =	simm.s32 @!p0 $0x9  }
0xba: {  	_ =	swait.ge @!p0 [sflag:s0], s1  }
0xbb: {  	s1 =	ssub.s32 @!p0 $0x0, s1;
	[sflag:s0] =	ssyncset.done @!p0 $0x0  }
0xbc: {  	[sflag:s0] =	ssyncadd.s32 @!p0 s1  }
0xbd: {  	[bflag:$0x3] =	sbarrier.arrive $0xFFFF  }
0xbe: {  	_ =	shalt  }

// kernel: kernel.8.cloned.1.call-start
scs
__scs_entry_jumppad:
0x0: {  	(pc) =	sbr.rel $0x88, $3  }
0x1: {  	(tag) =	ssettag $0x0;
	lr =	simm.s32 $0x1  }
0x2: {  	[smem:$0x3F9B] =	sst lr;
	_ =	strace $0xD0000000  }
0x3: {  	_ = 	snop  }
0x4: {  	_ = 	snop  }
0x5: {  	_ = 	snop  }
0x6: {  	_ = 	snop  }
0x7: {  	_ = 	snop  }
__scs_overlays_trampoline_lowered:
0x8: {  	[smem:$0x3FAA] =	sst s0  }
0x9: {  	[smem:$0x3FAB] =	sst s1  }
0xa: {  	[smem:$0x3FAC] =	sst s2  }
0xb: {  	[smem:$0x3FAD] =	sst s3  }
0xc: {  	[smem:$0x3FAE] =	sst s4  }
0xd: {  	[smem:$0x3FAF] =	sst s5  }
0xe: {  	[smem:$0x3FB0] =	sst s6  }
0xf: {  	[smem:$0x3FB1] =	sst s7  }
0x10: {  	[smem:$0x3FB2] =	sst s8  }
0x11: {  	[smem:$0x3FB3] =	sst s9;
	s0 =	simm.s32 @!p0 $0x0  }
0x12: {  	s1 =	sld [smem:$0x3F99];
	s0 =	simm.s32 @p0 $0x1  }
0x13: {  	[smem:$0x3FB4] =	sst s0;
	s0 =	simm.s32 @!p1 $0x0  }
0x14: {  	s2 =	sld [smem:$0x3F98];
	s0 =	simm.s32 @p1 $0x1  }
0x15: {  	[smem:$0x3FB5] =	sst s0;
	s0 =	simm.s32 @!p2 $0x0  }
0x16: {  	s3 =	sld [smem:$0x3FDB];
	s0 =	simm.s32 @p2 $0x1  }
0x17: {  	s4 =	simm.s32 $0x1BF5;
	[smem:$0x3FB7] =	sst s0  }
0x18: {  	s0 =	sld [smem:$0x3F9A];
	_ =	swait.ge [sflag:s4], $0x0  }
0x19: {  	s7 =	sld [smem:$0x3F9B]  }
0x1a: {  	s8 =	sadd.s32 $0xFFFFE003, lr  }
0x1b: {  	s9 =	sadd.s32 $0xFFFFFEF7, lr;
	s5 =	simm.s32 $0xFFFFFFFF;
	p2 =	slt.u32 s8, $0xFFFFF086  }
0x1c: {  	p1 =	slt.u32 s9, $0xF7A;
	s5 =	simm.s32 @!p2 $0x0  }
0x1d: {  	s5 =	simm.s32 @p1 $0x1;
	p0 =	seq.s32 s7, s2  }
0x1e: {  	s7 =	smul.u32 @!p0 $0xF7A, s2;
	p2 =	seq.s32 @!p0 s5, $0x0  }
0x1f: {  	s9 =	smul.u32 $0xF7A, s1;
	s8 =	simm.s32 @!p0 $0x1BF5;
	p2 =	por !p2, p0  }
0x20: {  	[sflag:s8] =	ssyncset.s32 @!p0 $0xFFFFF086;
	s6 =	sadd.s32 @!p0 s3, s7;
	s7 =	simm.s32 @!p0 $0x108  }
0x21: {  	s3 =	sadd.s32 s3, s9;
	s6 =	sadd.s32 @!p0 $0x88, s6;
	s7 =	simm.s32 @p2 $0x1082  }
0x22: {  	[simem:s7], [sflag:s8] =	dma.local @!p0 [hbm:s6], $0xF7A  }
0x23: {  	s9 =	sor.u32 $0xD0000000, s2;
	s6 =	simm.s32 $0x108;
	_ =	swait.ge @!p0 [sflag:s8], $0x0  }
0x24: {  	s3 =	sadd.s32 $0x88, s3;
	s6 =	simm.s32 @!p1 $0x1082;
	[sflag:s4] =	ssyncset.s32 $0xFFFFF086  }
0x25: {  	[simem:s6], [sflag:s4] =	dma.local [hbm:s3], $0xF7A  }
0x26: {  	[smem:$0x3F9B] =	sst s1;
	(tag) =	ssettag s2;
	_ =	strace s9  }
0x27: {  	s1 =	sld [smem:$0x3FAB]  }
0x28: {  	s2 =	sld [smem:$0x3FAC]  }
0x29: {  	s4 =	sld [smem:$0x3FAE]  }
0x2a: {  	p0 =	seq.s32 s5, $0x0;
	s5 =	sld [smem:$0x3FAF]  }
0x2b: {  	s6 =	sld [smem:$0x3FB0]  }
0x2c: {  	s7 =	sld [smem:$0x3FB1]  }
0x2d: {  	s3 =	simm.s32 $0x108;
	s8 =	sld [smem:$0x3FB2]  }
0x2e: {  	s3 =	simm.s32 @!p0 $0x1082;
	s9 =	sld [smem:$0x3FB3]  }
0x2f: {  	lr =	sadd.s32 s0, s3;
	s0 =	sld [smem:$0x3FAA]  }
0x30: {  	s3 =	sld [smem:$0x3FAD]  }
0x31: {  	[smem:$0x3FB6] =	sst s10  }
0x32: {  	s10 =	sld [smem:$0x3FB4];
	_ =	sdelay $0x3  }
0x33: {  	p0 =	seq.s32 s10, $0x1;
	s10 =	sld [smem:$0x3FB6];
	_ =	sdelay $0x3  }
0x34: {  	[smem:$0x3FB6] =	sst s10  }
0x35: {  	s10 =	sld [smem:$0x3FB5];
	_ =	sdelay $0x3  }
0x36: {  	p1 =	seq.s32 s10, $0x1;
	s10 =	sld [smem:$0x3FB6];
	_ =	sdelay $0x3  }
0x37: {  	[smem:$0x3FB6] =	sst s10  }
0x38: {  	s10 =	sld [smem:$0x3FB7]  }
0x39: {  	_ = 	snop;
	(pc) =	sbr.ind lr, $3  }
0x3a: {  	_ = 	snop  }
0x3b: {  	_ = 	snop  }
0x3c: {  	p2 =	seq.s32 s10, $0x1;
	s10 =	sld [smem:$0x3FB6]  }
0x3d: {  	_ =	shalt  }
0x3e: {  	_ =	shalt  }
0x3f: {  	_ =	shalt  }
0x40: {  	_ =	shalt  }
0x41: {  	_ =	shalt  }
0x42: {  	_ =	shalt  }
0x43: {  	_ =	shalt  }
0x44: {  	_ =	shalt  }
0x45: {  	_ =	shalt  }
0x46: {  	_ =	shalt  }
0x47: {  	_ =	shalt  }
0x48: {  	_ =	shalt  }
0x49: {  	_ =	shalt  }
0x4a: {  	_ =	shalt  }
0x4b: {  	_ =	shalt  }
0x4c: {  	_ =	shalt  }
0x4d: {  	_ =	shalt  }
0x4e: {  	_ =	shalt  }
0x4f: {  	_ =	shalt  }
0x50: {  	_ =	shalt  }
0x51: {  	_ =	shalt  }
0x52: {  	_ =	shalt  }
0x53: {  	_ =	shalt  }
0x54: {  	_ =	shalt  }
0x55: {  	_ =	shalt  }
0x56: {  	_ =	shalt  }
0x57: {  	_ =	shalt  }
0x58: {  	_ =	shalt  }
0x59: {  	_ =	shalt  }
0x5a: {  	_ =	shalt  }
0x5b: {  	_ =	shalt  }
0x5c: {  	_ =	shalt  }
0x5d: {  	_ =	shalt  }
0x5e: {  	_ =	shalt  }
0x5f: {  	_ =	shalt  }
0x60: {  	_ =	shalt  }
0x61: {  	_ =	shalt  }
0x62: {  	_ =	shalt  }
0x63: {  	_ =	shalt  }
0x64: {  	_ =	shalt  }
0x65: {  	_ =	shalt  }
0x66: {  	_ =	shalt  }
0x67: {  	_ =	shalt  }
0x68: {  	_ =	shalt  }
0x69: {  	_ =	shalt  }
0x6a: {  	_ =	shalt  }
0x6b: {  	_ =	shalt  }
0x6c: {  	_ =	shalt  }
0x6d: {  	_ =	shalt  }
0x6e: {  	_ =	shalt  }
0x6f: {  	_ =	shalt  }
0x70: {  	_ =	shalt  }
0x71: {  	_ =	shalt  }
0x72: {  	_ =	shalt  }
0x73: {  	_ =	shalt  }
0x74: {  	_ =	shalt  }
0x75: {  	_ =	shalt  }
0x76: {  	_ =	shalt  }
0x77: {  	_ =	shalt  }
0x78: {  	_ =	shalt  }
0x79: {  	_ =	shalt  }
0x7a: {  	_ =	shalt  }
0x7b: {  	_ =	shalt  }
0x7c: {  	_ =	shalt  }
0x7d: {  	_ =	shalt  }
0x7e: {  	_ =	shalt  }
0x7f: {  	_ =	shalt  }
0x80: {  	_ =	shalt  }
0x81: {  	_ =	shalt  }
0x82: {  	_ =	shalt  }
0x83: {  	_ =	shalt  }
0x84: {  	_ =	shalt  }
0x85: {  	_ =	shalt  }
0x86: {  	_ =	shalt  }
0x87: {  	_ =	shalt  }
.Lfunc_end0:
.L_simem_size_0:
called_computation_lowered:
.L_overlay_start_0:
0x88: {  	s2 =	sld [smem:$0x3FD9]  }
0x89: {  	s3 =	sld [smem:$0x3FFE];
	_ =	sdelay $0x1  }
0x8a: {  	s1 =	srdreg.scid  }
0x8b: {  	s0 =	sand.u32 $0x1, s1  }
0x8c: {  	s17 =	sshll.u32 s0, $0xA;
	s2 =	sadd.s32 s3, s2  }
0x8d: {  	s2 =	sadd.s32 s2, s17  }
0x8e: {  	[smem:$0x3FC2] =	sst s2  }
0x8f: {  	_ = 	snop  }
0x90: {  	s2 =	sld [smem:$0x3FD0];
	(tm) =	ssettm $0x1  }
0x91: {  	s18 =	sld [smem:$0x3FFB];
	_ =	sdelay $0x3  }
0x92: {  	_ =	strace s18  }
0x93: {  	s3 =	sld [smem:$0x3FFC];
	_ =	sdelay $0x3  }
0x94: {  	_ =	strace s3  }
0x95: {  	s3 =	sld [smem:$0x3FFD];
	_ =	sdelay $0x3  }
0x96: {  	_ =	strace s3  }
0x97: {  	_ =	strace $0x8FFFFFFF  }
0x98: {  	s19 =	sld [smem:$0x3FDB];
	_ =	sdelay $0x1  }
0x99: {  	s4 =	simm.s32 $_scs_section_size  }
0x9a: {  	s5 =	simm.s32 $_size__tile_overlayer_lowered;
	s6 =	simm.s32 $_tile_overlayer_lowered  }
0x9b: {  	s22 =	simm.s32 $0x1BFF;
	s21 =	sshll.u32 s6, $0x1;
	s3 =	sadd.s32 s4, s19  }
0x9c: {  	s7 =	simm.s32 $0x0;
	s20 =	sshll.u32 s5, $0x1;
	s5 =	sadd.s32 s21, s3  }
0x9d: {  	[timem:s7], [sflag:s22] =	dma.local [hbm:s5], s20  }
0x9e: {  	_ =	swait.ge [sflag:s22], s20  }
0x9f: {  	s4 =	ssub.s32 $0x0, s20;
	[sflag:s22] =	ssyncset.done $0x0  }
0xa0: {  	[sflag:s22] =	ssyncadd.s32 s4;
	_ =	sdelay $0x1  }
0xa1: {  	s23 =	simm.s32 $0x1B8B  }
0xa2: {  	_ =	swait.ge [sflag:s23], $0x1  }
0xa3: {  	[sflag:s23] =	ssyncset.done $0x0  }
0xa4: {  	s25 =	simm.s32 $0x1B8E;
	s24 =	sld [smem:$0x3FFE];
	[sflag:s23] =	ssyncadd.s32 $0xFFFFFFFF  }
0xa5: {  	s26 =	simm.s32 $execute0_lowered;
	[smem:$0x3FD2] =	sst s25  }
0xa6: {  	s5 =	sshll.u32 s26, $0x1;
	_ =	strace $0x80000046;
	[dreg:$0x1] =	wrdreg $0xFFFFFFFF  }
0xa7: {  	s28 =	simm.s32 $_size_execute0_lowered;
	s3 =	sadd.s32 s3, s5;
	[dreg:$0x0] =	wrdreg $0x0  }
0xa8: {  	s5 =	sshll.u32 s28, $0x1;
	[dreg:$0x2] =	wrdreg s3  }
0xa9: {  	[dreg:$0x3] =	wrdreg s5  }
0xaa: {  	[dreg:$0x4] =	wrdreg $0xC0  }
0xab: {  	_ =	task [dreg:s7], $0x5FFFF  }
0xac: {  	[dreg:$0x1] =	wrdreg $0xFFFFFFFF  }
0xad: {  	[dreg:$0x0] =	wrdreg $0x60  }
0xae: {  	[dreg:$0x2] =	wrdreg s2  }
0xaf: {  	[dreg:$0x3] =	wrdreg s24  }
0xb0: {  	[dreg:$0x4] =	wrdreg $0x98000  }
0xb1: {  	[dreg:$0x5] =	wrdreg $0x9  }
0xb2: {  	_ =	task.clear_ibuf [dreg:s7], $0x6FFFF;
	_ =	strace $0x90000046  }
0xb3: {  	s29 =	simm.s32 $0x9;
	_ =	strace $0x80000048  }
0xb4: {  	_ =	swait.ge [sflag:s29], $0x1  }
0xb5: {  	[sflag:s29] =	ssyncadd.s32 $0xFFFFFFFF  }
0xb6: {  	_ =	strace $0x90000048  }
0xb7: {  	_ =	sfence  }
0xb8: {  	s30 =	sld [smem:$0x0];
	_ =	sdelay $0x2  }
0xb9: {  	s31 =	sshll.u32 s1, $0xD;
	s1 =	sshrl.u32 s1, $0x2  }
0xba: {  	s3 =	sand.u32 $0x4000, s31;
	s1 =	sadd.s32 s1, s30  }
0xbb: {  	s0 =	sor.u32 s3, s0;
	s1 =	sshll.u32 s1, $0x11  }
0xbc: {  	s0 =	sor.u32 s1, s0  }
0xbd: {  	s0 =	sadd.s32 $0x8F2B, s0  }
0xbe: {  	[sflag:s0] =	ssyncadd.remote.s32 $0x1  }
0xbf: {  	_ =	sfence.sel $0xFFFF  }
0xc0: {  	[dreg:$0x0] =	wrdreg $0xFFFFFFFF;
	(pc) =	sbr.abs _section_cstart, $3  }
0xc1: {  	[dreg:$0x1] =	wrdreg $0xFFFFFFFF  }
0xc2: {  	_ =	task.clear_ibuf [dreg:s7], $0x2FFFF;
	_ =	strace $0x9FFFFFFF  }
0xc3: {  	(tm) =	ssettm $0x7FFFFFFF  }
tec
execute0_lowered:
.L_overlay_start_1:
0x0: {  	(tag) =	ssettag $0x1  }
0x1: {  	s2 =	rddreg [dreg:$0x0]  }
0x2: {  	s0 =	rddreg [dreg:$0x1]  }
0x3: {  	s3 =	rddreg [dreg:$0x2];
	s11 =	stileid.u32;
	s16 =	simm.s32 $0x0  }
0x4: {  	s1 =	srdreg.scid;
	s15 =	simm.s32 $0x9;
	s17 =	simm.s32 $0x32  }
0x5: {  	s18 =	simm.s32 $0x2800;
	s20 =	simm.s32 $0x4400;
	s28 =	simm.s32 $0x3  }
0x6: {  	s29 =	simm.s32 $0x4;
	s30 =	simm.s32 $0x5;
	s31 =	simm.s32 $0x6  }
0x7: {  	s12 =	simm.s32 $0x2680;
	s13 =	simm.s32 $0x2700;
	s4 =	smul.u32 $0x50, s11  }
0x8: {  	[smem:$0x7FF] =	sst s16;
	s1 =	sand.u32 $0x1, s1;
	s10 =	smul.u32 $0xA000, s11  }
0x9: {  	s7 =	sadd.s32 $0x2200, s0;
	s23 =	smul.u32 $0x500, s11;
	s26 =	sshll.u32 s11, $0x6  }
0xa: {  	s9 =	smul.u32 $0x27100, s1;
	s5 =	sshll.u32 s1, $0x4;
	_ =	strace $0x80000047  }
0xb: {  	s1 =	ssub.s32 $0x2, s1;
	s14 =	sor.u32 $0x1C09, s26;
	s26 =	simm.s32 $0x2  }
0xc: {  	s4 =	ssub.s32 $0x2C00, s4;
	s6 =	sor.u32 s11, s5;
	s5 =	sadd.s32 $0xEA00, s0  }
0xd: {  	s8 =	sshrl.u32 s1, $0x1;
	s22 =	sshrl.u32 s10, $0x2;
	s4 =	smul.u32 $0xCCD, s4  }
0xe: {  	s10 =	simm.s32 $0x2600;
	s6 =	smul.u32 $0x5, s6;
	s0 =	sadd.s32 s9, s0  }
0xf: {  	s1 =	ssub.s32 s1, s8;
	s8 =	smul.u32 $0x5, s11;
	s24 =	sadd.s32 s22, s3  }
0x10: {  	s25 =	sadd.s32 s9, s2;
	s22 =	simm.s32 $0x6000;
	s9 =	simm.s32 $0x2780  }
0x11: {  	s1 =	smax.u32 s1, $0x1;
	[dreg:$0x7] =	wrdreg s24;
	s0 =	sadd.s32 s23, s0  }
0x12: {  	s24 =	simm.s32 $0x7C00;
	[dreg:$0x6] =	wrdreg s1;
	s1 =	sadd.s32 s23, s25  }
0x13: {  	s21 =	sshrl.u32 s4, $0x16;
	s0 =	sadd.s32 $0x27A00, s0;
	[dreg:$0x8] =	wrdreg s1  }
0x14: {  	s23 =	simm.s32 $0x180;
	s25 =	simm.s32 $0x1;
	[dreg:$0x9] =	wrdreg s0  }
0x15: {  	s0 =	simm.s32 $0x7;
	s1 =	simm.s32 $0x8;
	[dreg:$0x5] =	wrdreg s21  }
.LBB2_1:
0x16: {  	[dreg:$0x4] =	wrdreg s16  }
0x17: {  	s11 =	rddreg [dreg:$0x7];
	p0 =	sne.s32 s21, $0x1  }
.Ltmp0:
0x18: {  	s16 =	rddreg [dreg:$0x8];
	s4 =	sshrl.u32 s11, $0x3;
	(pc) =	sbr.rel @!p0 .LBB2_3-.Ltmp0, $4  }
0x19: {  	[dreg:$0xa] =	wrdreg s4  }
0x1a: {  	[spmem:s4], [sflag:s14] =	dma.local [hbm:s16], $0x500  }
0x1b: {  	_ =	swait.ge [sflag:s15], $0x500  }
0x1c: {  	s11 =	sadd.s32 $0x28000, s11;
	s4 =	sadd.s32 $0xFFFFFFFF, s21;
	[sflag:s15] =	ssyncset.done $0x0  }
.LBB2_2:
0x1d: {  	s19 =	sshrl.u32 s11, $0x3  }
0x1e: {  	[sflag:s15] =	ssyncadd.s32 $0xFFFFFB00;
	s16 =	sadd.s32 $0x5000, s16;
	p1 =	sne.s32 s4, $0x1  }
0x1f: {  	[spmem:s19], [sflag:s14] =	dma.local [hbm:s16], $0x500  }
.Ltmp1:
0x20: {  	_ = 	snop;
	(pc) =	sbr.rel @p1 .LBB2_2-.Ltmp1, $4  }
0x21: {  	_ = 	snop  }
0x22: {  	s4 =	sadd.s32 $0xFFFFFFFF, s4  }
0x23: {  	_ =	swait.ge [sflag:s15], $0x500  }
0x24: {  	s11 =	sadd.s32 $0x28000, s11;
	[sflag:s15] =	ssyncset.done $0x0  }
.LBB2_3:
0x25: {  	[sflag:s15] =	ssyncadd.s32 $0xFFFFFB00  }
0x26: {  	s11 =	simm.s32 $0x0;
	s4 =	simm.s32 $0x0;
	[bflag:$0x0] =	sbarrier.arrive $0xFFFF  }
.LBB2_4:
0x27: {  	s16 =	sadd.s32 s6, s4  }
0x28: {  	s16 =	smul.u32 $0x280, s16;
	_ =	sdelay $0x1  }
0x29: {  	s19 =	sadd.s32 s8, s4;
	s16 =	sadd.s32 s5, s16  }
0x2a: {  	[tilespmem:s11], [sflag:$0x9] =	stream.linear.gather [hbm4b:s16+s11], $0x1400, $0x38;
	[tilespmem:$0x1D080] =	vst v63  }
0x2b: {  	s16 =	smul.u32 $0x280, s19;
	_ =	swait.ge [sflag:s15], $0x1400  }
0x2c: {  	[sflag:s15] =	ssyncset.done $0x0  }
0x2d: {  	s19 =	simm.s32 $0x1400;
	s16 =	sadd.s32 s7, s16;
	[sflag:s15] =	ssyncadd.s32 $0xFFFFEC00  }
0x2e: {  	[tilespmem:s19], [sflag:$0x9] =	stream.linear.gather [hbm4b:s16+s11], $0x1400, $0x38;
	[tilespmem:$0x1D080] =	vst v63  }
0x2f: {  	_ =	swait.ge [sflag:s15], $0x1400  }
0x30: {  	[sflag:s15] =	ssyncset.done $0x0  }
0x31: {  	[sflag:s15] =	ssyncadd.s32 $0xFFFFEC00  }
0x32: {  	[tilespmem:s18], [sflag:$0x1] =	stream.indirect.gather [hbm4b:s2+s17], $0x80, s11, s17, $0xb8;
	[tilespmem:$0x1D080] =	vst v63  }
0x33: {  	s21 =	simm.s32 $0x80  }
0x34: {  	[tilespmem:s20], [sflag:$0x2] =	stream.indirect.gather [hbm4b:s2+s17], $0x80, s21, s17, $0xb8;
	[tilespmem:$0x1D080] =	vst v63  }
0x35: {  	s19 =	simm.s32 $0x100  }
0x36: {  	[tilespmem:s22], [sflag:$0x3] =	stream.indirect.gather [hbm4b:s2+s17], $0x80, s19, s17, $0xb8;
	[tilespmem:$0x1D080] =	vst v63  }
0x37: {  	_ = 	snop  }
0x38: {  	[tilespmem:s24], [sflag:$0x4] =	stream.indirect.gather [hbm4b:s2+s17], $0x80, s23, s17, $0xb8;
	[tilespmem:$0x1D080] =	vst v63  }
0x39: {  	_ =	swait.ge [sflag:s25], $0x1900  }
0x3a: {  	[sflag:s25] =	ssyncset.done $0x0  }
0x3b: {  	s21 =	simm.s32 $0x1400;
	[sflag:s25] =	ssyncadd.s32 $0xFFFFE700  }
0x3c: {  	[spmem:s3] =	stream.indirect.scatter.add.f32 [tilespmem:s18], [sflag:$0x5], $0x80, s21, s17, $0xb8;
	[tilespmem:$0x1D080] =	vst v63  }
0x3d: {  	_ =	swait.ge [sflag:s26], $0x1900  }
0x3e: {  	[sflag:s26] =	ssyncset.done $0x0  }
0x3f: {  	s19 =	simm.s32 $0x1480;
	[sflag:s26] =	ssyncadd.s32 $0xFFFFE700  }
0x40: {  	[spmem:s3] =	stream.indirect.scatter.add.f32 [tilespmem:s20], [sflag:$0x6], $0x80, s19, s17, $0xb8;
	[tilespmem:$0x1D080] =	vst v63  }
0x41: {  	_ =	swait.ge [sflag:s28], $0x1900  }
0x42: {  	[sflag:s28] =	ssyncset.done $0x0  }
0x43: {  	s21 =	simm.s32 $0x1500;
	[sflag:s28] =	ssyncadd.s32 $0xFFFFE700  }
0x44: {  	[spmem:s3] =	stream.indirect.scatter.add.f32 [tilespmem:s22], [sflag:$0x7], $0x80, s21, s17, $0xb8;
	[tilespmem:$0x1D080] =	vst v63  }
0x45: {  	_ =	swait.ge [sflag:s29], $0x1900  }
0x46: {  	[sflag:s29] =	ssyncset.done $0x0  }
0x47: {  	s19 =	simm.s32 $0x1580;
	[sflag:s29] =	ssyncadd.s32 $0xFFFFE700  }
0x48: {  	[spmem:s3] =	stream.indirect.scatter.add.f32 [tilespmem:s24], [sflag:$0x8], $0x80, s19, s17, $0xb8;
	[tilespmem:$0x1D080] =	vst v63  }
0x49: {  	_ =	swait.ge [sflag:s30], $0x1900  }
0x4a: {  	[sflag:s30] =	ssyncset.done $0x0  }
0x4b: {  	s21 =	simm.s32 $0x200;
	[sflag:s30] =	ssyncadd.s32 $0xFFFFE700  }
0x4c: {  	[tilespmem:s18], [sflag:$0x1] =	stream.indirect.gather [hbm4b:s2+s17], $0x80, s21, s17, $0xb8;
	[tilespmem:$0x1D080] =	vst v63  }
0x4d: {  	_ =	swait.ge [sflag:s31], $0x1900  }
0x4e: {  	[sflag:s31] =	ssyncset.done $0x0  }
0x4f: {  	s19 =	simm.s32 $0x280;
	[sflag:s31] =	ssyncadd.s32 $0xFFFFE700  }
0x50: {  	[tilespmem:s20], [sflag:$0x2] =	stream.indirect.gather [hbm4b:s2+s17], $0x80, s19, s17, $0xb8;
	[tilespmem:$0x1D080] =	vst v63  }
0x51: {  	_ =	swait.ge [sflag:s0], $0x1900  }
0x52: {  	[sflag:s0] =	ssyncset.done $0x0  }
0x53: {  	s21 =	simm.s32 $0x300;
	[sflag:s0] =	ssyncadd.s32 $0xFFFFE700  }
0x54: {  	[tilespmem:s22], [sflag:$0x3] =	stream.indirect.gather [hbm4b:s2+s17], $0x80, s21, s17, $0xb8;
	[tilespmem:$0x1D080] =	vst v63  }
0x55: {  	_ =	swait.ge [sflag:s1], $0x1900  }
0x56: {  	[sflag:s1] =	ssyncset.done $0x0  }
0x57: {  	s16 =	simm.s32 $0x800;
	s19 =	simm.s32 $0x380;
	[sflag:s1] =	ssyncadd.s32 $0xFFFFE700  }
.LBB2_5:
0x58: {  	[tilespmem:s24], [sflag:$0x4] =	stream.indirect.gather [hbm4b:s2+s17], $0x80, s19, s17, $0xb8;
	[tilespmem:$0x1D080] =	vst v63  }
0x59: {  	s19 =	smov.u32 s16  }
0x5a: {  	p1 =	sne.s32 s16, $0x4000;
	s16 =	sadd.s32 $0x800, s16;
	_ =	swait.ge [sflag:s25], $0x1900  }
0x5b: {  	s19 =	sshra.s32 s19, $0x2;
	[sflag:s25] =	ssyncset.done $0x0  }
0x5c: {  	s21 =	sadd.s32 $0x1400, s19;
	[sflag:s25] =	ssyncadd.s32 $0xFFFFE700  }
0x5d: {  	[spmem:s3] =	stream.indirect.scatter.add.f32 [tilespmem:s18], [sflag:$0x5], $0x80, s21, s17, $0xb8;
	[tilespmem:$0x1D080] =	vst v63  }
0x5e: {  	_ =	swait.ge [sflag:s26], $0x1900  }
0x5f: {  	[sflag:s26] =	ssyncset.done $0x0  }
0x60: {  	s21 =	sadd.s32 $0x1480, s19;
	[sflag:s26] =	ssyncadd.s32 $0xFFFFE700  }
0x61: {  	[spmem:s3] =	stream.indirect.scatter.add.f32 [tilespmem:s20], [sflag:$0x6], $0x80, s21, s17, $0xb8;
	[tilespmem:$0x1D080] =	vst v63  }
0x62: {  	_ =	swait.ge [sflag:s28], $0x1900  }
0x63: {  	[sflag:s28] =	ssyncset.done $0x0  }
0x64: {  	s21 =	sadd.s32 $0x1500, s19;
	[sflag:s28] =	ssyncadd.s32 $0xFFFFE700  }
0x65: {  	[spmem:s3] =	stream.indirect.scatter.add.f32 [tilespmem:s22], [sflag:$0x7], $0x80, s21, s17, $0xb8;
	[tilespmem:$0x1D080] =	vst v63  }
0x66: {  	_ =	swait.ge [sflag:s29], $0x1900  }
0x67: {  	[sflag:s29] =	ssyncset.done $0x0  }
0x68: {  	s21 =	sadd.s32 $0x1580, s19;
	[sflag:s29] =	ssyncadd.s32 $0xFFFFE700  }
0x69: {  	[spmem:s3] =	stream.indirect.scatter.add.f32 [tilespmem:s24], [sflag:$0x8], $0x80, s21, s17, $0xb8;
	[tilespmem:$0x1D080] =	vst v63  }
0x6a: {  	_ =	swait.ge [sflag:s30], $0x1900  }
0x6b: {  	[sflag:s30] =	ssyncset.done $0x0  }
0x6c: {  	s21 =	sadd.s32 $0x200, s19;
	[sflag:s30] =	ssyncadd.s32 $0xFFFFE700  }
0x6d: {  	[tilespmem:s18], [sflag:$0x1] =	stream.indirect.gather [hbm4b:s2+s17], $0x80, s21, s17, $0xb8;
	[tilespmem:$0x1D080] =	vst v63  }
0x6e: {  	_ =	swait.ge [sflag:s31], $0x1900  }
0x6f: {  	[sflag:s31] =	ssyncset.done $0x0  }
0x70: {  	s21 =	sadd.s32 $0x280, s19;
	[sflag:s31] =	ssyncadd.s32 $0xFFFFE700  }
0x71: {  	[tilespmem:s20], [sflag:$0x2] =	stream.indirect.gather [hbm4b:s2+s17], $0x80, s21, s17, $0xb8;
	[tilespmem:$0x1D080] =	vst v63  }
0x72: {  	_ =	swait.ge [sflag:s0], $0x1900  }
0x73: {  	[sflag:s0] =	ssyncset.done $0x0  }
.Ltmp2:
0x74: {  	s21 =	sadd.s32 $0x300, s19;
	[sflag:s0] =	ssyncadd.s32 $0xFFFFE700;
	(pc) =	sbr.rel @p1 .LBB2_5-.Ltmp2, $4  }
0x75: {  	[tilespmem:s22], [sflag:$0x3] =	stream.indirect.gather [hbm4b:s2+s17], $0x80, s21, s17, $0xb8;
	[tilespmem:$0x1D080] =	vst v63  }
0x76: {  	_ =	swait.ge [sflag:s1], $0x1900  }
0x77: {  	[sflag:s1] =	ssyncset.done $0x0  }
0x78: {  	s19 =	sadd.s32 $0x380, s19;
	[sflag:s1] =	ssyncadd.s32 $0xFFFFE700  }
0x79: {  	[tilespmem:s24], [sflag:$0x4] =	stream.indirect.gather [hbm4b:s2+s17], $0x80, s19, s17, $0xb8;
	[tilespmem:$0x1D080] =	vst v63  }
0x7a: {  	_ =	swait.ge [sflag:s25], $0x1900  }
0x7b: {  	[sflag:s25] =	ssyncset.done $0x0  }
0x7c: {  	[sflag:s25] =	ssyncadd.s32 $0xFFFFE700  }
0x7d: {  	[spmem:s3] =	stream.indirect.scatter.add.f32 [tilespmem:s18], [sflag:$0x5], $0x80, s10, s17, $0xb8;
	[tilespmem:$0x1D080] =	vst v63  }
0x7e: {  	_ =	swait.ge [sflag:s26], $0x1900  }
0x7f: {  	[sflag:s26] =	ssyncset.done $0x0  }
0x80: {  	[sflag:s26] =	ssyncadd.s32 $0xFFFFE700  }
0x81: {  	[spmem:s3] =	stream.indirect.scatter.add.f32 [tilespmem:s20], [sflag:$0x6], $0x80, s12, s17, $0xb8;
	[tilespmem:$0x1D080] =	vst v63  }
0x82: {  	_ =	swait.ge [sflag:s28], $0x1900  }
0x83: {  	[sflag:s28] =	ssyncset.done $0x0  }
0x84: {  	[sflag:s28] =	ssyncadd.s32 $0xFFFFE700  }
0x85: {  	[spmem:s3] =	stream.indirect.scatter.add.f32 [tilespmem:s22], [sflag:$0x7], $0x80, s13, s17, $0xb8;
	[tilespmem:$0x1D080] =	vst v63  }
0x86: {  	_ =	swait.ge [sflag:s29], $0x1900  }
0x87: {  	[sflag:s29] =	ssyncset.done $0x0  }
0x88: {  	[sflag:s29] =	ssyncadd.s32 $0xFFFFE700  }
0x89: {  	[spmem:s3] =	stream.indirect.scatter.add.f32 [tilespmem:s24], [sflag:$0x8], $0x80, s9, s17, $0xb8;
	[tilespmem:$0x1D080] =	vst v63  }
0x8a: {  	_ =	swait.ge [sflag:s30], $0x1900  }
0x8b: {  	[sflag:s30] =	ssyncset.done $0x0  }
0x8c: {  	[sflag:s30] =	ssyncadd.s32 $0xFFFFE700  }
0x8d: {  	_ =	swait.ge [sflag:s31], $0x1900  }
0x8e: {  	[sflag:s31] =	ssyncset.done $0x0  }
0x8f: {  	s4 =	sadd.s32 $0x1, s4;
	[sflag:s31] =	ssyncadd.s32 $0xFFFFE700  }
0x90: {  	p1 =	sne.s32 s4, $0x5;
	_ =	swait.ge [sflag:s0], $0x1900  }
.Ltmp3:
0x91: {  	[sflag:s0] =	ssyncset.done $0x0;
	(pc) =	sbr.rel @p1 .LBB2_4-.Ltmp3, $4  }
0x92: {  	[sflag:s0] =	ssyncadd.s32 $0xFFFFE700  }
0x93: {  	_ =	swait.ge [sflag:s1], $0x1900  }
0x94: {  	[sflag:s1] =	ssyncset.done $0x0  }
0x95: {  	[sflag:s1] =	ssyncadd.s32 $0xFFFFE700  }
0x96: {  	[bflag:$0x0] =	sbarrier.arrive $0xFFFF  }
0x97: {  	s16 =	rddreg [dreg:$0x9]  }
0x98: {  	s4 =	rddreg [dreg:$0xa]  }
0x99: {  	[hbm:s16], [sflag:s14] =	dma.local [spmem:s4], $0x500  }
.Ltmp4:
0x9a: {  	_ = 	snop;
	(pc) =	sbr.rel @!p0 .LBB2_9-.Ltmp4, $4  }
0x9b: {  	_ =	swait.ge [sflag:s15], $0x500  }
0x9c: {  	s21 =	rddreg [dreg:$0x5]  }
0x9d: {  	s11 =	rddreg [dreg:$0x7]  }
0x9e: {  	[sflag:s15] =	ssyncset.done $0x0;
	s4 =	sadd.s32 $0xFFFFFFFF, s21;
	s11 =	sadd.s32 $0x28000, s11  }
.LBB2_8:
0x9f: {  	s19 =	sshrl.u32 s11, $0x3  }
0xa0: {  	[sflag:s15] =	ssyncadd.s32 $0xFFFFFB00;
	s16 =	sadd.s32 $0x5000, s16;
	p0 =	sne.s32 s4, $0x1  }
0xa1: {  	[hbm:s16], [sflag:s14] =	dma.local [spmem:s19], $0x500  }
.Ltmp5:
0xa2: {  	_ = 	snop;
	(pc) =	sbr.rel @p0 .LBB2_8-.Ltmp5, $4  }
0xa3: {  	_ = 	snop  }
0xa4: {  	s4 =	sadd.s32 $0xFFFFFFFF, s4  }
0xa5: {  	_ =	swait.ge [sflag:s15], $0x500  }
0xa6: {  	s11 =	sadd.s32 $0x28000, s11;
	[sflag:s15] =	ssyncset.done $0x0  }
.LBB2_9:
0xa7: {  	s16 =	rddreg [dreg:$0x4]  }
0xa8: {  	s4 =	rddreg [dreg:$0x6];
	s16 =	sadd.s32 $0x1, s16  }
0xa9: {  	p0 =	sne.s32 s16, s4  }
.Ltmp6:
0xaa: {  	_ = 	snop;
	(pc) =	sbr.rel @p0 .LBB2_1-.Ltmp6, $2  }
0xab: {  	_ =	sdelay $0x2  }
0xac: {  	[sflag:s15] =	ssyncadd.s32 $0xFFFFFB00  }
0xad: {  	_ =	sfence.sel $0x180000  }
0xae: {  	[bflag:$0x0] =	sbarrier.arrive $0xFFFF  }
0xaf: {  	_ =	strace $0x90000047  }
0xb0: {  	s0 =	stileid.u32;
	[bflag:$0x2] =	sbarrier.arrive $0xFFFF  }
0xb1: {  	p0 =	sne.s32 s0, $0x0;
	s0 =	rddreg [dreg:$0x3]  }
0xb2: {  	s0 =	sadd.s32 @!p0 $0x100000, s0  }
0xb3: {  	[sflag:s0] =	ssyncadd.tile.s32 @!p0 $0x1;
	_ =	shalt  }
.Lfunc_end2:
_tile_overlayer_lowered:
.L_overlay_start_2:
0xb4: {  	(tag) =	ssettag $0x2  }
0xb5: {  	s0 =	rddreg [dreg:$0x0];
	s2 =	stileid.u32  }
0xb6: {  	s1 =	rddreg [dreg:$0x1];
	p0 =	sne.s32 s2, $0x0  }
0xb7: {  	s3 =	rddreg [dreg:$0x2];
	[bflag:$0x3] =	sbarrier.arrive $0xFFFF;
	s2 =	simm.s32 @!p0 $0x1C09  }
0xb8: {  	[timem:s3], [sflag:s2] =	dma.local @!p0 [hbm:s0], s1  }
0xb9: {  	s0 =	simm.s32 @!p0 $0x9  }
0xba: {  	_ =	swait.ge @!p0 [sflag:s0], s1  }
0xbb: {  	s1 =	ssub.s32 @!p0 $0x0, s1;
	[sflag:s0] =	ssyncset.done @!p0 $0x0  }
0xbc: {  	[sflag:s0] =	ssyncadd.s32 @!p0 s1  }
0xbd: {  	[bflag:$0x3] =	sbarrier.arrive $0xFFFF  }
0xbe: {  	_ =	shalt  }

</sc_bundles>
